<compile_context>
chip_gen: v7x
topology: tpu7x:2x2x1
jax: 0.10.2.dev20260603
libtpu: 0.0.44.dev20260713+nightly
codegen_flags: <defaults>
</compile_context>

<pallas_src>
import functools

import jax
import jax.numpy as jnp
from jax import lax
from jax.experimental import pallas as pl
from jax.experimental.pallas import tpu as pltpu
from jax.experimental.pallas import tpu_sc as plsc

_N = 10000
_E = 160000
_D = 16
_HID = 256

_NC = 2
_NS = 16
_NW = _NC * _NS
_CHUNK = 125
_CH = 40
_PER_W = _CH * _CHUNK
_NACC = _N
_ROWS_PER_TILE_Z = _NACC // _NS
_ROWS_PER_TILE_O = _N // _NS

_SC_PARAMS = dict(compiler_params=pltpu.CompilerParams(
    use_tc_tiling_on_sc=False))


@functools.lru_cache(maxsize=None)
def _get_mesh():
    return plsc.VectorSubcoreMesh(core_axis_name="c", subcore_axis_name="s",
                                  num_cores=_NC, num_subcores=_NS)


@functools.lru_cache(maxsize=None)
def _make_sc_gather():
    @functools.partial(
        pl.kernel,
        out_type=jax.ShapeDtypeStruct((_E, _D), jnp.float32),
        mesh=_get_mesh(),
        scratch_types=[
            pltpu.VMEM((_CH, _CHUNK), jnp.int32),
            pltpu.VMEM((_PER_W, _D), jnp.float32),
            pltpu.SemaphoreType.DMA,
        ],
        **_SC_PARAMS,
    )
    def k(h_hbm, src_hbm, out_hbm, idx_v, rows_v, sem):
        wid = lax.axis_index("s") * _NC + lax.axis_index("c")
        pltpu.sync_copy(src_hbm.at[wid], idx_v)

        def fire(j, _):
            pltpu.async_copy(
                h_hbm.at[idx_v.at[j]], rows_v.at[pl.ds(j * _CHUNK, _CHUNK)],
                sem)
            return 0

        lax.fori_loop(0, _CH, fire, 0)

        def drain(j, _):
            pltpu.make_async_copy(
                h_hbm.at[idx_v.at[j]], rows_v.at[pl.ds(j * _CHUNK, _CHUNK)],
                sem).wait()
            return 0

        lax.fori_loop(0, _CH, drain, 0)
        pltpu.sync_copy(rows_v, out_hbm.at[pl.ds(wid * _PER_W, _PER_W)])

    return k


def _sc_gather(h, src3):
    return _make_sc_gather()(h, src3)


@functools.lru_cache(maxsize=None)
def _make_sc_scatter():
    scratch = [
        pltpu.VMEM((_CH, _CHUNK), jnp.int32),
        pltpu.VMEM((_PER_W, _D), jnp.float32),
        pltpu.VMEM((_CHUNK, _D), jnp.float32),
        pltpu.VMEM_SHARED((_NACC, _D), jnp.float32),
    ]

    def body(msg_hbm, dst_hbm, sums_out, idx_v, msg_v, buf_v, acc):
        cid = lax.axis_index("c")
        sid = lax.axis_index("s")
        wid = sid * _NC + cid

        def zb(i, _):
            buf_v[i, :] = jnp.zeros((_D,), jnp.float32)
            return 0

        lax.fori_loop(0, _CHUNK, zb, 0)

        def zacc(i, _):
            base = sid * _ROWS_PER_TILE_Z + i * _CHUNK
            pltpu.sync_copy(buf_v, acc.at[pl.ds(base, _CHUNK)])
            return 0

        lax.fori_loop(0, _ROWS_PER_TILE_Z // _CHUNK, zacc, 0)
        rem = _ROWS_PER_TILE_Z - (_ROWS_PER_TILE_Z // _CHUNK) * _CHUNK
        if rem:
            pltpu.sync_copy(
                buf_v.at[pl.ds(0, rem)],
                acc.at[pl.ds(sid * _ROWS_PER_TILE_Z
                             + (_ROWS_PER_TILE_Z // _CHUNK) * _CHUNK, rem)])

        plsc.subcore_barrier()

        pltpu.sync_copy(msg_hbm.at[pl.ds(wid * _PER_W, _PER_W)], msg_v)
        pltpu.sync_copy(dst_hbm.at[wid], idx_v)

        def sc(j, _):
            pltpu.sync_copy(
                msg_v.at[pl.ds(j * _CHUNK, _CHUNK)], acc.at[idx_v.at[j]],
                add=True)
            return 0

        lax.fori_loop(0, _CH, sc, 0)
        plsc.subcore_barrier()

        base = sid * _ROWS_PER_TILE_O
        pltpu.sync_copy(acc.at[pl.ds(base, _ROWS_PER_TILE_O)],
                        sums_out.at[cid, pl.ds(base, _ROWS_PER_TILE_O)])

    return pl.kernel(
        body,
        out_type=jax.ShapeDtypeStruct((_NC, _N, _D), jnp.float32),
        mesh=_get_mesh(),
        scratch_types=scratch,
        **_SC_PARAMS,
    )


def _sc_scatter(msg, dst3):
    return _make_sc_scatter()(msg, dst3)


@functools.lru_cache(maxsize=None)
def _make_sc_count():
    scratch = [
        pltpu.VMEM((_CH, _CHUNK), jnp.int32),
        pltpu.VMEM((_CHUNK, _D), jnp.float32),
        pltpu.VMEM_SHARED((_NACC, _D), jnp.float32),
    ]

    def body(dst_hbm, cnt_out, idx_v, buf_v, acc):
        cid = lax.axis_index("c")
        sid = lax.axis_index("s")
        wid = sid * _NC + cid

        def zb(i, _):
            buf_v[i, :] = jnp.zeros((_D,), jnp.float32)
            return 0

        lax.fori_loop(0, _CHUNK, zb, 0)

        def zacc(i, _):
            base = sid * _ROWS_PER_TILE_Z + i * _CHUNK
            pltpu.sync_copy(buf_v, acc.at[pl.ds(base, _CHUNK)])
            return 0

        lax.fori_loop(0, _ROWS_PER_TILE_Z // _CHUNK, zacc, 0)
        rem = _ROWS_PER_TILE_Z - (_ROWS_PER_TILE_Z // _CHUNK) * _CHUNK
        if rem:
            pltpu.sync_copy(
                buf_v.at[pl.ds(0, rem)],
                acc.at[pl.ds(sid * _ROWS_PER_TILE_Z
                             + (_ROWS_PER_TILE_Z // _CHUNK) * _CHUNK, rem)])

        def ob(i, _):
            buf_v[i, :] = jnp.full((_D,), 1.0, jnp.float32)
            return 0

        lax.fori_loop(0, _CHUNK, ob, 0)
        plsc.subcore_barrier()

        pltpu.sync_copy(dst_hbm.at[wid], idx_v)

        def sc(j, _):
            pltpu.sync_copy(buf_v, acc.at[idx_v.at[j]], add=True)
            return 0

        lax.fori_loop(0, _CH, sc, 0)
        plsc.subcore_barrier()

        base = sid * _ROWS_PER_TILE_O
        pltpu.sync_copy(acc.at[pl.ds(base, _ROWS_PER_TILE_O)],
                        cnt_out.at[cid, pl.ds(base, _ROWS_PER_TILE_O)])

    return pl.kernel(
        body,
        out_type=jax.ShapeDtypeStruct((_NC, _N, _D), jnp.float32),
        mesh=_get_mesh(),
        scratch_types=scratch,
        **_SC_PARAMS,
    )


def _sc_count(dst3):
    return _make_sc_count()(dst3)


@functools.lru_cache(maxsize=None)
def _make_sc_trip_gather():
    out_type = [
        jax.ShapeDtypeStruct((2 * 200, _D), jnp.float32),
        jax.ShapeDtypeStruct((2 * 200, _D), jnp.float32),
        jax.ShapeDtypeStruct((200, _D), jnp.float32),
    ]

    @functools.partial(
        pl.kernel,
        out_type=out_type,
        mesh=_get_mesh(),
        scratch_types=[
            pltpu.VMEM((4, 128), jnp.int32),
            pltpu.VMEM((2 * 200, _D), jnp.float32),
            pltpu.VMEM((2 * 200, _D), jnp.float32),
            pltpu.VMEM((200, _D), jnp.float32),
            pltpu.SemaphoreType.DMA,
        ],
        **_SC_PARAMS,
    )
    def k(sums_hbm, cnt_hbm, h_hbm, trip_hbm, s_out, c_out, h_out,
          idx_v, s_v, c_v, h_v, sem):
        wid = lax.axis_index("s") * _NC + lax.axis_index("c")

        @pl.when(wid == 0)
        def _():
            pltpu.sync_copy(trip_hbm.at[0, pl.ds(0, 128)], idx_v.at[0])
            pltpu.sync_copy(trip_hbm.at[0, pl.ds(128, 72)],
                            idx_v.at[1, pl.ds(0, 72)])
            pltpu.sync_copy(trip_hbm.at[1, pl.ds(0, 128)], idx_v.at[2])
            pltpu.sync_copy(trip_hbm.at[1, pl.ds(128, 72)],
                            idx_v.at[3, pl.ds(0, 72)])
            for ref, dst in ((sums_hbm, s_v), (cnt_hbm, c_v)):
                pltpu.async_copy(ref.at[idx_v.at[0]],
                                 dst.at[pl.ds(0, 128)], sem)
                pltpu.async_copy(ref.at[idx_v.at[1, pl.ds(0, 72)]],
                                 dst.at[pl.ds(128, 72)], sem)
                pltpu.async_copy(ref.at[idx_v.at[2]],
                                 dst.at[pl.ds(200, 128)], sem)
                pltpu.async_copy(ref.at[idx_v.at[3, pl.ds(0, 72)]],
                                 dst.at[pl.ds(328, 72)], sem)
            pltpu.async_copy(h_hbm.at[idx_v.at[0]],
                             h_v.at[pl.ds(0, 128)], sem)
            pltpu.async_copy(h_hbm.at[idx_v.at[1, pl.ds(0, 72)]],
                             h_v.at[pl.ds(128, 72)], sem)
            pltpu.make_async_copy(h_hbm.at[idx_v.at[1, pl.ds(0, 72)]],
                                  h_v.at[pl.ds(128, 72)], sem).wait()
            pltpu.make_async_copy(h_hbm.at[idx_v.at[0]],
                                  h_v.at[pl.ds(0, 128)], sem).wait()
            for ref, dst in ((sums_hbm, s_v), (cnt_hbm, c_v)):
                pltpu.make_async_copy(ref.at[idx_v.at[0]],
                                      dst.at[pl.ds(0, 128)], sem).wait()
                pltpu.make_async_copy(ref.at[idx_v.at[1, pl.ds(0, 72)]],
                                      dst.at[pl.ds(128, 72)], sem).wait()
                pltpu.make_async_copy(ref.at[idx_v.at[2]],
                                      dst.at[pl.ds(200, 128)], sem).wait()
                pltpu.make_async_copy(ref.at[idx_v.at[3, pl.ds(0, 72)]],
                                      dst.at[pl.ds(328, 72)], sem).wait()
            pltpu.sync_copy(s_v, s_out)
            pltpu.sync_copy(c_v, c_out)
            pltpu.sync_copy(h_v, h_out)

    return k


def _sc_trip_gather(sums2n, cnt2n, h1, trip2):
    return _make_sc_trip_gather()(sums2n, cnt2n, h1, trip2)


_BM = 2000


def _dot1b(a, b):
    return jnp.dot(a.astype(jnp.bfloat16), b.astype(jnp.bfloat16),
                   preferred_element_type=jnp.float32)


def _dot2(a, b):
    a_hi = a.astype(jnp.bfloat16).astype(jnp.float32)
    a_lo = a - a_hi
    d = functools.partial(jnp.dot, preferred_element_type=jnp.float32)
    return d(a_hi, b) + d(a_lo, b)


def _tc_msg_body(ea_ref, xs_ref, w1_ref, b1_ref, w2_ref, b2_ref, r_ref, s_ref,
                 out_ref):
    ea = ea_ref[...]
    hmid = jnp.maximum(_dot1b(ea, w1_ref[...]) + b1_ref[...], 0.0)
    w = _dot1b(hmid, w2_ref[...]) + b2_ref[...]
    xsrep = _dot2(xs_ref[...], r_ref[...])
    out_ref[...] = _dot2(xsrep * w, s_ref[...])


def _tc_msg(ea, xs, w1, b1, w2, b2, rmat, smat):
    grid = _E // _BM
    return pl.pallas_call(
        _tc_msg_body,
        grid=(grid,),
        in_specs=[
            pl.BlockSpec((_BM, _D), lambda i: (i, 0)),
            pl.BlockSpec((_BM, _D), lambda i: (i, 0)),
            pl.BlockSpec((_D, _HID), lambda i: (0, 0)),
            pl.BlockSpec((1, _HID), lambda i: (0, 0)),
            pl.BlockSpec((_HID, _HID), lambda i: (0, 0)),
            pl.BlockSpec((1, _HID), lambda i: (0, 0)),
            pl.BlockSpec((_D, _HID), lambda i: (0, 0)),
            pl.BlockSpec((_HID, _D), lambda i: (0, 0)),
        ],
        out_specs=pl.BlockSpec((_BM, _D), lambda i: (i, 0)),
        out_shape=jax.ShapeDtypeStruct((_E, _D), jnp.float32),
        compiler_params=pltpu.CompilerParams(
            dimension_semantics=("parallel",),
            vmem_limit_bytes=100 * 1024 * 1024),
    )(ea, xs, w1, b1, w2, b2, rmat, smat)


def _precise_div(num, den):
    r = 1.0 / den
    r = r * (2.0 - den * r)
    r = r * (2.0 - den * r)
    q = num * r
    return q + (num - q * den) * r


def _tc_update_body(relu, sums_ref, cnt_ref, h_ref, wr_ref, b_ref, out_ref):
    s = sums_ref[0] + sums_ref[1]
    c = cnt_ref[0] + cnt_ref[1]
    cc = jnp.maximum(c[:, 0:1], 1.0)
    res = _precise_div(s, cc) + _dot1b(h_ref[...], wr_ref[...]) + b_ref[...]
    if relu:
        res = jnp.maximum(res, 0.0)
    out_ref[...] = res


_BN = 1000


def _tc_update(sums_p, cnt_p, h, wr, b, relu):
    return pl.pallas_call(
        functools.partial(_tc_update_body, relu),
        grid=(_N // _BN,),
        in_specs=[
            pl.BlockSpec((2, _BN, _D), lambda i: (0, i, 0)),
            pl.BlockSpec((2, _BN, _D), lambda i: (0, i, 0)),
            pl.BlockSpec((_BN, _D), lambda i: (i, 0)),
            pl.BlockSpec((_D, _D), lambda i: (0, 0)),
            pl.BlockSpec((1, _D), lambda i: (0, 0)),
        ],
        out_specs=pl.BlockSpec((_BN, _D), lambda i: (i, 0)),
        out_shape=jax.ShapeDtypeStruct((_N, _D), jnp.float32),
        compiler_params=pltpu.CompilerParams(
            dimension_semantics=("parallel",)),
    )(sums_p, cnt_p, h, wr, b)


def _tc_head_body(s_ref, c_ref, h_ref, wr_ref, br_ref, day_ref, sec_ref,
                  w1a_ref, w1b_ref, w1c_ref, b1_ref, w2_ref, b2_ref, out_ref):
    def bf(x):
        return x.astype(jnp.bfloat16).astype(jnp.float32)

    s = s_ref[0:200] + s_ref[200:400]
    c = c_ref[0:200] + c_ref[200:400]
    cc = jnp.maximum(c[:, 0:1], 1.0)
    h2 = _precise_div(s, cc) + _dot1b(h_ref[...], wr_ref[...]) + br_ref[...]
    pooled = jnp.mean(h2, axis=0, keepdims=True)
    hm = (_dot1b(pooled, w1a_ref[...])
          + bf(day_ref[...]) * bf(w1b_ref[...])
          + bf(sec_ref[...]) * bf(w1c_ref[...])
          + b1_ref[...])
    hm = jnp.maximum(hm, 0.0)
    out_ref[...] = _dot1b(hm, w2_ref[...]) + b2_ref[...]


def _tc_head(strip, ctrip, htrip, wr, br, day, sec, w1a, w1b, w1c, b1, w2, b2):
    return pl.pallas_call(
        _tc_head_body,
        out_shape=jax.ShapeDtypeStruct((1, 1), jnp.float32),
    )(strip, ctrip, htrip, wr, br, day, sec, w1a, w1b, w1c, b1, w2, b2)


def kernel(x, edge_index, edge_attr, trip_nodes, day, sec,
           nn0_W1, nn0_b1, nn0_W2, nn0_b2, lin0_W, conv0_b,
           nn1_W1, nn1_b1, nn1_W2, nn1_b2, lin1_W, conv1_b,
           mlp_W1, mlp_b1, mlp_W2, mlp_b2):
    src3 = edge_index[0].reshape(_NW, _CH, _CHUNK)
    dst3 = edge_index[1].reshape(_NW, _CH, _CHUNK)

    ii = lax.broadcasted_iota(jnp.int32, (_D, _HID), 0)
    kk = lax.broadcasted_iota(jnp.int32, (_D, _HID), 1)
    rmat = (kk // _D == ii).astype(jnp.float32)
    k2 = lax.broadcasted_iota(jnp.int32, (_HID, _D), 0)
    oo = lax.broadcasted_iota(jnp.int32, (_HID, _D), 1)
    smat = (k2 % _D == oo).astype(jnp.float32)

    xs0 = _sc_gather(x, src3)
    cnt = _sc_count(dst3)
    msg0 = _tc_msg(edge_attr, xs0, nn0_W1, nn0_b1.reshape(1, _HID),
                   nn0_W2, nn0_b2.reshape(1, _HID), rmat, smat)
    sums0 = _sc_scatter(msg0, dst3)
    h1 = _tc_update(sums0, cnt, x, lin0_W, conv0_b.reshape(1, _D), True)

    xs1 = _sc_gather(h1, src3)
    msg1 = _tc_msg(edge_attr, xs1, nn1_W1, nn1_b1.reshape(1, _HID),
                   nn1_W2, nn1_b2.reshape(1, _HID), rmat, smat)
    sums1 = _sc_scatter(msg1, dst3)

    trip2 = jnp.stack([trip_nodes, trip_nodes + _N])
    strip, ctrip, htrip = _sc_trip_gather(
        sums1.reshape(2 * _N, _D), cnt.reshape(2 * _N, _D), h1, trip2)
    out = _tc_head(strip, ctrip, htrip, lin1_W, conv1_b.reshape(1, _D),
                   day.reshape(1, 1), sec.reshape(1, 1),
                   mlp_W1[0:_D], mlp_W1[_D:_D + 1], mlp_W1[_D + 1:_D + 2],
                   mlp_b1.reshape(1, 64), mlp_W2, mlp_b2.reshape(1, 1))
    return out.reshape(1)

# --- scband reference (transcript-rebuilt; emitter-appended) ---
"""Pipeline reference for scband-end-of-trip-delay-69337952027195 (READ-ONLY COPY).

The authoritative reference and input builder live on the scoring server;
editing this copy changes nothing except your own understanding.
"""

import jax, jax.numpy as jnp
import numpy as np

N = 10000
E = 160000
D = 16
EA = 16
HID = D * D


def setup_inputs(seed: int = 0) -> dict:
    key = jax.random.key(seed)
    ks = jax.random.split(key, 24)
    inp = {}
    inp["x"] = jax.random.normal(ks[0], (N, D), dtype=jnp.float32)
    inp["edge_index"] = jax.random.randint(ks[1], (2, E), 0, N, dtype=jnp.int32)
    inp["edge_attr"] = jax.random.normal(ks[2], (E, EA), dtype=jnp.float32)
    inp["trip_nodes"] = jax.random.randint(ks[3], (200,), 0, N, dtype=jnp.int32)
    inp["day"] = jax.random.normal(ks[4], (1,), dtype=jnp.float32)
    inp["sec"] = jax.random.normal(ks[5], (1,), dtype=jnp.float32)
    s = 0.1
    for l in range(2):
        base = 6 + l * 4
        inp[f"nn{l}_W1"] = jax.random.normal(ks[base], (EA, HID), dtype=jnp.float32) * s
        inp[f"nn{l}_b1"] = jnp.zeros((HID,), jnp.float32)
        inp[f"nn{l}_W2"] = jax.random.normal(ks[base + 1], (HID, HID), dtype=jnp.float32) * (s / 4.0)
        inp[f"nn{l}_b2"] = jnp.zeros((HID,), jnp.float32)
        inp[f"lin{l}_W"] = jax.random.normal(ks[base + 2], (D, D), dtype=jnp.float32) * s
        inp[f"conv{l}_b"] = jnp.zeros((D,), jnp.float32)
    inp["mlp_W1"] = jax.random.normal(ks[20], (D + 2, 64), dtype=jnp.float32) * s
    inp["mlp_b1"] = jnp.zeros((64,), jnp.float32)
    inp["mlp_W2"] = jax.random.normal(ks[21], (64, 1), dtype=jnp.float32) * s
    inp["mlp_b2"] = jnp.zeros((1,), jnp.float32)
    return inp


def _nnconv(h, src, dst, ea, W1, b1, W2, b2, Wr, b):
    # edge network: Linear -> ReLU -> Linear, producing per-edge [D, D] weights
    w = jnp.maximum(ea @ W1 + b1, 0.0) @ W2 + b2
    w = w.reshape(-1, D, D)
    # message: x_src @ W(e)   (gather on src)
    msg = jnp.einsum('ei,eio->eo', h[src], w)
    # mean aggregation at dst (scatter-add + count)
    sums = jax.ops.segment_sum(msg, dst, num_segments=N)
    cnt = jax.ops.segment_sum(jnp.ones((msg.shape[0],), jnp.float32), dst, num_segments=N)
    aggr = sums / jnp.clip(cnt, 1.0)[:, None]
    # root weight + bias
    return aggr + h @ Wr + b


def reference(x, edge_index, edge_attr, trip_nodes, day, sec,
              nn0_W1, nn0_b1, nn0_W2, nn0_b2, lin0_W, conv0_b,
              nn1_W1, nn1_b1, nn1_W2, nn1_b2, lin1_W, conv1_b,
              mlp_W1, mlp_b1, mlp_W2, mlp_b2):
    src, dst = edge_index[0], edge_index[1]
    h = jnp.maximum(_nnconv(x, src, dst, edge_attr, nn0_W1, nn0_b1, nn0_W2, nn0_b2, lin0_W, conv0_b), 0.0)
    h = _nnconv(h, src, dst, edge_attr, nn1_W1, nn1_b1, nn1_W2, nn1_b2, lin1_W, conv1_b)
    pooled = h[trip_nodes].mean(axis=0)
    v = jnp.concatenate([pooled, day, sec])
    hm = jnp.maximum(v @ mlp_W1 + mlp_b1, 0.0)
    return hm @ mlp_W2 + mlp_b2

if __name__ == "__main__":
    import jax
    _d = setup_inputs()
    print(jax.jit(kernel)(*tuple(_d.values())))

</pallas_src>

<mosaic_0001>
#map = affine_map<(d0, d1) -> (0, 0)>
#map1 = affine_map<(d0, d1) -> (0, 0, 0)>
module attributes {stable_mosaic.version = 14 : i64} {
  func.func @k(%arg0: i32, %arg1: i32, %arg2: memref<10000x16xf32, #tpu.memory_space<hbm>>, %arg3: memref<32x40x125xi32, #tpu.memory_space<hbm>>, %arg4: memref<160000x16xf32, #tpu.memory_space<hbm>>, %arg5: memref<40x125xi32, #tpu.memory_space<vmem>>, %arg6: memref<5000x16xf32, #tpu.memory_space<vmem>>, %arg7: memref<!tpu.dma_semaphore, #tpu.memory_space<semaphore_mem>>) attributes {dimension_semantics = [#tpu.dimension_semantics<core_parallel>, #tpu.dimension_semantics<subcore_parallel>], iteration_bounds = array<i64: 2, 16>, scalar_prefetch = 0 : i64, scratch_operands = 3 : i64, tpu.core_type = #tpu.core_type<sc_vector_subcore>, window_params = [{transform_indices = #map}, {transform_indices = #map1}, {transform_indices = #map}]} {
    %mul3A = arith.constant 2 : i32
    %mul3A_0 = arith.muli %arg1, %mul3A : i32
    %add3A = arith.addi %mul3A_0, %arg0 : i32
    "tpu.region"() ({
      %run_scoped3A = tpu.sem_alloc : memref<!tpu.dma_semaphore, #tpu.memory_space<semaphore_mem>>
      %dma_start3A = arith.constant 0 : i32
      %dma_start3A_16 = arith.constant 0 : i32
      %dma_start3A_17 = tpu.memref_slice %arg3[%add3A, %dma_start3A, %dma_start3A_16] : memref<32x40x125xi32, #tpu.memory_space<hbm>> -> memref<1x40x125xi32, #tpu.memory_space<hbm>>
      %dma_start3A_18 = tpu.memref_squeeze %dma_start3A_17 : memref<1x40x125xi32, #tpu.memory_space<hbm>> -> memref<40x125xi32, #tpu.memory_space<hbm>>
      %dma_start3A_19 = arith.constant 0 : i32
      %dma_start3A_20 = arith.constant 0 : i32
      %dma_start3A_21 = tpu.memref_slice %arg3[%add3A, %dma_start3A_19, %dma_start3A_20] : memref<32x40x125xi32, #tpu.memory_space<hbm>> -> memref<1x40x125xi32, #tpu.memory_space<hbm>>
      %dma_start3A_22 = tpu.memref_squeeze %dma_start3A_21 : memref<1x40x125xi32, #tpu.memory_space<hbm>> -> memref<40x125xi32, #tpu.memory_space<hbm>>
      tpu.enqueue_dma source(%dma_start3A_22 : memref<40x125xi32, #tpu.memory_space<hbm>>) target(%arg5 : memref<40x125xi32, #tpu.memory_space<vmem>>) target_semaphore(%run_scoped3A : memref<!tpu.dma_semaphore, #tpu.memory_space<semaphore_mem>>)
      %dma_wait3A = arith.constant 0 : i32
      %dma_wait3A_23 = arith.constant 0 : i32
      %dma_wait3A_24 = tpu.memref_slice %arg3[%add3A, %dma_wait3A, %dma_wait3A_23] : memref<32x40x125xi32, #tpu.memory_space<hbm>> -> memref<1x40x125xi32, #tpu.memory_space<hbm>>
      %dma_wait3A_25 = tpu.memref_squeeze %dma_wait3A_24 : memref<1x40x125xi32, #tpu.memory_space<hbm>> -> memref<40x125xi32, #tpu.memory_space<hbm>>
      %dma_wait3A_26 = arith.constant 0 : i32
      %dma_wait3A_27 = arith.constant 0 : i32
      %dma_wait3A_28 = tpu.memref_slice %arg3[%add3A, %dma_wait3A_26, %dma_wait3A_27] : memref<32x40x125xi32, #tpu.memory_space<hbm>> -> memref<1x40x125xi32, #tpu.memory_space<hbm>>
      %dma_wait3A_29 = tpu.memref_squeeze %dma_wait3A_28 : memref<1x40x125xi32, #tpu.memory_space<hbm>> -> memref<40x125xi32, #tpu.memory_space<hbm>>
      tpu.wait_dma2 semaphore(%run_scoped3A : memref<!tpu.dma_semaphore, #tpu.memory_space<semaphore_mem>>) src(%dma_wait3A_29 : memref<40x125xi32, #tpu.memory_space<hbm>>) dst(%arg5 : memref<40x125xi32, #tpu.memory_space<vmem>>)
      tpu.yield
    }) : () -> ()
    %scan3A = arith.constant 0 : i32
    %scan3A_1 = arith.constant 0 : i32
    %scan3A_2 = arith.constant 40 : i32
    %scan3A_3 = arith.addi %scan3A_1, %scan3A_2 : i32
    %scan3A_4 = arith.constant 1 : i32
    %scan3A_5 = scf.for %scan3A_16 = %scan3A_1 to %scan3A_3 step %scan3A_4 iter_args(%scan3A_17 = %scan3A) -> (i32)  : i32 {
      %mul3A_18 = arith.constant 125 : i32
      %mul3A_19 = arith.muli %scan3A_16, %mul3A_18 : i32
      %dma_start3A = arith.constant 0 : i32
      %dma_start3A_20 = tpu.memref_slice %arg6[%mul3A_19, %dma_start3A] : memref<5000x16xf32, #tpu.memory_space<vmem>> -> memref<125x16xf32, #tpu.memory_space<vmem>>
      %dma_start3A_21 = arith.constant 0 : i32
      %dma_start3A_22 = tpu.memref_slice %arg5[%scan3A_16, %dma_start3A_21] : memref<40x125xi32, #tpu.memory_space<vmem>> -> memref<1x125xi32, #tpu.memory_space<vmem>>
      %dma_start3A_23 = tpu.memref_squeeze %dma_start3A_22 : memref<1x125xi32, #tpu.memory_space<vmem>> -> memref<125xi32, #tpu.memory_space<vmem>>
      %dma_start3A_24 = arith.constant 0 : i32
      %dma_start3A_25 = arith.constant 0 : i32
      %dma_start3A_26 = tpu.memref_slice %arg2[%dma_start3A_24, %dma_start3A_25] : memref<10000x16xf32, #tpu.memory_space<hbm>> -> memref<10000x16xf32, #tpu.memory_space<hbm>>
      tpu.enqueue_indirect_dma source(%dma_start3A_26 : memref<10000x16xf32, #tpu.memory_space<hbm>>) target(%dma_start3A_20 : memref<125x16xf32, #tpu.memory_space<vmem>>) offsets(%dma_start3A_23 : memref<125xi32, #tpu.memory_space<vmem>>) semaphore(%arg7 : memref<!tpu.dma_semaphore, #tpu.memory_space<semaphore_mem>>)
      %scan3A_27 = arith.constant 0 : i32
      scf.yield %scan3A_27 : i32
    }
    %scan3A_6 = arith.constant 40 : i32
    %scan3A_7 = arith.constant 0 : i32
    %scan3A_8 = arith.constant 0 : i32
    %scan3A_9 = arith.constant 40 : i32
    %scan3A_10 = arith.addi %scan3A_8, %scan3A_9 : i32
    %scan3A_11 = arith.constant 1 : i32
    %scan3A_12 = scf.for %scan3A_16 = %scan3A_8 to %scan3A_10 step %scan3A_11 iter_args(%scan3A_17 = %scan3A_7) -> (i32)  : i32 {
      %mul3A_18 = arith.constant 125 : i32
      %mul3A_19 = arith.muli %scan3A_16, %mul3A_18 : i32
      %dma_wait3A = arith.constant 0 : i32
      %dma_wait3A_20 = tpu.memref_slice %arg6[%mul3A_19, %dma_wait3A] : memref<5000x16xf32, #tpu.memory_space<vmem>> -> memref<125x16xf32, #tpu.memory_space<vmem>>
      %dma_wait3A_21 = arith.constant 0 : i32
      %dma_wait3A_22 = tpu.memref_slice %arg5[%scan3A_16, %dma_wait3A_21] : memref<40x125xi32, #tpu.memory_space<vmem>> -> memref<1x125xi32, #tpu.memory_space<vmem>>
      %dma_wait3A_23 = tpu.memref_squeeze %dma_wait3A_22 : memref<1x125xi32, #tpu.memory_space<vmem>> -> memref<125xi32, #tpu.memory_space<vmem>>
      %dma_wait3A_24 = arith.constant 0 : i32
      %dma_wait3A_25 = arith.constant 0 : i32
      %dma_wait3A_26 = tpu.memref_slice %arg2[%dma_wait3A_24, %dma_wait3A_25] : memref<10000x16xf32, #tpu.memory_space<hbm>> -> memref<10000x16xf32, #tpu.memory_space<hbm>>
      tpu.wait_indirect_dma semaphore(%arg7 : memref<!tpu.dma_semaphore, #tpu.memory_space<semaphore_mem>>) src(%dma_wait3A_26 : memref<10000x16xf32, #tpu.memory_space<hbm>>) dst(%dma_wait3A_20 : memref<125x16xf32, #tpu.memory_space<vmem>>)
      %scan3A_27 = arith.constant 0 : i32
      scf.yield %scan3A_27 : i32
    }
    %scan3A_13 = arith.constant 40 : i32
    %mul3A_14 = arith.constant 5000 : i32
    %mul3A_15 = arith.muli %add3A, %mul3A_14 : i32
    "tpu.region"() ({
      %run_scoped3A = tpu.sem_alloc : memref<!tpu.dma_semaphore, #tpu.memory_space<semaphore_mem>>
      %dma_start3A = arith.constant 0 : i32
      %dma_start3A_16 = tpu.memref_slice %arg4[%mul3A_15, %dma_start3A] : memref<160000x16xf32, #tpu.memory_space<hbm>> -> memref<5000x16xf32, #tpu.memory_space<hbm>>
      %dma_start3A_17 = arith.constant 0 : i32
      %dma_start3A_18 = tpu.memref_slice %arg4[%mul3A_15, %dma_start3A_17] : memref<160000x16xf32, #tpu.memory_space<hbm>> -> memref<5000x16xf32, #tpu.memory_space<hbm>>
      tpu.enqueue_dma source(%arg6 : memref<5000x16xf32, #tpu.memory_space<vmem>>) target(%dma_start3A_18 : memref<5000x16xf32, #tpu.memory_space<hbm>>) target_semaphore(%run_scoped3A : memref<!tpu.dma_semaphore, #tpu.memory_space<semaphore_mem>>)
      %dma_wait3A = arith.constant 0 : i32
      %dma_wait3A_19 = tpu.memref_slice %arg4[%mul3A_15, %dma_wait3A] : memref<160000x16xf32, #tpu.memory_space<hbm>> -> memref<5000x16xf32, #tpu.memory_space<hbm>>
      %dma_wait3A_20 = arith.constant 0 : i32
      %dma_wait3A_21 = tpu.memref_slice %arg4[%mul3A_15, %dma_wait3A_20] : memref<160000x16xf32, #tpu.memory_space<hbm>> -> memref<5000x16xf32, #tpu.memory_space<hbm>>
      tpu.wait_dma2 semaphore(%run_scoped3A : memref<!tpu.dma_semaphore, #tpu.memory_space<semaphore_mem>>) src(%arg6 : memref<5000x16xf32, #tpu.memory_space<vmem>>) dst(%dma_wait3A_21 : memref<5000x16xf32, #tpu.memory_space<hbm>>)
      tpu.yield
    }) : () -> ()
    return
  }
}

#map = affine_map<(d0, d1) -> (0, 0)>
#map1 = affine_map<(d0, d1) -> (0, 0, 0)>
module attributes {stable_mosaic.version = 14 : i64} {
  func.func @k(%arg0: i32, %arg1: i32, %arg2: memref<10000x16xf32, #tpu.memory_space<hbm>>, %arg3: memref<32x40x125xi32, #tpu.memory_space<hbm>>, %arg4: memref<160000x16xf32, #tpu.memory_space<hbm>>, %arg5: memref<40x125xi32, #tpu.memory_space<vmem>>, %arg6: memref<5000x16xf32, #tpu.memory_space<vmem>>, %arg7: memref<!tpu.dma_semaphore, #tpu.memory_space<semaphore_mem>>) attributes {dimension_semantics = [#tpu.dimension_semantics<core_parallel>, #tpu.dimension_semantics<subcore_parallel>], iteration_bounds = array<i64: 2, 16>, scalar_prefetch = 0 : i64, scratch_operands = 3 : i64, tpu.core_type = #tpu.core_type<sc_vector_subcore>, window_params = [{transform_indices = #map}, {transform_indices = #map1}, {transform_indices = #map}]} {
    %mul3A = arith.constant 2 : i32
    %mul3A_0 = arith.muli %arg1, %mul3A : i32
    %add3A = arith.addi %mul3A_0, %arg0 : i32
    "tpu.region"() ({
      %run_scoped3A = tpu.sem_alloc : memref<!tpu.dma_semaphore, #tpu.memory_space<semaphore_mem>>
      %dma_start3A = arith.constant 0 : i32
      %dma_start3A_16 = arith.constant 0 : i32
      %dma_start3A_17 = tpu.memref_slice %arg3[%add3A, %dma_start3A, %dma_start3A_16] : memref<32x40x125xi32, #tpu.memory_space<hbm>> -> memref<1x40x125xi32, #tpu.memory_space<hbm>>
      %dma_start3A_18 = tpu.memref_squeeze %dma_start3A_17 : memref<1x40x125xi32, #tpu.memory_space<hbm>> -> memref<40x125xi32, #tpu.memory_space<hbm>>
      %dma_start3A_19 = arith.constant 0 : i32
      %dma_start3A_20 = arith.constant 0 : i32
      %dma_start3A_21 = tpu.memref_slice %arg3[%add3A, %dma_start3A_19, %dma_start3A_20] : memref<32x40x125xi32, #tpu.memory_space<hbm>> -> memref<1x40x125xi32, #tpu.memory_space<hbm>>
      %dma_start3A_22 = tpu.memref_squeeze %dma_start3A_21 : memref<1x40x125xi32, #tpu.memory_space<hbm>> -> memref<40x125xi32, #tpu.memory_space<hbm>>
      tpu.enqueue_dma source(%dma_start3A_22 : memref<40x125xi32, #tpu.memory_space<hbm>>) target(%arg5 : memref<40x125xi32, #tpu.memory_space<vmem>>) target_semaphore(%run_scoped3A : memref<!tpu.dma_semaphore, #tpu.memory_space<semaphore_mem>>)
      %dma_wait3A = arith.constant 0 : i32
      %dma_wait3A_23 = arith.constant 0 : i32
      %dma_wait3A_24 = tpu.memref_slice %arg3[%add3A, %dma_wait3A, %dma_wait3A_23] : memref<32x40x125xi32, #tpu.memory_space<hbm>> -> memref<1x40x125xi32, #tpu.memory_space<hbm>>
      %dma_wait3A_25 = tpu.memref_squeeze %dma_wait3A_24 : memref<1x40x125xi32, #tpu.memory_space<hbm>> -> memref<40x125xi32, #tpu.memory_space<hbm>>
      %dma_wait3A_26 = arith.constant 0 : i32
      %dma_wait3A_27 = arith.constant 0 : i32
      %dma_wait3A_28 = tpu.memref_slice %arg3[%add3A, %dma_wait3A_26, %dma_wait3A_27] : memref<32x40x125xi32, #tpu.memory_space<hbm>> -> memref<1x40x125xi32, #tpu.memory_space<hbm>>
      %dma_wait3A_29 = tpu.memref_squeeze %dma_wait3A_28 : memref<1x40x125xi32, #tpu.memory_space<hbm>> -> memref<40x125xi32, #tpu.memory_space<hbm>>
      tpu.wait_dma2 semaphore(%run_scoped3A : memref<!tpu.dma_semaphore, #tpu.memory_space<semaphore_mem>>) src(%dma_wait3A_29 : memref<40x125xi32, #tpu.memory_space<hbm>>) dst(%arg5 : memref<40x125xi32, #tpu.memory_space<vmem>>)
      tpu.yield
    }) : () -> ()
    %scan3A = arith.constant 0 : i32
    %scan3A_1 = arith.constant 0 : i32
    %scan3A_2 = arith.constant 40 : i32
    %scan3A_3 = arith.addi %scan3A_1, %scan3A_2 : i32
    %scan3A_4 = arith.constant 1 : i32
    %scan3A_5 = scf.for %scan3A_16 = %scan3A_1 to %scan3A_3 step %scan3A_4 iter_args(%scan3A_17 = %scan3A) -> (i32)  : i32 {
      %mul3A_18 = arith.constant 125 : i32
      %mul3A_19 = arith.muli %scan3A_16, %mul3A_18 : i32
      %dma_start3A = arith.constant 0 : i32
      %dma_start3A_20 = tpu.memref_slice %arg6[%mul3A_19, %dma_start3A] : memref<5000x16xf32, #tpu.memory_space<vmem>> -> memref<125x16xf32, #tpu.memory_space<vmem>>
      %dma_start3A_21 = arith.constant 0 : i32
      %dma_start3A_22 = tpu.memref_slice %arg5[%scan3A_16, %dma_start3A_21] : memref<40x125xi32, #tpu.memory_space<vmem>> -> memref<1x125xi32, #tpu.memory_space<vmem>>
      %dma_start3A_23 = tpu.memref_squeeze %dma_start3A_22 : memref<1x125xi32, #tpu.memory_space<vmem>> -> memref<125xi32, #tpu.memory_space<vmem>>
      %dma_start3A_24 = arith.constant 0 : i32
      %dma_start3A_25 = arith.constant 0 : i32
      %dma_start3A_26 = tpu.memref_slice %arg2[%dma_start3A_24, %dma_start3A_25] : memref<10000x16xf32, #tpu.memory_space<hbm>> -> memref<10000x16xf32, #tpu.memory_space<hbm>>
      tpu.enqueue_indirect_dma source(%dma_start3A_26 : memref<10000x16xf32, #tpu.memory_space<hbm>>) target(%dma_start3A_20 : memref<125x16xf32, #tpu.memory_space<vmem>>) offsets(%dma_start3A_23 : memref<125xi32, #tpu.memory_space<vmem>>) semaphore(%arg7 : memref<!tpu.dma_semaphore, #tpu.memory_space<semaphore_mem>>)
      %scan3A_27 = arith.constant 0 : i32
      scf.yield %scan3A_27 : i32
    }
    %scan3A_6 = arith.constant 40 : i32
    %scan3A_7 = arith.constant 0 : i32
    %scan3A_8 = arith.constant 0 : i32
    %scan3A_9 = arith.constant 40 : i32
    %scan3A_10 = arith.addi %scan3A_8, %scan3A_9 : i32
    %scan3A_11 = arith.constant 1 : i32
    %scan3A_12 = scf.for %scan3A_16 = %scan3A_8 to %scan3A_10 step %scan3A_11 iter_args(%scan3A_17 = %scan3A_7) -> (i32)  : i32 {
      %mul3A_18 = arith.constant 125 : i32
      %mul3A_19 = arith.muli %scan3A_16, %mul3A_18 : i32
      %dma_wait3A = arith.constant 0 : i32
      %dma_wait3A_20 = tpu.memref_slice %arg6[%mul3A_19, %dma_wait3A] : memref<5000x16xf32, #tpu.memory_space<vmem>> -> memref<125x16xf32, #tpu.memory_space<vmem>>
      %dma_wait3A_21 = arith.constant 0 : i32
      %dma_wait3A_22 = tpu.memref_slice %arg5[%scan3A_16, %dma_wait3A_21] : memref<40x125xi32, #tpu.memory_space<vmem>> -> memref<1x125xi32, #tpu.memory_space<vmem>>
      %dma_wait3A_23 = tpu.memref_squeeze %dma_wait3A_22 : memref<1x125xi32, #tpu.memory_space<vmem>> -> memref<125xi32, #tpu.memory_space<vmem>>
      %dma_wait3A_24 = arith.constant 0 : i32
      %dma_wait3A_25 = arith.constant 0 : i32
      %dma_wait3A_26 = tpu.memref_slice %arg2[%dma_wait3A_24, %dma_wait3A_25] : memref<10000x16xf32, #tpu.memory_space<hbm>> -> memref<10000x16xf32, #tpu.memory_space<hbm>>
      tpu.wait_indirect_dma semaphore(%arg7 : memref<!tpu.dma_semaphore, #tpu.memory_space<semaphore_mem>>) src(%dma_wait3A_26 : memref<10000x16xf32, #tpu.memory_space<hbm>>) dst(%dma_wait3A_20 : memref<125x16xf32, #tpu.memory_space<vmem>>)
      %scan3A_27 = arith.constant 0 : i32
      scf.yield %scan3A_27 : i32
    }
    %scan3A_13 = arith.constant 40 : i32
    %mul3A_14 = arith.constant 5000 : i32
    %mul3A_15 = arith.muli %add3A, %mul3A_14 : i32
    "tpu.region"() ({
      %run_scoped3A = tpu.sem_alloc : memref<!tpu.dma_semaphore, #tpu.memory_space<semaphore_mem>>
      %dma_start3A = arith.constant 0 : i32
      %dma_start3A_16 = tpu.memref_slice %arg4[%mul3A_15, %dma_start3A] : memref<160000x16xf32, #tpu.memory_space<hbm>> -> memref<5000x16xf32, #tpu.memory_space<hbm>>
      %dma_start3A_17 = arith.constant 0 : i32
      %dma_start3A_18 = tpu.memref_slice %arg4[%mul3A_15, %dma_start3A_17] : memref<160000x16xf32, #tpu.memory_space<hbm>> -> memref<5000x16xf32, #tpu.memory_space<hbm>>
      tpu.enqueue_dma source(%arg6 : memref<5000x16xf32, #tpu.memory_space<vmem>>) target(%dma_start3A_18 : memref<5000x16xf32, #tpu.memory_space<hbm>>) target_semaphore(%run_scoped3A : memref<!tpu.dma_semaphore, #tpu.memory_space<semaphore_mem>>)
      %dma_wait3A = arith.constant 0 : i32
      %dma_wait3A_19 = tpu.memref_slice %arg4[%mul3A_15, %dma_wait3A] : memref<160000x16xf32, #tpu.memory_space<hbm>> -> memref<5000x16xf32, #tpu.memory_space<hbm>>
      %dma_wait3A_20 = arith.constant 0 : i32
      %dma_wait3A_21 = tpu.memref_slice %arg4[%mul3A_15, %dma_wait3A_20] : memref<160000x16xf32, #tpu.memory_space<hbm>> -> memref<5000x16xf32, #tpu.memory_space<hbm>>
      tpu.wait_dma2 semaphore(%run_scoped3A : memref<!tpu.dma_semaphore, #tpu.memory_space<semaphore_mem>>) src(%arg6 : memref<5000x16xf32, #tpu.memory_space<vmem>>) dst(%dma_wait3A_21 : memref<5000x16xf32, #tpu.memory_space<hbm>>)
      tpu.yield
    }) : () -> ()
    return
  }
}

#map = affine_map<(d0, d1) -> (0, 0, 0)>
module attributes {stable_mosaic.version = 14 : i64} {
  func.func @body(%arg0: i32, %arg1: i32, %arg2: memref<32x40x125xi32, #tpu.memory_space<hbm>>, %arg3: memref<2x10000x16xf32, #tpu.memory_space<hbm>>, %arg4: memref<40x125xi32, #tpu.memory_space<vmem>>, %arg5: memref<125x16xf32, #tpu.memory_space<vmem>>, %arg6: memref<10000x16xf32, #tpu.memory_space<vmem_shared>>) attributes {dimension_semantics = [#tpu.dimension_semantics<core_parallel>, #tpu.dimension_semantics<subcore_parallel>], iteration_bounds = array<i64: 2, 16>, scalar_prefetch = 0 : i64, scratch_operands = 3 : i64, tpu.core_type = #tpu.core_type<sc_vector_subcore>, window_params = [{transform_indices = #map}, {transform_indices = #map}]} {
    %mul3A = arith.constant 2 : i32
    %mul3A_0 = arith.muli %arg1, %mul3A : i32
    %add3A = arith.addi %mul3A_0, %arg0 : i32
    %scan3A = arith.constant 0 : i32
    %scan3A_1 = arith.constant 0 : i32
    %scan3A_2 = arith.constant 125 : i32
    %scan3A_3 = arith.addi %scan3A_1, %scan3A_2 : i32
    %scan3A_4 = arith.constant 1 : i32
    %scan3A_5 = scf.for %scan3A_31 = %scan3A_1 to %scan3A_3 step %scan3A_4 iter_args(%scan3A_32 = %scan3A) -> (i32)  : i32 {
      %broadcast_in_dim3A = arith.constant 0.000000e+00 : f32
      %broadcast_in_dim3A_33 = vector.broadcast %broadcast_in_dim3A : f32 to vector<16xf32>
      %swap3A = arith.index_cast %scan3A_31 : i32 to index
      %swap3A_34 = arith.constant 0 : index
      %swap3A_35 = tpu.vector_load %arg5[%swap3A, %swap3A_34] {strides = array<i32>} : memref<125x16xf32, #tpu.memory_space<vmem>>, vector<1x16xf32>,
      %swap3A_36 = vector.shape_cast %swap3A_35 : vector<1x16xf32> to vector<16xf32>
      %swap3A_37 = vector.shape_cast %broadcast_in_dim3A_33 : vector<16xf32> to vector<1x16xf32>
      tpu.vector_store %arg5[%swap3A, %swap3A_34], %swap3A_37 {strides = array<i32>} : memref<125x16xf32, #tpu.memory_space<vmem>>, vector<1x16xf32>,
      %scan3A_38 = arith.constant 0 : i32
      scf.yield %scan3A_38 : i32
    }
    %scan3A_6 = arith.constant 125 : i32
    %scan3A_7 = arith.constant 0 : i32
    %scan3A_8 = arith.constant 0 : i32
    %scan3A_9 = arith.constant 5 : i32
    %scan3A_10 = arith.addi %scan3A_8, %scan3A_9 : i32
    %scan3A_11 = arith.constant 1 : i32
    %scan3A_12 = scf.for %scan3A_31 = %scan3A_8 to %scan3A_10 step %scan3A_11 iter_args(%scan3A_32 = %scan3A_7) -> (i32)  : i32 {
      %mul3A_33 = arith.constant 625 : i32
      %mul3A_34 = arith.muli %arg1, %mul3A_33 : i32
      %mul3A_35 = arith.constant 125 : i32
      %mul3A_36 = arith.muli %scan3A_31, %mul3A_35 : i32
      %add3A_37 = arith.addi %mul3A_34, %mul3A_36 : i32
      "tpu.region"() ({
        %run_scoped3A = tpu.sem_alloc : memref<!tpu.dma_semaphore, #tpu.memory_space<semaphore_mem>>
        %dma_start3A = arith.constant 0 : i32
        %dma_start3A_39 = tpu.memref_slice %arg6[%add3A_37, %dma_start3A] : memref<10000x16xf32, #tpu.memory_space<vmem_shared>> -> memref<125x16xf32, #tpu.memory_space<vmem_shared>>
        %dma_start3A_40 = arith.constant 0 : i32
        %dma_start3A_41 = tpu.memref_slice %arg6[%add3A_37, %dma_start3A_40] : memref<10000x16xf32, #tpu.memory_space<vmem_shared>> -> memref<125x16xf32, #tpu.memory_space<vmem_shared>>
        tpu.enqueue_dma source(%arg5 : memref<125x16xf32, #tpu.memory_space<vmem>>) target(%dma_start3A_41 : memref<125x16xf32, #tpu.memory_space<vmem_shared>>) target_semaphore(%run_scoped3A : memref<!tpu.dma_semaphore, #tpu.memory_space<semaphore_mem>>)
        %dma_wait3A = arith.constant 0 : i32
        %dma_wait3A_42 = tpu.memref_slice %arg6[%add3A_37, %dma_wait3A] : memref<10000x16xf32, #tpu.memory_space<vmem_shared>> -> memref<125x16xf32, #tpu.memory_space<vmem_shared>>
        %dma_wait3A_43 = arith.constant 0 : i32
        %dma_wait3A_44 = tpu.memref_slice %arg6[%add3A_37, %dma_wait3A_43] : memref<10000x16xf32, #tpu.memory_space<vmem_shared>> -> memref<125x16xf32, #tpu.memory_space<vmem_shared>>
        tpu.wait_dma2 semaphore(%run_scoped3A : memref<!tpu.dma_semaphore, #tpu.memory_space<semaphore_mem>>) src(%arg5 : memref<125x16xf32, #tpu.memory_space<vmem>>) dst(%dma_wait3A_44 : memref<125x16xf32, #tpu.memory_space<vmem_shared>>)
        tpu.yield
      }) : () -> ()
      %scan3A_38 = arith.constant 0 : i32
      scf.yield %scan3A_38 : i32
    }
    %scan3A_13 = arith.constant 5 : i32
    %scan3A_14 = arith.constant 0 : i32
    %scan3A_15 = arith.constant 0 : i32
    %scan3A_16 = arith.constant 125 : i32
    %scan3A_17 = arith.addi %scan3A_15, %scan3A_16 : i32
    %scan3A_18 = arith.constant 1 : i32
    %scan3A_19 = scf.for %scan3A_31 = %scan3A_15 to %scan3A_17 step %scan3A_18 iter_args(%scan3A_32 = %scan3A_14) -> (i32)  : i32 {
      %broadcast_in_dim3A = arith.constant 1.000000e+00 : f32
      %broadcast_in_dim3A_33 = vector.broadcast %broadcast_in_dim3A : f32 to vector<16xf32>
      %swap3A = arith.index_cast %scan3A_31 : i32 to index
      %swap3A_34 = arith.constant 0 : index
      %swap3A_35 = tpu.vector_load %arg5[%swap3A, %swap3A_34] {strides = array<i32>} : memref<125x16xf32, #tpu.memory_space<vmem>>, vector<1x16xf32>,
      %swap3A_36 = vector.shape_cast %swap3A_35 : vector<1x16xf32> to vector<16xf32>
      %swap3A_37 = vector.shape_cast %broadcast_in_dim3A_33 : vector<16xf32> to vector<1x16xf32>
      tpu.vector_store %arg5[%swap3A, %swap3A_34], %swap3A_37 {strides = array<i32>} : memref<125x16xf32, #tpu.memory_space<vmem>>, vector<1x16xf32>,
      %scan3A_38 = arith.constant 0 : i32
      scf.yield %scan3A_38 : i32
    }
    %scan3A_20 = arith.constant 125 : i32
    %barrier3A = arith.constant 0 : index
    tpu.barrier barrier_id(%barrier3A)
    "tpu.region"() ({
      %run_scoped3A = tpu.sem_alloc : memref<!tpu.dma_semaphore, #tpu.memory_space<semaphore_mem>>
      %dma_start3A = arith.constant 0 : i32
      %dma_start3A_31 = arith.constant 0 : i32
      %dma_start3A_32 = tpu.memref_slice %arg2[%add3A, %dma_start3A, %dma_start3A_31] : memref<32x40x125xi32, #tpu.memory_space<hbm>> -> memref<1x40x125xi32, #tpu.memory_space<hbm>>
      %dma_start3A_33 = tpu.memref_squeeze %dma_start3A_32 : memref<1x40x125xi32, #tpu.memory_space<hbm>> -> memref<40x125xi32, #tpu.memory_space<hbm>>
      %dma_start3A_34 = arith.constant 0 : i32
      %dma_start3A_35 = arith.constant 0 : i32
      %dma_start3A_36 = tpu.memref_slice %arg2[%add3A, %dma_start3A_34, %dma_start3A_35] : memref<32x40x125xi32, #tpu.memory_space<hbm>> -> memref<1x40x125xi32, #tpu.memory_space<hbm>>
      %dma_start3A_37 = tpu.memref_squeeze %dma_start3A_36 : memref<1x40x125xi32, #tpu.memory_space<hbm>> -> memref<40x125xi32, #tpu.memory_space<hbm>>
      tpu.enqueue_dma source(%dma_start3A_37 : memref<40x125xi32, #tpu.memory_space<hbm>>) target(%arg4 : memref<40x125xi32, #tpu.memory_space<vmem>>) target_semaphore(%run_scoped3A : memref<!tpu.dma_semaphore, #tpu.memory_space<semaphore_mem>>)
      %dma_wait3A = arith.constant 0 : i32
      %dma_wait3A_38 = arith.constant 0 : i32
      %dma_wait3A_39 = tpu.memref_slice %arg2[%add3A, %dma_wait3A, %dma_wait3A_38] : memref<32x40x125xi32, #tpu.memory_space<hbm>> -> memref<1x40x125xi32, #tpu.memory_space<hbm>>
      %dma_wait3A_40 = tpu.memref_squeeze %dma_wait3A_39 : memref<1x40x125xi32, #tpu.memory_space<hbm>> -> memref<40x125xi32, #tpu.memory_space<hbm>>
      %dma_wait3A_41 = arith.constant 0 : i32
      %dma_wait3A_42 = arith.constant 0 : i32
      %dma_wait3A_43 = tpu.memref_slice %arg2[%add3A, %dma_wait3A_41, %dma_wait3A_42] : memref<32x40x125xi32, #tpu.memory_space<hbm>> -> memref<1x40x125xi32, #tpu.memory_space<hbm>>
      %dma_wait3A_44 = tpu.memref_squeeze %dma_wait3A_43 : memref<1x40x125xi32, #tpu.memory_space<hbm>> -> memref<40x125xi32, #tpu.memory_space<hbm>>
      tpu.wait_dma2 semaphore(%run_scoped3A : memref<!tpu.dma_semaphore, #tpu.memory_space<semaphore_mem>>) src(%dma_wait3A_44 : memref<40x125xi32, #tpu.memory_space<hbm>>) dst(%arg4 : memref<40x125xi32, #tpu.memory_space<vmem>>)
      tpu.yield
    }) : () -> ()
    %scan3A_21 = arith.constant 0 : i32
    %scan3A_22 = arith.constant 0 : i32
    %scan3A_23 = arith.constant 40 : i32
    %scan3A_24 = arith.addi %scan3A_22, %scan3A_23 : i32
    %scan3A_25 = arith.constant 1 : i32
    %scan3A_26 = scf.for %scan3A_31 = %scan3A_22 to %scan3A_24 step %scan3A_25 iter_args(%scan3A_32 = %scan3A_21) -> (i32)  : i32 {
      "tpu.region"() ({
        %run_scoped3A = tpu.sem_alloc : memref<!tpu.dma_semaphore, #tpu.memory_space<semaphore_mem>>
        %dma_start3A = arith.constant 0 : i32
        %dma_start3A_34 = tpu.memref_slice %arg4[%scan3A_31, %dma_start3A] : memref<40x125xi32, #tpu.memory_space<vmem>> -> memref<1x125xi32, #tpu.memory_space<vmem>>
        %dma_start3A_35 = tpu.memref_squeeze %dma_start3A_34 : memref<1x125xi32, #tpu.memory_space<vmem>> -> memref<125xi32, #tpu.memory_space<vmem>>
        %dma_start3A_36 = arith.constant 0 : i32
        %dma_start3A_37 = arith.constant 0 : i32
        %dma_start3A_38 = tpu.memref_slice %arg6[%dma_start3A_36, %dma_start3A_37] : memref<10000x16xf32, #tpu.memory_space<vmem_shared>> -> memref<10000x16xf32, #tpu.memory_space<vmem_shared>>
        tpu.enqueue_indirect_dma source(%arg5 : memref<125x16xf32, #tpu.memory_space<vmem>>) target(%dma_start3A_38 : memref<10000x16xf32, #tpu.memory_space<vmem_shared>>) offsets(%dma_start3A_35 : memref<125xi32, #tpu.memory_space<vmem>>) semaphore(%run_scoped3A : memref<!tpu.dma_semaphore, #tpu.memory_space<semaphore_mem>>) {add = true}
        %dma_wait3A = arith.constant 0 : i32
        %dma_wait3A_39 = tpu.memref_slice %arg4[%scan3A_31, %dma_wait3A] : memref<40x125xi32, #tpu.memory_space<vmem>> -> memref<1x125xi32, #tpu.memory_space<vmem>>
        %dma_wait3A_40 = tpu.memref_squeeze %dma_wait3A_39 : memref<1x125xi32, #tpu.memory_space<vmem>> -> memref<125xi32, #tpu.memory_space<vmem>>
        %dma_wait3A_41 = arith.constant 0 : i32
        %dma_wait3A_42 = arith.constant 0 : i32
        %dma_wait3A_43 = tpu.memref_slice %arg6[%dma_wait3A_41, %dma_wait3A_42] : memref<10000x16xf32, #tpu.memory_space<vmem_shared>> -> memref<10000x16xf32, #tpu.memory_space<vmem_shared>>
        tpu.wait_indirect_dma semaphore(%run_scoped3A : memref<!tpu.dma_semaphore, #tpu.memory_space<semaphore_mem>>) src(%arg5 : memref<125x16xf32, #tpu.memory_space<vmem>>) dst(%dma_wait3A_43 : memref<10000x16xf32, #tpu.memory_space<vmem_shared>>)
        tpu.yield
      }) : () -> ()
      %scan3A_33 = arith.constant 0 : i32
      scf.yield %scan3A_33 : i32
    }
    %scan3A_27 = arith.constant 40 : i32
    %barrier3A_28 = arith.constant 0 : index
    tpu.barrier barrier_id(%barrier3A_28)
    %mul3A_29 = arith.constant 625 : i32
    %mul3A_30 = arith.muli %arg1, %mul3A_29 : i32
    "tpu.region"() ({
      %run_scoped3A = tpu.sem_alloc : memref<!tpu.dma_semaphore, #tpu.memory_space<semaphore_mem>>
      %dma_start3A = arith.constant 0 : i32
      %dma_start3A_31 = tpu.memref_slice %arg3[%arg0, %mul3A_30, %dma_start3A] : memref<2x10000x16xf32, #tpu.memory_space<hbm>> -> memref<1x625x16xf32, #tpu.memory_space<hbm>>
      %dma_start3A_32 = tpu.memref_squeeze %dma_start3A_31 : memref<1x625x16xf32, #tpu.memory_space<hbm>> -> memref<625x16xf32, #tpu.memory_space<hbm>>
      %dma_start3A_33 = arith.constant 0 : i32
      %dma_start3A_34 = tpu.memref_slice %arg6[%mul3A_30, %dma_start3A_33] : memref<10000x16xf32, #tpu.memory_space<vmem_shared>> -> memref<625x16xf32, #tpu.memory_space<vmem_shared>>
      tpu.enqueue_dma source(%dma_start3A_34 : memref<625x16xf32, #tpu.memory_space<vmem_shared>>) target(%dma_start3A_32 : memref<625x16xf32, #tpu.memory_space<hbm>>) target_semaphore(%run_scoped3A : memref<!tpu.dma_semaphore, #tpu.memory_space<semaphore_mem>>)
      %dma_wait3A = arith.constant 0 : i32
      %dma_wait3A_35 = tpu.memref_slice %arg3[%arg0, %mul3A_30, %dma_wait3A] : memref<2x10000x16xf32, #tpu.memory_space<hbm>> -> memref<1x625x16xf32, #tpu.memory_space<hbm>>
      %dma_wait3A_36 = tpu.memref_squeeze %dma_wait3A_35 : memref<1x625x16xf32, #tpu.memory_space<hbm>> -> memref<625x16xf32, #tpu.memory_space<hbm>>
      %dma_wait3A_37 = arith.constant 0 : i32
      %dma_wait3A_38 = tpu.memref_slice %arg6[%mul3A_30, %dma_wait3A_37] : memref<10000x16xf32, #tpu.memory_space<vmem_shared>> -> memref<625x16xf32, #tpu.memory_space<vmem_shared>>
      tpu.wait_dma2 semaphore(%run_scoped3A : memref<!tpu.dma_semaphore, #tpu.memory_space<semaphore_mem>>) src(%dma_wait3A_38 : memref<625x16xf32, #tpu.memory_space<vmem_shared>>) dst(%dma_wait3A_36 : memref<625x16xf32, #tpu.memory_space<hbm>>)
      tpu.yield
    }) : () -> ()
    return
  }
}

#map = affine_map<(d0, d1) -> (0, 0)>
#map1 = affine_map<(d0, d1) -> (0, 0, 0)>
module attributes {stable_mosaic.version = 14 : i64} {
  func.func @body(%arg0: i32, %arg1: i32, %arg2: memref<160000x16xf32, #tpu.memory_space<hbm>>, %arg3: memref<32x40x125xi32, #tpu.memory_space<hbm>>, %arg4: memref<2x10000x16xf32, #tpu.memory_space<hbm>>, %arg5: memref<40x125xi32, #tpu.memory_space<vmem>>, %arg6: memref<5000x16xf32, #tpu.memory_space<vmem>>, %arg7: memref<125x16xf32, #tpu.memory_space<vmem>>, %arg8: memref<10000x16xf32, #tpu.memory_space<vmem_shared>>) attributes {dimension_semantics = [#tpu.dimension_semantics<core_parallel>, #tpu.dimension_semantics<subcore_parallel>], iteration_bounds = array<i64: 2, 16>, scalar_prefetch = 0 : i64, scratch_operands = 4 : i64, tpu.core_type = #tpu.core_type<sc_vector_subcore>, window_params = [{transform_indices = #map}, {transform_indices = #map1}, {transform_indices = #map1}]} {
    %mul3A = arith.constant 2 : i32
    %mul3A_0 = arith.muli %arg1, %mul3A : i32
    %add3A = arith.addi %mul3A_0, %arg0 : i32
    %scan3A = arith.constant 0 : i32
    %scan3A_1 = arith.constant 0 : i32
    %scan3A_2 = arith.constant 125 : i32
    %scan3A_3 = arith.addi %scan3A_1, %scan3A_2 : i32
    %scan3A_4 = arith.constant 1 : i32
    %scan3A_5 = scf.for %scan3A_26 = %scan3A_1 to %scan3A_3 step %scan3A_4 iter_args(%scan3A_27 = %scan3A) -> (i32)  : i32 {
      %broadcast_in_dim3A = arith.constant 0.000000e+00 : f32
      %broadcast_in_dim3A_28 = vector.broadcast %broadcast_in_dim3A : f32 to vector<16xf32>
      %swap3A = arith.index_cast %scan3A_26 : i32 to index
      %swap3A_29 = arith.constant 0 : index
      %swap3A_30 = tpu.vector_load %arg7[%swap3A, %swap3A_29] {strides = array<i32>} : memref<125x16xf32, #tpu.memory_space<vmem>>, vector<1x16xf32>,
      %swap3A_31 = vector.shape_cast %swap3A_30 : vector<1x16xf32> to vector<16xf32>
      %swap3A_32 = vector.shape_cast %broadcast_in_dim3A_28 : vector<16xf32> to vector<1x16xf32>
      tpu.vector_store %arg7[%swap3A, %swap3A_29], %swap3A_32 {strides = array<i32>} : memref<125x16xf32, #tpu.memory_space<vmem>>, vector<1x16xf32>,
      %scan3A_33 = arith.constant 0 : i32
      scf.yield %scan3A_33 : i32
    }
    %scan3A_6 = arith.constant 125 : i32
    %scan3A_7 = arith.constant 0 : i32
    %scan3A_8 = arith.constant 0 : i32
    %scan3A_9 = arith.constant 5 : i32
    %scan3A_10 = arith.addi %scan3A_8, %scan3A_9 : i32
    %scan3A_11 = arith.constant 1 : i32
    %scan3A_12 = scf.for %scan3A_26 = %scan3A_8 to %scan3A_10 step %scan3A_11 iter_args(%scan3A_27 = %scan3A_7) -> (i32)  : i32 {
      %mul3A_28 = arith.constant 625 : i32
      %mul3A_29 = arith.muli %arg1, %mul3A_28 : i32
      %mul3A_30 = arith.constant 125 : i32
      %mul3A_31 = arith.muli %scan3A_26, %mul3A_30 : i32
      %add3A_32 = arith.addi %mul3A_29, %mul3A_31 : i32
      "tpu.region"() ({
        %run_scoped3A = tpu.sem_alloc : memref<!tpu.dma_semaphore, #tpu.memory_space<semaphore_mem>>
        %dma_start3A = arith.constant 0 : i32
        %dma_start3A_34 = tpu.memref_slice %arg8[%add3A_32, %dma_start3A] : memref<10000x16xf32, #tpu.memory_space<vmem_shared>> -> memref<125x16xf32, #tpu.memory_space<vmem_shared>>
        %dma_start3A_35 = arith.constant 0 : i32
        %dma_start3A_36 = tpu.memref_slice %arg8[%add3A_32, %dma_start3A_35] : memref<10000x16xf32, #tpu.memory_space<vmem_shared>> -> memref<125x16xf32, #tpu.memory_space<vmem_shared>>
        tpu.enqueue_dma source(%arg7 : memref<125x16xf32, #tpu.memory_space<vmem>>) target(%dma_start3A_36 : memref<125x16xf32, #tpu.memory_space<vmem_shared>>) target_semaphore(%run_scoped3A : memref<!tpu.dma_semaphore, #tpu.memory_space<semaphore_mem>>)
        %dma_wait3A = arith.constant 0 : i32
        %dma_wait3A_37 = tpu.memref_slice %arg8[%add3A_32, %dma_wait3A] : memref<10000x16xf32, #tpu.memory_space<vmem_shared>> -> memref<125x16xf32, #tpu.memory_space<vmem_shared>>
        %dma_wait3A_38 = arith.constant 0 : i32
        %dma_wait3A_39 = tpu.memref_slice %arg8[%add3A_32, %dma_wait3A_38] : memref<10000x16xf32, #tpu.memory_space<vmem_shared>> -> memref<125x16xf32, #tpu.memory_space<vmem_shared>>
        tpu.wait_dma2 semaphore(%run_scoped3A : memref<!tpu.dma_semaphore, #tpu.memory_space<semaphore_mem>>) src(%arg7 : memref<125x16xf32, #tpu.memory_space<vmem>>) dst(%dma_wait3A_39 : memref<125x16xf32, #tpu.memory_space<vmem_shared>>)
        tpu.yield
      }) : () -> ()
      %scan3A_33 = arith.constant 0 : i32
      scf.yield %scan3A_33 : i32
    }
    %scan3A_13 = arith.constant 5 : i32
    %barrier3A = arith.constant 0 : index
    tpu.barrier barrier_id(%barrier3A)
    %mul3A_14 = arith.constant 5000 : i32
    %mul3A_15 = arith.muli %add3A, %mul3A_14 : i32
    "tpu.region"() ({
      %run_scoped3A = tpu.sem_alloc : memref<!tpu.dma_semaphore, #tpu.memory_space<semaphore_mem>>
      %dma_start3A = arith.constant 0 : i32
      %dma_start3A_26 = tpu.memref_slice %arg2[%mul3A_15, %dma_start3A] : memref<160000x16xf32, #tpu.memory_space<hbm>> -> memref<5000x16xf32, #tpu.memory_space<hbm>>
      %dma_start3A_27 = arith.constant 0 : i32
      %dma_start3A_28 = tpu.memref_slice %arg2[%mul3A_15, %dma_start3A_27] : memref<160000x16xf32, #tpu.memory_space<hbm>> -> memref<5000x16xf32, #tpu.memory_space<hbm>>
      tpu.enqueue_dma source(%dma_start3A_28 : memref<5000x16xf32, #tpu.memory_space<hbm>>) target(%arg6 : memref<5000x16xf32, #tpu.memory_space<vmem>>) target_semaphore(%run_scoped3A : memref<!tpu.dma_semaphore, #tpu.memory_space<semaphore_mem>>)
      %dma_wait3A = arith.constant 0 : i32
      %dma_wait3A_29 = tpu.memref_slice %arg2[%mul3A_15, %dma_wait3A] : memref<160000x16xf32, #tpu.memory_space<hbm>> -> memref<5000x16xf32, #tpu.memory_space<hbm>>
      %dma_wait3A_30 = arith.constant 0 : i32
      %dma_wait3A_31 = tpu.memref_slice %arg2[%mul3A_15, %dma_wait3A_30] : memref<160000x16xf32, #tpu.memory_space<hbm>> -> memref<5000x16xf32, #tpu.memory_space<hbm>>
      tpu.wait_dma2 semaphore(%run_scoped3A : memref<!tpu.dma_semaphore, #tpu.memory_space<semaphore_mem>>) src(%dma_wait3A_31 : memref<5000x16xf32, #tpu.memory_space<hbm>>) dst(%arg6 : memref<5000x16xf32, #tpu.memory_space<vmem>>)
      tpu.yield
    }) : () -> ()
    "tpu.region"() ({
      %run_scoped3A = tpu.sem_alloc : memref<!tpu.dma_semaphore, #tpu.memory_space<semaphore_mem>>
      %dma_start3A = arith.constant 0 : i32
      %dma_start3A_26 = arith.constant 0 : i32
      %dma_start3A_27 = tpu.memref_slice %arg3[%add3A, %dma_start3A, %dma_start3A_26] : memref<32x40x125xi32, #tpu.memory_space<hbm>> -> memref<1x40x125xi32, #tpu.memory_space<hbm>>
      %dma_start3A_28 = tpu.memref_squeeze %dma_start3A_27 : memref<1x40x125xi32, #tpu.memory_space<hbm>> -> memref<40x125xi32, #tpu.memory_space<hbm>>
      %dma_start3A_29 = arith.constant 0 : i32
      %dma_start3A_30 = arith.constant 0 : i32
      %dma_start3A_31 = tpu.memref_slice %arg3[%add3A, %dma_start3A_29, %dma_start3A_30] : memref<32x40x125xi32, #tpu.memory_space<hbm>> -> memref<1x40x125xi32, #tpu.memory_space<hbm>>
      %dma_start3A_32 = tpu.memref_squeeze %dma_start3A_31 : memref<1x40x125xi32, #tpu.memory_space<hbm>> -> memref<40x125xi32, #tpu.memory_space<hbm>>
      tpu.enqueue_dma source(%dma_start3A_32 : memref<40x125xi32, #tpu.memory_space<hbm>>) target(%arg5 : memref<40x125xi32, #tpu.memory_space<vmem>>) target_semaphore(%run_scoped3A : memref<!tpu.dma_semaphore, #tpu.memory_space<semaphore_mem>>)
      %dma_wait3A = arith.constant 0 : i32
      %dma_wait3A_33 = arith.constant 0 : i32
      %dma_wait3A_34 = tpu.memref_slice %arg3[%add3A, %dma_wait3A, %dma_wait3A_33] : memref<32x40x125xi32, #tpu.memory_space<hbm>> -> memref<1x40x125xi32, #tpu.memory_space<hbm>>
      %dma_wait3A_35 = tpu.memref_squeeze %dma_wait3A_34 : memref<1x40x125xi32, #tpu.memory_space<hbm>> -> memref<40x125xi32, #tpu.memory_space<hbm>>
      %dma_wait3A_36 = arith.constant 0 : i32
      %dma_wait3A_37 = arith.constant 0 : i32
      %dma_wait3A_38 = tpu.memref_slice %arg3[%add3A, %dma_wait3A_36, %dma_wait3A_37] : memref<32x40x125xi32, #tpu.memory_space<hbm>> -> memref<1x40x125xi32, #tpu.memory_space<hbm>>
      %dma_wait3A_39 = tpu.memref_squeeze %dma_wait3A_38 : memref<1x40x125xi32, #tpu.memory_space<hbm>> -> memref<40x125xi32, #tpu.memory_space<hbm>>
      tpu.wait_dma2 semaphore(%run_scoped3A : memref<!tpu.dma_semaphore, #tpu.memory_space<semaphore_mem>>) src(%dma_wait3A_39 : memref<40x125xi32, #tpu.memory_space<hbm>>) dst(%arg5 : memref<40x125xi32, #tpu.memory_space<vmem>>)
      tpu.yield
    }) : () -> ()
    %scan3A_16 = arith.constant 0 : i32
    %scan3A_17 = arith.constant 0 : i32
    %scan3A_18 = arith.constant 40 : i32
    %scan3A_19 = arith.addi %scan3A_17, %scan3A_18 : i32
    %scan3A_20 = arith.constant 1 : i32
    %scan3A_21 = scf.for %scan3A_26 = %scan3A_17 to %scan3A_19 step %scan3A_20 iter_args(%scan3A_27 = %scan3A_16) -> (i32)  : i32 {
      %mul3A_28 = arith.constant 125 : i32
      %mul3A_29 = arith.muli %scan3A_26, %mul3A_28 : i32
      "tpu.region"() ({
        %run_scoped3A = tpu.sem_alloc : memref<!tpu.dma_semaphore, #tpu.memory_space<semaphore_mem>>
        %dma_start3A = arith.constant 0 : i32
        %dma_start3A_31 = tpu.memref_slice %arg6[%mul3A_29, %dma_start3A] : memref<5000x16xf32, #tpu.memory_space<vmem>> -> memref<125x16xf32, #tpu.memory_space<vmem>>
        %dma_start3A_32 = arith.constant 0 : i32
        %dma_start3A_33 = tpu.memref_slice %arg5[%scan3A_26, %dma_start3A_32] : memref<40x125xi32, #tpu.memory_space<vmem>> -> memref<1x125xi32, #tpu.memory_space<vmem>>
        %dma_start3A_34 = tpu.memref_squeeze %dma_start3A_33 : memref<1x125xi32, #tpu.memory_space<vmem>> -> memref<125xi32, #tpu.memory_space<vmem>>
        %dma_start3A_35 = arith.constant 0 : i32
        %dma_start3A_36 = arith.constant 0 : i32
        %dma_start3A_37 = tpu.memref_slice %arg8[%dma_start3A_35, %dma_start3A_36] : memref<10000x16xf32, #tpu.memory_space<vmem_shared>> -> memref<10000x16xf32, #tpu.memory_space<vmem_shared>>
        tpu.enqueue_indirect_dma source(%dma_start3A_31 : memref<125x16xf32, #tpu.memory_space<vmem>>) target(%dma_start3A_37 : memref<10000x16xf32, #tpu.memory_space<vmem_shared>>) offsets(%dma_start3A_34 : memref<125xi32, #tpu.memory_space<vmem>>) semaphore(%run_scoped3A : memref<!tpu.dma_semaphore, #tpu.memory_space<semaphore_mem>>) {add = true}
        %dma_wait3A = arith.constant 0 : i32
        %dma_wait3A_38 = tpu.memref_slice %arg6[%mul3A_29, %dma_wait3A] : memref<5000x16xf32, #tpu.memory_space<vmem>> -> memref<125x16xf32, #tpu.memory_space<vmem>>
        %dma_wait3A_39 = arith.constant 0 : i32
        %dma_wait3A_40 = tpu.memref_slice %arg5[%scan3A_26, %dma_wait3A_39] : memref<40x125xi32, #tpu.memory_space<vmem>> -> memref<1x125xi32, #tpu.memory_space<vmem>>
        %dma_wait3A_41 = tpu.memref_squeeze %dma_wait3A_40 : memref<1x125xi32, #tpu.memory_space<vmem>> -> memref<125xi32, #tpu.memory_space<vmem>>
        %dma_wait3A_42 = arith.constant 0 : i32
        %dma_wait3A_43 = arith.constant 0 : i32
        %dma_wait3A_44 = tpu.memref_slice %arg8[%dma_wait3A_42, %dma_wait3A_43] : memref<10000x16xf32, #tpu.memory_space<vmem_shared>> -> memref<10000x16xf32, #tpu.memory_space<vmem_shared>>
        tpu.wait_indirect_dma semaphore(%run_scoped3A : memref<!tpu.dma_semaphore, #tpu.memory_space<semaphore_mem>>) src(%dma_wait3A_38 : memref<125x16xf32, #tpu.memory_space<vmem>>) dst(%dma_wait3A_44 : memref<10000x16xf32, #tpu.memory_space<vmem_shared>>)
        tpu.yield
      }) : () -> ()
      %scan3A_30 = arith.constant 0 : i32
      scf.yield %scan3A_30 : i32
    }
    %scan3A_22 = arith.constant 40 : i32
    %barrier3A_23 = arith.constant 0 : index
    tpu.barrier barrier_id(%barrier3A_23)
    %mul3A_24 = arith.constant 625 : i32
    %mul3A_25 = arith.muli %arg1, %mul3A_24 : i32
    "tpu.region"() ({
      %run_scoped3A = tpu.sem_alloc : memref<!tpu.dma_semaphore, #tpu.memory_space<semaphore_mem>>
      %dma_start3A = arith.constant 0 : i32
      %dma_start3A_26 = tpu.memref_slice %arg4[%arg0, %mul3A_25, %dma_start3A] : memref<2x10000x16xf32, #tpu.memory_space<hbm>> -> memref<1x625x16xf32, #tpu.memory_space<hbm>>
      %dma_start3A_27 = tpu.memref_squeeze %dma_start3A_26 : memref<1x625x16xf32, #tpu.memory_space<hbm>> -> memref<625x16xf32, #tpu.memory_space<hbm>>
      %dma_start3A_28 = arith.constant 0 : i32
      %dma_start3A_29 = tpu.memref_slice %arg8[%mul3A_25, %dma_start3A_28] : memref<10000x16xf32, #tpu.memory_space<vmem_shared>> -> memref<625x16xf32, #tpu.memory_space<vmem_shared>>
      tpu.enqueue_dma source(%dma_start3A_29 : memref<625x16xf32, #tpu.memory_space<vmem_shared>>) target(%dma_start3A_27 : memref<625x16xf32, #tpu.memory_space<hbm>>) target_semaphore(%run_scoped3A : memref<!tpu.dma_semaphore, #tpu.memory_space<semaphore_mem>>)
      %dma_wait3A = arith.constant 0 : i32
      %dma_wait3A_30 = tpu.memref_slice %arg4[%arg0, %mul3A_25, %dma_wait3A] : memref<2x10000x16xf32, #tpu.memory_space<hbm>> -> memref<1x625x16xf32, #tpu.memory_space<hbm>>
      %dma_wait3A_31 = tpu.memref_squeeze %dma_wait3A_30 : memref<1x625x16xf32, #tpu.memory_space<hbm>> -> memref<625x16xf32, #tpu.memory_space<hbm>>
      %dma_wait3A_32 = arith.constant 0 : i32
      %dma_wait3A_33 = tpu.memref_slice %arg8[%mul3A_25, %dma_wait3A_32] : memref<10000x16xf32, #tpu.memory_space<vmem_shared>> -> memref<625x16xf32, #tpu.memory_space<vmem_shared>>
      tpu.wait_dma2 semaphore(%run_scoped3A : memref<!tpu.dma_semaphore, #tpu.memory_space<semaphore_mem>>) src(%dma_wait3A_33 : memref<625x16xf32, #tpu.memory_space<vmem_shared>>) dst(%dma_wait3A_31 : memref<625x16xf32, #tpu.memory_space<hbm>>)
      tpu.yield
    }) : () -> ()
    return
  }
}

#map = affine_map<(d0, d1) -> (0, 0)>
#map1 = affine_map<(d0, d1) -> (0, 0, 0)>
module attributes {stable_mosaic.version = 14 : i64} {
  func.func @body(%arg0: i32, %arg1: i32, %arg2: memref<160000x16xf32, #tpu.memory_space<hbm>>, %arg3: memref<32x40x125xi32, #tpu.memory_space<hbm>>, %arg4: memref<2x10000x16xf32, #tpu.memory_space<hbm>>, %arg5: memref<40x125xi32, #tpu.memory_space<vmem>>, %arg6: memref<5000x16xf32, #tpu.memory_space<vmem>>, %arg7: memref<125x16xf32, #tpu.memory_space<vmem>>, %arg8: memref<10000x16xf32, #tpu.memory_space<vmem_shared>>) attributes {dimension_semantics = [#tpu.dimension_semantics<core_parallel>, #tpu.dimension_semantics<subcore_parallel>], iteration_bounds = array<i64: 2, 16>, scalar_prefetch = 0 : i64, scratch_operands = 4 : i64, tpu.core_type = #tpu.core_type<sc_vector_subcore>, window_params = [{transform_indices = #map}, {transform_indices = #map1}, {transform_indices = #map1}]} {
    %mul3A = arith.constant 2 : i32
    %mul3A_0 = arith.muli %arg1, %mul3A : i32
    %add3A = arith.addi %mul3A_0, %arg0 : i32
    %scan3A = arith.constant 0 : i32
    %scan3A_1 = arith.constant 0 : i32
    %scan3A_2 = arith.constant 125 : i32
    %scan3A_3 = arith.addi %scan3A_1, %scan3A_2 : i32
    %scan3A_4 = arith.constant 1 : i32
    %scan3A_5 = scf.for %scan3A_26 = %scan3A_1 to %scan3A_3 step %scan3A_4 iter_args(%scan3A_27 = %scan3A) -> (i32)  : i32 {
      %broadcast_in_dim3A = arith.constant 0.000000e+00 : f32
      %broadcast_in_dim3A_28 = vector.broadcast %broadcast_in_dim3A : f32 to vector<16xf32>
      %swap3A = arith.index_cast %scan3A_26 : i32 to index
      %swap3A_29 = arith.constant 0 : index
      %swap3A_30 = tpu.vector_load %arg7[%swap3A, %swap3A_29] {strides = array<i32>} : memref<125x16xf32, #tpu.memory_space<vmem>>, vector<1x16xf32>,
      %swap3A_31 = vector.shape_cast %swap3A_30 : vector<1x16xf32> to vector<16xf32>
      %swap3A_32 = vector.shape_cast %broadcast_in_dim3A_28 : vector<16xf32> to vector<1x16xf32>
      tpu.vector_store %arg7[%swap3A, %swap3A_29], %swap3A_32 {strides = array<i32>} : memref<125x16xf32, #tpu.memory_space<vmem>>, vector<1x16xf32>,
      %scan3A_33 = arith.constant 0 : i32
      scf.yield %scan3A_33 : i32
    }
    %scan3A_6 = arith.constant 125 : i32
    %scan3A_7 = arith.constant 0 : i32
    %scan3A_8 = arith.constant 0 : i32
    %scan3A_9 = arith.constant 5 : i32
    %scan3A_10 = arith.addi %scan3A_8, %scan3A_9 : i32
    %scan3A_11 = arith.constant 1 : i32
    %scan3A_12 = scf.for %scan3A_26 = %scan3A_8 to %scan3A_10 step %scan3A_11 iter_args(%scan3A_27 = %scan3A_7) -> (i32)  : i32 {
      %mul3A_28 = arith.constant 625 : i32
      %mul3A_29 = arith.muli %arg1, %mul3A_28 : i32
      %mul3A_30 = arith.constant 125 : i32
      %mul3A_31 = arith.muli %scan3A_26, %mul3A_30 : i32
      %add3A_32 = arith.addi %mul3A_29, %mul3A_31 : i32
      "tpu.region"() ({
        %run_scoped3A = tpu.sem_alloc : memref<!tpu.dma_semaphore, #tpu.memory_space<semaphore_mem>>
        %dma_start3A = arith.constant 0 : i32
        %dma_start3A_34 = tpu.memref_slice %arg8[%add3A_32, %dma_start3A] : memref<10000x16xf32, #tpu.memory_space<vmem_shared>> -> memref<125x16xf32, #tpu.memory_space<vmem_shared>>
        %dma_start3A_35 = arith.constant 0 : i32
        %dma_start3A_36 = tpu.memref_slice %arg8[%add3A_32, %dma_start3A_35] : memref<10000x16xf32, #tpu.memory_space<vmem_shared>> -> memref<125x16xf32, #tpu.memory_space<vmem_shared>>
        tpu.enqueue_dma source(%arg7 : memref<125x16xf32, #tpu.memory_space<vmem>>) target(%dma_start3A_36 : memref<125x16xf32, #tpu.memory_space<vmem_shared>>) target_semaphore(%run_scoped3A : memref<!tpu.dma_semaphore, #tpu.memory_space<semaphore_mem>>)
        %dma_wait3A = arith.constant 0 : i32
        %dma_wait3A_37 = tpu.memref_slice %arg8[%add3A_32, %dma_wait3A] : memref<10000x16xf32, #tpu.memory_space<vmem_shared>> -> memref<125x16xf32, #tpu.memory_space<vmem_shared>>
        %dma_wait3A_38 = arith.constant 0 : i32
        %dma_wait3A_39 = tpu.memref_slice %arg8[%add3A_32, %dma_wait3A_38] : memref<10000x16xf32, #tpu.memory_space<vmem_shared>> -> memref<125x16xf32, #tpu.memory_space<vmem_shared>>
        tpu.wait_dma2 semaphore(%run_scoped3A : memref<!tpu.dma_semaphore, #tpu.memory_space<semaphore_mem>>) src(%arg7 : memref<125x16xf32, #tpu.memory_space<vmem>>) dst(%dma_wait3A_39 : memref<125x16xf32, #tpu.memory_space<vmem_shared>>)
        tpu.yield
      }) : () -> ()
      %scan3A_33 = arith.constant 0 : i32
      scf.yield %scan3A_33 : i32
    }
    %scan3A_13 = arith.constant 5 : i32
    %barrier3A = arith.constant 0 : index
    tpu.barrier barrier_id(%barrier3A)
    %mul3A_14 = arith.constant 5000 : i32
    %mul3A_15 = arith.muli %add3A, %mul3A_14 : i32
    "tpu.region"() ({
      %run_scoped3A = tpu.sem_alloc : memref<!tpu.dma_semaphore, #tpu.memory_space<semaphore_mem>>
      %dma_start3A = arith.constant 0 : i32
      %dma_start3A_26 = tpu.memref_slice %arg2[%mul3A_15, %dma_start3A] : memref<160000x16xf32, #tpu.memory_space<hbm>> -> memref<5000x16xf32, #tpu.memory_space<hbm>>
      %dma_start3A_27 = arith.constant 0 : i32
      %dma_start3A_28 = tpu.memref_slice %arg2[%mul3A_15, %dma_start3A_27] : memref<160000x16xf32, #tpu.memory_space<hbm>> -> memref<5000x16xf32, #tpu.memory_space<hbm>>
      tpu.enqueue_dma source(%dma_start3A_28 : memref<5000x16xf32, #tpu.memory_space<hbm>>) target(%arg6 : memref<5000x16xf32, #tpu.memory_space<vmem>>) target_semaphore(%run_scoped3A : memref<!tpu.dma_semaphore, #tpu.memory_space<semaphore_mem>>)
      %dma_wait3A = arith.constant 0 : i32
      %dma_wait3A_29 = tpu.memref_slice %arg2[%mul3A_15, %dma_wait3A] : memref<160000x16xf32, #tpu.memory_space<hbm>> -> memref<5000x16xf32, #tpu.memory_space<hbm>>
      %dma_wait3A_30 = arith.constant 0 : i32
      %dma_wait3A_31 = tpu.memref_slice %arg2[%mul3A_15, %dma_wait3A_30] : memref<160000x16xf32, #tpu.memory_space<hbm>> -> memref<5000x16xf32, #tpu.memory_space<hbm>>
      tpu.wait_dma2 semaphore(%run_scoped3A : memref<!tpu.dma_semaphore, #tpu.memory_space<semaphore_mem>>) src(%dma_wait3A_31 : memref<5000x16xf32, #tpu.memory_space<hbm>>) dst(%arg6 : memref<5000x16xf32, #tpu.memory_space<vmem>>)
      tpu.yield
    }) : () -> ()
    "tpu.region"() ({
      %run_scoped3A = tpu.sem_alloc : memref<!tpu.dma_semaphore, #tpu.memory_space<semaphore_mem>>
      %dma_start3A = arith.constant 0 : i32
      %dma_start3A_26 = arith.constant 0 : i32
      %dma_start3A_27 = tpu.memref_slice %arg3[%add3A, %dma_start3A, %dma_start3A_26] : memref<32x40x125xi32, #tpu.memory_space<hbm>> -> memref<1x40x125xi32, #tpu.memory_space<hbm>>
      %dma_start3A_28 = tpu.memref_squeeze %dma_start3A_27 : memref<1x40x125xi32, #tpu.memory_space<hbm>> -> memref<40x125xi32, #tpu.memory_space<hbm>>
      %dma_start3A_29 = arith.constant 0 : i32
      %dma_start3A_30 = arith.constant 0 : i32
      %dma_start3A_31 = tpu.memref_slice %arg3[%add3A, %dma_start3A_29, %dma_start3A_30] : memref<32x40x125xi32, #tpu.memory_space<hbm>> -> memref<1x40x125xi32, #tpu.memory_space<hbm>>
      %dma_start3A_32 = tpu.memref_squeeze %dma_start3A_31 : memref<1x40x125xi32, #tpu.memory_space<hbm>> -> memref<40x125xi32, #tpu.memory_space<hbm>>
      tpu.enqueue_dma source(%dma_start3A_32 : memref<40x125xi32, #tpu.memory_space<hbm>>) target(%arg5 : memref<40x125xi32, #tpu.memory_space<vmem>>) target_semaphore(%run_scoped3A : memref<!tpu.dma_semaphore, #tpu.memory_space<semaphore_mem>>)
      %dma_wait3A = arith.constant 0 : i32
      %dma_wait3A_33 = arith.constant 0 : i32
      %dma_wait3A_34 = tpu.memref_slice %arg3[%add3A, %dma_wait3A, %dma_wait3A_33] : memref<32x40x125xi32, #tpu.memory_space<hbm>> -> memref<1x40x125xi32, #tpu.memory_space<hbm>>
      %dma_wait3A_35 = tpu.memref_squeeze %dma_wait3A_34 : memref<1x40x125xi32, #tpu.memory_space<hbm>> -> memref<40x125xi32, #tpu.memory_space<hbm>>
      %dma_wait3A_36 = arith.constant 0 : i32
      %dma_wait3A_37 = arith.constant 0 : i32
      %dma_wait3A_38 = tpu.memref_slice %arg3[%add3A, %dma_wait3A_36, %dma_wait3A_37] : memref<32x40x125xi32, #tpu.memory_space<hbm>> -> memref<1x40x125xi32, #tpu.memory_space<hbm>>
      %dma_wait3A_39 = tpu.memref_squeeze %dma_wait3A_38 : memref<1x40x125xi32, #tpu.memory_space<hbm>> -> memref<40x125xi32, #tpu.memory_space<hbm>>
      tpu.wait_dma2 semaphore(%run_scoped3A : memref<!tpu.dma_semaphore, #tpu.memory_space<semaphore_mem>>) src(%dma_wait3A_39 : memref<40x125xi32, #tpu.memory_space<hbm>>) dst(%arg5 : memref<40x125xi32, #tpu.memory_space<vmem>>)
      tpu.yield
    }) : () -> ()
    %scan3A_16 = arith.constant 0 : i32
    %scan3A_17 = arith.constant 0 : i32
    %scan3A_18 = arith.constant 40 : i32
    %scan3A_19 = arith.addi %scan3A_17, %scan3A_18 : i32
    %scan3A_20 = arith.constant 1 : i32
    %scan3A_21 = scf.for %scan3A_26 = %scan3A_17 to %scan3A_19 step %scan3A_20 iter_args(%scan3A_27 = %scan3A_16) -> (i32)  : i32 {
      %mul3A_28 = arith.constant 125 : i32
      %mul3A_29 = arith.muli %scan3A_26, %mul3A_28 : i32
      "tpu.region"() ({
        %run_scoped3A = tpu.sem_alloc : memref<!tpu.dma_semaphore, #tpu.memory_space<semaphore_mem>>
        %dma_start3A = arith.constant 0 : i32
        %dma_start3A_31 = tpu.memref_slice %arg6[%mul3A_29, %dma_start3A] : memref<5000x16xf32, #tpu.memory_space<vmem>> -> memref<125x16xf32, #tpu.memory_space<vmem>>
        %dma_start3A_32 = arith.constant 0 : i32
        %dma_start3A_33 = tpu.memref_slice %arg5[%scan3A_26, %dma_start3A_32] : memref<40x125xi32, #tpu.memory_space<vmem>> -> memref<1x125xi32, #tpu.memory_space<vmem>>
        %dma_start3A_34 = tpu.memref_squeeze %dma_start3A_33 : memref<1x125xi32, #tpu.memory_space<vmem>> -> memref<125xi32, #tpu.memory_space<vmem>>
        %dma_start3A_35 = arith.constant 0 : i32
        %dma_start3A_36 = arith.constant 0 : i32
        %dma_start3A_37 = tpu.memref_slice %arg8[%dma_start3A_35, %dma_start3A_36] : memref<10000x16xf32, #tpu.memory_space<vmem_shared>> -> memref<10000x16xf32, #tpu.memory_space<vmem_shared>>
        tpu.enqueue_indirect_dma source(%dma_start3A_31 : memref<125x16xf32, #tpu.memory_space<vmem>>) target(%dma_start3A_37 : memref<10000x16xf32, #tpu.memory_space<vmem_shared>>) offsets(%dma_start3A_34 : memref<125xi32, #tpu.memory_space<vmem>>) semaphore(%run_scoped3A : memref<!tpu.dma_semaphore, #tpu.memory_space<semaphore_mem>>) {add = true}
        %dma_wait3A = arith.constant 0 : i32
        %dma_wait3A_38 = tpu.memref_slice %arg6[%mul3A_29, %dma_wait3A] : memref<5000x16xf32, #tpu.memory_space<vmem>> -> memref<125x16xf32, #tpu.memory_space<vmem>>
        %dma_wait3A_39 = arith.constant 0 : i32
        %dma_wait3A_40 = tpu.memref_slice %arg5[%scan3A_26, %dma_wait3A_39] : memref<40x125xi32, #tpu.memory_space<vmem>> -> memref<1x125xi32, #tpu.memory_space<vmem>>
        %dma_wait3A_41 = tpu.memref_squeeze %dma_wait3A_40 : memref<1x125xi32, #tpu.memory_space<vmem>> -> memref<125xi32, #tpu.memory_space<vmem>>
        %dma_wait3A_42 = arith.constant 0 : i32
        %dma_wait3A_43 = arith.constant 0 : i32
        %dma_wait3A_44 = tpu.memref_slice %arg8[%dma_wait3A_42, %dma_wait3A_43] : memref<10000x16xf32, #tpu.memory_space<vmem_shared>> -> memref<10000x16xf32, #tpu.memory_space<vmem_shared>>
        tpu.wait_indirect_dma semaphore(%run_scoped3A : memref<!tpu.dma_semaphore, #tpu.memory_space<semaphore_mem>>) src(%dma_wait3A_38 : memref<125x16xf32, #tpu.memory_space<vmem>>) dst(%dma_wait3A_44 : memref<10000x16xf32, #tpu.memory_space<vmem_shared>>)
        tpu.yield
      }) : () -> ()
      %scan3A_30 = arith.constant 0 : i32
      scf.yield %scan3A_30 : i32
    }
    %scan3A_22 = arith.constant 40 : i32
    %barrier3A_23 = arith.constant 0 : index
    tpu.barrier barrier_id(%barrier3A_23)
    %mul3A_24 = arith.constant 625 : i32
    %mul3A_25 = arith.muli %arg1, %mul3A_24 : i32
    "tpu.region"() ({
      %run_scoped3A = tpu.sem_alloc : memref<!tpu.dma_semaphore, #tpu.memory_space<semaphore_mem>>
      %dma_start3A = arith.constant 0 : i32
      %dma_start3A_26 = tpu.memref_slice %arg4[%arg0, %mul3A_25, %dma_start3A] : memref<2x10000x16xf32, #tpu.memory_space<hbm>> -> memref<1x625x16xf32, #tpu.memory_space<hbm>>
      %dma_start3A_27 = tpu.memref_squeeze %dma_start3A_26 : memref<1x625x16xf32, #tpu.memory_space<hbm>> -> memref<625x16xf32, #tpu.memory_space<hbm>>
      %dma_start3A_28 = arith.constant 0 : i32
      %dma_start3A_29 = tpu.memref_slice %arg8[%mul3A_25, %dma_start3A_28] : memref<10000x16xf32, #tpu.memory_space<vmem_shared>> -> memref<625x16xf32, #tpu.memory_space<vmem_shared>>
      tpu.enqueue_dma source(%dma_start3A_29 : memref<625x16xf32, #tpu.memory_space<vmem_shared>>) target(%dma_start3A_27 : memref<625x16xf32, #tpu.memory_space<hbm>>) target_semaphore(%run_scoped3A : memref<!tpu.dma_semaphore, #tpu.memory_space<semaphore_mem>>)
      %dma_wait3A = arith.constant 0 : i32
      %dma_wait3A_30 = tpu.memref_slice %arg4[%arg0, %mul3A_25, %dma_wait3A] : memref<2x10000x16xf32, #tpu.memory_space<hbm>> -> memref<1x625x16xf32, #tpu.memory_space<hbm>>
      %dma_wait3A_31 = tpu.memref_squeeze %dma_wait3A_30 : memref<1x625x16xf32, #tpu.memory_space<hbm>> -> memref<625x16xf32, #tpu.memory_space<hbm>>
      %dma_wait3A_32 = arith.constant 0 : i32
      %dma_wait3A_33 = tpu.memref_slice %arg8[%mul3A_25, %dma_wait3A_32] : memref<10000x16xf32, #tpu.memory_space<vmem_shared>> -> memref<625x16xf32, #tpu.memory_space<vmem_shared>>
      tpu.wait_dma2 semaphore(%run_scoped3A : memref<!tpu.dma_semaphore, #tpu.memory_space<semaphore_mem>>) src(%dma_wait3A_33 : memref<625x16xf32, #tpu.memory_space<vmem_shared>>) dst(%dma_wait3A_31 : memref<625x16xf32, #tpu.memory_space<hbm>>)
      tpu.yield
    }) : () -> ()
    return
  }
}

#map = affine_map<(d0, d1) -> (0, 0)>
module attributes {stable_mosaic.version = 14 : i64} {
  func.func @k(%arg0: i32, %arg1: i32, %arg2: memref<20000x16xf32, #tpu.memory_space<hbm>>, %arg3: memref<20000x16xf32, #tpu.memory_space<hbm>>, %arg4: memref<10000x16xf32, #tpu.memory_space<hbm>>, %arg5: memref<2x200xi32, #tpu.memory_space<hbm>>, %arg6: memref<400x16xf32, #tpu.memory_space<hbm>>, %arg7: memref<400x16xf32, #tpu.memory_space<hbm>>, %arg8: memref<200x16xf32, #tpu.memory_space<hbm>>, %arg9: memref<4x128xi32, #tpu.memory_space<vmem>>, %arg10: memref<400x16xf32, #tpu.memory_space<vmem>>, %arg11: memref<400x16xf32, #tpu.memory_space<vmem>>, %arg12: memref<200x16xf32, #tpu.memory_space<vmem>>, %arg13: memref<!tpu.dma_semaphore, #tpu.memory_space<semaphore_mem>>) attributes {dimension_semantics = [#tpu.dimension_semantics<core_parallel>, #tpu.dimension_semantics<subcore_parallel>], iteration_bounds = array<i64: 2, 16>, scalar_prefetch = 0 : i64, scratch_operands = 5 : i64, tpu.core_type = #tpu.core_type<sc_vector_subcore>, window_params = [{transform_indices = #map}, {transform_indices = #map}, {transform_indices = #map}, {transform_indices = #map}, {transform_indices = #map}, {transform_indices = #map}, {transform_indices = #map}]} {
    %mul3A = arith.constant 2 : i32
    %mul3A_0 = arith.muli %arg1, %mul3A : i32
    %add3A = arith.addi %mul3A_0, %arg0 : i32
    %eq3A = arith.constant 0 : i32
    %eq3A_1 = arith.cmpi eq, %add3A, %eq3A : i32
    %convert_element_type3A = arith.extui %eq3A_1 : i1 to i32
    %cond3A = arith.constant 0 : i32
    %cond3A_2 = arith.cmpi ne, %convert_element_type3A, %cond3A : i32
    scf.if %cond3A_2 {
      %run_scoped3A = arith.constant 0 : i32
      %run_scoped3A_3 = arith.constant 0 : i32
      "tpu.region"() ({
        %run_scoped3A_208 = tpu.sem_alloc : memref<!tpu.dma_semaphore, #tpu.memory_space<semaphore_mem>>
        %dma_start3A_209 = arith.constant 0 : i32
        %dma_start3A_210 = tpu.memref_slice %arg9[%run_scoped3A_3, %dma_start3A_209] : memref<4x128xi32, #tpu.memory_space<vmem>> -> memref<1x128xi32, #tpu.memory_space<vmem>>
        %dma_start3A_211 = tpu.memref_squeeze %dma_start3A_210 : memref<1x128xi32, #tpu.memory_space<vmem>> -> memref<128xi32, #tpu.memory_space<vmem>>
        %dma_start3A_212 = arith.constant 0 : i32
        %dma_start3A_213 = tpu.memref_slice %arg5[%run_scoped3A, %dma_start3A_212] : memref<2x200xi32, #tpu.memory_space<hbm>> -> memref<1x128xi32, #tpu.memory_space<hbm>>
        %dma_start3A_214 = tpu.memref_squeeze %dma_start3A_213 : memref<1x128xi32, #tpu.memory_space<hbm>> -> memref<128xi32, #tpu.memory_space<hbm>>
        %dma_start3A_215 = arith.constant 0 : i32
        %dma_start3A_216 = tpu.memref_slice %arg9[%run_scoped3A_3, %dma_start3A_215] : memref<4x128xi32, #tpu.memory_space<vmem>> -> memref<1x128xi32, #tpu.memory_space<vmem>>
        %dma_start3A_217 = tpu.memref_squeeze %dma_start3A_216 : memref<1x128xi32, #tpu.memory_space<vmem>> -> memref<128xi32, #tpu.memory_space<vmem>>
        %dma_start3A_218 = arith.constant 0 : i32
        %dma_start3A_219 = tpu.memref_slice %arg5[%run_scoped3A, %dma_start3A_218] : memref<2x200xi32, #tpu.memory_space<hbm>> -> memref<1x128xi32, #tpu.memory_space<hbm>>
        %dma_start3A_220 = tpu.memref_squeeze %dma_start3A_219 : memref<1x128xi32, #tpu.memory_space<hbm>> -> memref<128xi32, #tpu.memory_space<hbm>>
        tpu.enqueue_dma source(%dma_start3A_220 : memref<128xi32, #tpu.memory_space<hbm>>) target(%dma_start3A_217 : memref<128xi32, #tpu.memory_space<vmem>>) target_semaphore(%run_scoped3A_208 : memref<!tpu.dma_semaphore, #tpu.memory_space<semaphore_mem>>)
        %dma_wait3A_221 = arith.constant 0 : i32
        %dma_wait3A_222 = tpu.memref_slice %arg9[%run_scoped3A_3, %dma_wait3A_221] : memref<4x128xi32, #tpu.memory_space<vmem>> -> memref<1x128xi32, #tpu.memory_space<vmem>>
        %dma_wait3A_223 = tpu.memref_squeeze %dma_wait3A_222 : memref<1x128xi32, #tpu.memory_space<vmem>> -> memref<128xi32, #tpu.memory_space<vmem>>
        %dma_wait3A_224 = arith.constant 0 : i32
        %dma_wait3A_225 = tpu.memref_slice %arg5[%run_scoped3A, %dma_wait3A_224] : memref<2x200xi32, #tpu.memory_space<hbm>> -> memref<1x128xi32, #tpu.memory_space<hbm>>
        %dma_wait3A_226 = tpu.memref_squeeze %dma_wait3A_225 : memref<1x128xi32, #tpu.memory_space<hbm>> -> memref<128xi32, #tpu.memory_space<hbm>>
        %dma_wait3A_227 = arith.constant 0 : i32
        %dma_wait3A_228 = tpu.memref_slice %arg9[%run_scoped3A_3, %dma_wait3A_227] : memref<4x128xi32, #tpu.memory_space<vmem>> -> memref<1x128xi32, #tpu.memory_space<vmem>>
        %dma_wait3A_229 = tpu.memref_squeeze %dma_wait3A_228 : memref<1x128xi32, #tpu.memory_space<vmem>> -> memref<128xi32, #tpu.memory_space<vmem>>
        %dma_wait3A_230 = arith.constant 0 : i32
        %dma_wait3A_231 = tpu.memref_slice %arg5[%run_scoped3A, %dma_wait3A_230] : memref<2x200xi32, #tpu.memory_space<hbm>> -> memref<1x128xi32, #tpu.memory_space<hbm>>
        %dma_wait3A_232 = tpu.memref_squeeze %dma_wait3A_231 : memref<1x128xi32, #tpu.memory_space<hbm>> -> memref<128xi32, #tpu.memory_space<hbm>>
        tpu.wait_dma2 semaphore(%run_scoped3A_208 : memref<!tpu.dma_semaphore, #tpu.memory_space<semaphore_mem>>) src(%dma_wait3A_232 : memref<128xi32, #tpu.memory_space<hbm>>) dst(%dma_wait3A_229 : memref<128xi32, #tpu.memory_space<vmem>>)
        tpu.yield
      }) : () -> ()
      %run_scoped3A_4 = arith.constant 0 : i32
      %run_scoped3A_5 = arith.constant 1 : i32
      "tpu.region"() ({
        %run_scoped3A_208 = tpu.sem_alloc : memref<!tpu.dma_semaphore, #tpu.memory_space<semaphore_mem>>
        %dma_start3A_209 = arith.constant 0 : i32
        %dma_start3A_210 = tpu.memref_slice %arg9[%run_scoped3A_5, %dma_start3A_209] : memref<4x128xi32, #tpu.memory_space<vmem>> -> memref<1x72xi32, #tpu.memory_space<vmem>>
        %dma_start3A_211 = tpu.memref_squeeze %dma_start3A_210 : memref<1x72xi32, #tpu.memory_space<vmem>> -> memref<72xi32, #tpu.memory_space<vmem>>
        %dma_start3A_212 = arith.constant 128 : i32
        %dma_start3A_213 = tpu.memref_slice %arg5[%run_scoped3A_4, %dma_start3A_212] : memref<2x200xi32, #tpu.memory_space<hbm>> -> memref<1x72xi32, #tpu.memory_space<hbm>>
        %dma_start3A_214 = tpu.memref_squeeze %dma_start3A_213 : memref<1x72xi32, #tpu.memory_space<hbm>> -> memref<72xi32, #tpu.memory_space<hbm>>
        %dma_start3A_215 = arith.constant 0 : i32
        %dma_start3A_216 = tpu.memref_slice %arg9[%run_scoped3A_5, %dma_start3A_215] : memref<4x128xi32, #tpu.memory_space<vmem>> -> memref<1x72xi32, #tpu.memory_space<vmem>>
        %dma_start3A_217 = tpu.memref_squeeze %dma_start3A_216 : memref<1x72xi32, #tpu.memory_space<vmem>> -> memref<72xi32, #tpu.memory_space<vmem>>
        %dma_start3A_218 = arith.constant 128 : i32
        %dma_start3A_219 = tpu.memref_slice %arg5[%run_scoped3A_4, %dma_start3A_218] : memref<2x200xi32, #tpu.memory_space<hbm>> -> memref<1x72xi32, #tpu.memory_space<hbm>>
        %dma_start3A_220 = tpu.memref_squeeze %dma_start3A_219 : memref<1x72xi32, #tpu.memory_space<hbm>> -> memref<72xi32, #tpu.memory_space<hbm>>
        tpu.enqueue_dma source(%dma_start3A_220 : memref<72xi32, #tpu.memory_space<hbm>>) target(%dma_start3A_217 : memref<72xi32, #tpu.memory_space<vmem>>) target_semaphore(%run_scoped3A_208 : memref<!tpu.dma_semaphore, #tpu.memory_space<semaphore_mem>>)
        %dma_wait3A_221 = arith.constant 0 : i32
        %dma_wait3A_222 = tpu.memref_slice %arg9[%run_scoped3A_5, %dma_wait3A_221] : memref<4x128xi32, #tpu.memory_space<vmem>> -> memref<1x72xi32, #tpu.memory_space<vmem>>
        %dma_wait3A_223 = tpu.memref_squeeze %dma_wait3A_222 : memref<1x72xi32, #tpu.memory_space<vmem>> -> memref<72xi32, #tpu.memory_space<vmem>>
        %dma_wait3A_224 = arith.constant 128 : i32
        %dma_wait3A_225 = tpu.memref_slice %arg5[%run_scoped3A_4, %dma_wait3A_224] : memref<2x200xi32, #tpu.memory_space<hbm>> -> memref<1x72xi32, #tpu.memory_space<hbm>>
        %dma_wait3A_226 = tpu.memref_squeeze %dma_wait3A_225 : memref<1x72xi32, #tpu.memory_space<hbm>> -> memref<72xi32, #tpu.memory_space<hbm>>
        %dma_wait3A_227 = arith.constant 0 : i32
        %dma_wait3A_228 = tpu.memref_slice %arg9[%run_scoped3A_5, %dma_wait3A_227] : memref<4x128xi32, #tpu.memory_space<vmem>> -> memref<1x72xi32, #tpu.memory_space<vmem>>
        %dma_wait3A_229 = tpu.memref_squeeze %dma_wait3A_228 : memref<1x72xi32, #tpu.memory_space<vmem>> -> memref<72xi32, #tpu.memory_space<vmem>>
        %dma_wait3A_230 = arith.constant 128 : i32
        %dma_wait3A_231 = tpu.memref_slice %arg5[%run_scoped3A_4, %dma_wait3A_230] : memref<2x200xi32, #tpu.memory_space<hbm>> -> memref<1x72xi32, #tpu.memory_space<hbm>>
        %dma_wait3A_232 = tpu.memref_squeeze %dma_wait3A_231 : memref<1x72xi32, #tpu.memory_space<hbm>> -> memref<72xi32, #tpu.memory_space<hbm>>
        tpu.wait_dma2 semaphore(%run_scoped3A_208 : memref<!tpu.dma_semaphore, #tpu.memory_space<semaphore_mem>>) src(%dma_wait3A_232 : memref<72xi32, #tpu.memory_space<hbm>>) dst(%dma_wait3A_229 : memref<72xi32, #tpu.memory_space<vmem>>)
        tpu.yield
      }) : () -> ()
      %run_scoped3A_6 = arith.constant 1 : i32
      %run_scoped3A_7 = arith.constant 2 : i32
      "tpu.region"() ({
        %run_scoped3A_208 = tpu.sem_alloc : memref<!tpu.dma_semaphore, #tpu.memory_space<semaphore_mem>>
        %dma_start3A_209 = arith.constant 0 : i32
        %dma_start3A_210 = tpu.memref_slice %arg9[%run_scoped3A_7, %dma_start3A_209] : memref<4x128xi32, #tpu.memory_space<vmem>> -> memref<1x128xi32, #tpu.memory_space<vmem>>
        %dma_start3A_211 = tpu.memref_squeeze %dma_start3A_210 : memref<1x128xi32, #tpu.memory_space<vmem>> -> memref<128xi32, #tpu.memory_space<vmem>>
        %dma_start3A_212 = arith.constant 0 : i32
        %dma_start3A_213 = tpu.memref_slice %arg5[%run_scoped3A_6, %dma_start3A_212] : memref<2x200xi32, #tpu.memory_space<hbm>> -> memref<1x128xi32, #tpu.memory_space<hbm>>
        %dma_start3A_214 = tpu.memref_squeeze %dma_start3A_213 : memref<1x128xi32, #tpu.memory_space<hbm>> -> memref<128xi32, #tpu.memory_space<hbm>>
        %dma_start3A_215 = arith.constant 0 : i32
        %dma_start3A_216 = tpu.memref_slice %arg9[%run_scoped3A_7, %dma_start3A_215] : memref<4x128xi32, #tpu.memory_space<vmem>> -> memref<1x128xi32, #tpu.memory_space<vmem>>
        %dma_start3A_217 = tpu.memref_squeeze %dma_start3A_216 : memref<1x128xi32, #tpu.memory_space<vmem>> -> memref<128xi32, #tpu.memory_space<vmem>>
        %dma_start3A_218 = arith.constant 0 : i32
        %dma_start3A_219 = tpu.memref_slice %arg5[%run_scoped3A_6, %dma_start3A_218] : memref<2x200xi32, #tpu.memory_space<hbm>> -> memref<1x128xi32, #tpu.memory_space<hbm>>
        %dma_start3A_220 = tpu.memref_squeeze %dma_start3A_219 : memref<1x128xi32, #tpu.memory_space<hbm>> -> memref<128xi32, #tpu.memory_space<hbm>>
        tpu.enqueue_dma source(%dma_start3A_220 : memref<128xi32, #tpu.memory_space<hbm>>) target(%dma_start3A_217 : memref<128xi32, #tpu.memory_space<vmem>>) target_semaphore(%run_scoped3A_208 : memref<!tpu.dma_semaphore, #tpu.memory_space<semaphore_mem>>)
        %dma_wait3A_221 = arith.constant 0 : i32
        %dma_wait3A_222 = tpu.memref_slice %arg9[%run_scoped3A_7, %dma_wait3A_221] : memref<4x128xi32, #tpu.memory_space<vmem>> -> memref<1x128xi32, #tpu.memory_space<vmem>>
        %dma_wait3A_223 = tpu.memref_squeeze %dma_wait3A_222 : memref<1x128xi32, #tpu.memory_space<vmem>> -> memref<128xi32, #tpu.memory_space<vmem>>
        %dma_wait3A_224 = arith.constant 0 : i32
        %dma_wait3A_225 = tpu.memref_slice %arg5[%run_scoped3A_6, %dma_wait3A_224] : memref<2x200xi32, #tpu.memory_space<hbm>> -> memref<1x128xi32, #tpu.memory_space<hbm>>
        %dma_wait3A_226 = tpu.memref_squeeze %dma_wait3A_225 : memref<1x128xi32, #tpu.memory_space<hbm>> -> memref<128xi32, #tpu.memory_space<hbm>>
        %dma_wait3A_227 = arith.constant 0 : i32
        %dma_wait3A_228 = tpu.memref_slice %arg9[%run_scoped3A_7, %dma_wait3A_227] : memref<4x128xi32, #tpu.memory_space<vmem>> -> memref<1x128xi32, #tpu.memory_space<vmem>>
        %dma_wait3A_229 = tpu.memref_squeeze %dma_wait3A_228 : memref<1x128xi32, #tpu.memory_space<vmem>> -> memref<128xi32, #tpu.memory_space<vmem>>
        %dma_wait3A_230 = arith.constant 0 : i32
        %dma_wait3A_231 = tpu.memref_slice %arg5[%run_scoped3A_6, %dma_wait3A_230] : memref<2x200xi32, #tpu.memory_space<hbm>> -> memref<1x128xi32, #tpu.memory_space<hbm>>
        %dma_wait3A_232 = tpu.memref_squeeze %dma_wait3A_231 : memref<1x128xi32, #tpu.memory_space<hbm>> -> memref<128xi32, #tpu.memory_space<hbm>>
        tpu.wait_dma2 semaphore(%run_scoped3A_208 : memref<!tpu.dma_semaphore, #tpu.memory_space<semaphore_mem>>) src(%dma_wait3A_232 : memref<128xi32, #tpu.memory_space<hbm>>) dst(%dma_wait3A_229 : memref<128xi32, #tpu.memory_space<vmem>>)
        tpu.yield
      }) : () -> ()
      %run_scoped3A_8 = arith.constant 1 : i32
      %run_scoped3A_9 = arith.constant 3 : i32
      "tpu.region"() ({
        %run_scoped3A_208 = tpu.sem_alloc : memref<!tpu.dma_semaphore, #tpu.memory_space<semaphore_mem>>
        %dma_start3A_209 = arith.constant 0 : i32
        %dma_start3A_210 = tpu.memref_slice %arg9[%run_scoped3A_9, %dma_start3A_209] : memref<4x128xi32, #tpu.memory_space<vmem>> -> memref<1x72xi32, #tpu.memory_space<vmem>>
        %dma_start3A_211 = tpu.memref_squeeze %dma_start3A_210 : memref<1x72xi32, #tpu.memory_space<vmem>> -> memref<72xi32, #tpu.memory_space<vmem>>
        %dma_start3A_212 = arith.constant 128 : i32
        %dma_start3A_213 = tpu.memref_slice %arg5[%run_scoped3A_8, %dma_start3A_212] : memref<2x200xi32, #tpu.memory_space<hbm>> -> memref<1x72xi32, #tpu.memory_space<hbm>>
        %dma_start3A_214 = tpu.memref_squeeze %dma_start3A_213 : memref<1x72xi32, #tpu.memory_space<hbm>> -> memref<72xi32, #tpu.memory_space<hbm>>
        %dma_start3A_215 = arith.constant 0 : i32
        %dma_start3A_216 = tpu.memref_slice %arg9[%run_scoped3A_9, %dma_start3A_215] : memref<4x128xi32, #tpu.memory_space<vmem>> -> memref<1x72xi32, #tpu.memory_space<vmem>>
        %dma_start3A_217 = tpu.memref_squeeze %dma_start3A_216 : memref<1x72xi32, #tpu.memory_space<vmem>> -> memref<72xi32, #tpu.memory_space<vmem>>
        %dma_start3A_218 = arith.constant 128 : i32
        %dma_start3A_219 = tpu.memref_slice %arg5[%run_scoped3A_8, %dma_start3A_218] : memref<2x200xi32, #tpu.memory_space<hbm>> -> memref<1x72xi32, #tpu.memory_space<hbm>>
        %dma_start3A_220 = tpu.memref_squeeze %dma_start3A_219 : memref<1x72xi32, #tpu.memory_space<hbm>> -> memref<72xi32, #tpu.memory_space<hbm>>
        tpu.enqueue_dma source(%dma_start3A_220 : memref<72xi32, #tpu.memory_space<hbm>>) target(%dma_start3A_217 : memref<72xi32, #tpu.memory_space<vmem>>) target_semaphore(%run_scoped3A_208 : memref<!tpu.dma_semaphore, #tpu.memory_space<semaphore_mem>>)
        %dma_wait3A_221 = arith.constant 0 : i32
        %dma_wait3A_222 = tpu.memref_slice %arg9[%run_scoped3A_9, %dma_wait3A_221] : memref<4x128xi32, #tpu.memory_space<vmem>> -> memref<1x72xi32, #tpu.memory_space<vmem>>
        %dma_wait3A_223 = tpu.memref_squeeze %dma_wait3A_222 : memref<1x72xi32, #tpu.memory_space<vmem>> -> memref<72xi32, #tpu.memory_space<vmem>>
        %dma_wait3A_224 = arith.constant 128 : i32
        %dma_wait3A_225 = tpu.memref_slice %arg5[%run_scoped3A_8, %dma_wait3A_224] : memref<2x200xi32, #tpu.memory_space<hbm>> -> memref<1x72xi32, #tpu.memory_space<hbm>>
        %dma_wait3A_226 = tpu.memref_squeeze %dma_wait3A_225 : memref<1x72xi32, #tpu.memory_space<hbm>> -> memref<72xi32, #tpu.memory_space<hbm>>
        %dma_wait3A_227 = arith.constant 0 : i32
        %dma_wait3A_228 = tpu.memref_slice %arg9[%run_scoped3A_9, %dma_wait3A_227] : memref<4x128xi32, #tpu.memory_space<vmem>> -> memref<1x72xi32, #tpu.memory_space<vmem>>
        %dma_wait3A_229 = tpu.memref_squeeze %dma_wait3A_228 : memref<1x72xi32, #tpu.memory_space<vmem>> -> memref<72xi32, #tpu.memory_space<vmem>>
        %dma_wait3A_230 = arith.constant 128 : i32
        %dma_wait3A_231 = tpu.memref_slice %arg5[%run_scoped3A_8, %dma_wait3A_230] : memref<2x200xi32, #tpu.memory_space<hbm>> -> memref<1x72xi32, #tpu.memory_space<hbm>>
        %dma_wait3A_232 = tpu.memref_squeeze %dma_wait3A_231 : memref<1x72xi32, #tpu.memory_space<hbm>> -> memref<72xi32, #tpu.memory_space<hbm>>
        tpu.wait_dma2 semaphore(%run_scoped3A_208 : memref<!tpu.dma_semaphore, #tpu.memory_space<semaphore_mem>>) src(%dma_wait3A_232 : memref<72xi32, #tpu.memory_space<hbm>>) dst(%dma_wait3A_229 : memref<72xi32, #tpu.memory_space<vmem>>)
        tpu.yield
      }) : () -> ()
      %dma_start3A = arith.constant 0 : i32
      %dma_start3A_10 = arith.constant 0 : i32
      %dma_start3A_11 = arith.constant 0 : i32
      %dma_start3A_12 = tpu.memref_slice %arg10[%dma_start3A_10, %dma_start3A_11] : memref<400x16xf32, #tpu.memory_space<vmem>> -> memref<128x16xf32, #tpu.memory_space<vmem>>
      %dma_start3A_13 = arith.constant 0 : i32
      %dma_start3A_14 = tpu.memref_slice %arg9[%dma_start3A, %dma_start3A_13] : memref<4x128xi32, #tpu.memory_space<vmem>> -> memref<1x128xi32, #tpu.memory_space<vmem>>
      %dma_start3A_15 = tpu.memref_squeeze %dma_start3A_14 : memref<1x128xi32, #tpu.memory_space<vmem>> -> memref<128xi32, #tpu.memory_space<vmem>>
      %dma_start3A_16 = arith.constant 0 : i32
      %dma_start3A_17 = arith.constant 0 : i32
      %dma_start3A_18 = tpu.memref_slice %arg2[%dma_start3A_16, %dma_start3A_17] : memref<20000x16xf32, #tpu.memory_space<hbm>> -> memref<20000x16xf32, #tpu.memory_space<hbm>>
      tpu.enqueue_indirect_dma source(%dma_start3A_18 : memref<20000x16xf32, #tpu.memory_space<hbm>>) target(%dma_start3A_12 : memref<128x16xf32, #tpu.memory_space<vmem>>) offsets(%dma_start3A_15 : memref<128xi32, #tpu.memory_space<vmem>>) semaphore(%arg13 : memref<!tpu.dma_semaphore, #tpu.memory_space<semaphore_mem>>)
      %dma_start3A_19 = arith.constant 1 : i32
      %dma_start3A_20 = arith.constant 128 : i32
      %dma_start3A_21 = arith.constant 0 : i32
      %dma_start3A_22 = tpu.memref_slice %arg10[%dma_start3A_20, %dma_start3A_21] : memref<400x16xf32, #tpu.memory_space<vmem>> -> memref<72x16xf32, #tpu.memory_space<vmem>>
      %dma_start3A_23 = arith.constant 0 : i32
      %dma_start3A_24 = tpu.memref_slice %arg9[%dma_start3A_19, %dma_start3A_23] : memref<4x128xi32, #tpu.memory_space<vmem>> -> memref<1x72xi32, #tpu.memory_space<vmem>>
      %dma_start3A_25 = tpu.memref_squeeze %dma_start3A_24 : memref<1x72xi32, #tpu.memory_space<vmem>> -> memref<72xi32, #tpu.memory_space<vmem>>
      %dma_start3A_26 = arith.constant 0 : i32
      %dma_start3A_27 = arith.constant 0 : i32
      %dma_start3A_28 = tpu.memref_slice %arg2[%dma_start3A_26, %dma_start3A_27] : memref<20000x16xf32, #tpu.memory_space<hbm>> -> memref<20000x16xf32, #tpu.memory_space<hbm>>
      tpu.enqueue_indirect_dma source(%dma_start3A_28 : memref<20000x16xf32, #tpu.memory_space<hbm>>) target(%dma_start3A_22 : memref<72x16xf32, #tpu.memory_space<vmem>>) offsets(%dma_start3A_25 : memref<72xi32, #tpu.memory_space<vmem>>) semaphore(%arg13 : memref<!tpu.dma_semaphore, #tpu.memory_space<semaphore_mem>>)
      %dma_start3A_29 = arith.constant 2 : i32
      %dma_start3A_30 = arith.constant 200 : i32
      %dma_start3A_31 = arith.constant 0 : i32
      %dma_start3A_32 = tpu.memref_slice %arg10[%dma_start3A_30, %dma_start3A_31] : memref<400x16xf32, #tpu.memory_space<vmem>> -> memref<128x16xf32, #tpu.memory_space<vmem>>
      %dma_start3A_33 = arith.constant 0 : i32
      %dma_start3A_34 = tpu.memref_slice %arg9[%dma_start3A_29, %dma_start3A_33] : memref<4x128xi32, #tpu.memory_space<vmem>> -> memref<1x128xi32, #tpu.memory_space<vmem>>
      %dma_start3A_35 = tpu.memref_squeeze %dma_start3A_34 : memref<1x128xi32, #tpu.memory_space<vmem>> -> memref<128xi32, #tpu.memory_space<vmem>>
      %dma_start3A_36 = arith.constant 0 : i32
      %dma_start3A_37 = arith.constant 0 : i32
      %dma_start3A_38 = tpu.memref_slice %arg2[%dma_start3A_36, %dma_start3A_37] : memref<20000x16xf32, #tpu.memory_space<hbm>> -> memref<20000x16xf32, #tpu.memory_space<hbm>>
      tpu.enqueue_indirect_dma source(%dma_start3A_38 : memref<20000x16xf32, #tpu.memory_space<hbm>>) target(%dma_start3A_32 : memref<128x16xf32, #tpu.memory_space<vmem>>) offsets(%dma_start3A_35 : memref<128xi32, #tpu.memory_space<vmem>>) semaphore(%arg13 : memref<!tpu.dma_semaphore, #tpu.memory_space<semaphore_mem>>)
      %dma_start3A_39 = arith.constant 3 : i32
      %dma_start3A_40 = arith.constant 328 : i32
      %dma_start3A_41 = arith.constant 0 : i32
      %dma_start3A_42 = tpu.memref_slice %arg10[%dma_start3A_40, %dma_start3A_41] : memref<400x16xf32, #tpu.memory_space<vmem>> -> memref<72x16xf32, #tpu.memory_space<vmem>>
      %dma_start3A_43 = arith.constant 0 : i32
      %dma_start3A_44 = tpu.memref_slice %arg9[%dma_start3A_39, %dma_start3A_43] : memref<4x128xi32, #tpu.memory_space<vmem>> -> memref<1x72xi32, #tpu.memory_space<vmem>>
      %dma_start3A_45 = tpu.memref_squeeze %dma_start3A_44 : memref<1x72xi32, #tpu.memory_space<vmem>> -> memref<72xi32, #tpu.memory_space<vmem>>
      %dma_start3A_46 = arith.constant 0 : i32
      %dma_start3A_47 = arith.constant 0 : i32
      %dma_start3A_48 = tpu.memref_slice %arg2[%dma_start3A_46, %dma_start3A_47] : memref<20000x16xf32, #tpu.memory_space<hbm>> -> memref<20000x16xf32, #tpu.memory_space<hbm>>
      tpu.enqueue_indirect_dma source(%dma_start3A_48 : memref<20000x16xf32, #tpu.memory_space<hbm>>) target(%dma_start3A_42 : memref<72x16xf32, #tpu.memory_space<vmem>>) offsets(%dma_start3A_45 : memref<72xi32, #tpu.memory_space<vmem>>) semaphore(%arg13 : memref<!tpu.dma_semaphore, #tpu.memory_space<semaphore_mem>>)
      %dma_start3A_49 = arith.constant 0 : i32
      %dma_start3A_50 = arith.constant 0 : i32
      %dma_start3A_51 = arith.constant 0 : i32
      %dma_start3A_52 = tpu.memref_slice %arg11[%dma_start3A_50, %dma_start3A_51] : memref<400x16xf32, #tpu.memory_space<vmem>> -> memref<128x16xf32, #tpu.memory_space<vmem>>
      %dma_start3A_53 = arith.constant 0 : i32
      %dma_start3A_54 = tpu.memref_slice %arg9[%dma_start3A_49, %dma_start3A_53] : memref<4x128xi32, #tpu.memory_space<vmem>> -> memref<1x128xi32, #tpu.memory_space<vmem>>
      %dma_start3A_55 = tpu.memref_squeeze %dma_start3A_54 : memref<1x128xi32, #tpu.memory_space<vmem>> -> memref<128xi32, #tpu.memory_space<vmem>>
      %dma_start3A_56 = arith.constant 0 : i32
      %dma_start3A_57 = arith.constant 0 : i32
      %dma_start3A_58 = tpu.memref_slice %arg3[%dma_start3A_56, %dma_start3A_57] : memref<20000x16xf32, #tpu.memory_space<hbm>> -> memref<20000x16xf32, #tpu.memory_space<hbm>>
      tpu.enqueue_indirect_dma source(%dma_start3A_58 : memref<20000x16xf32, #tpu.memory_space<hbm>>) target(%dma_start3A_52 : memref<128x16xf32, #tpu.memory_space<vmem>>) offsets(%dma_start3A_55 : memref<128xi32, #tpu.memory_space<vmem>>) semaphore(%arg13 : memref<!tpu.dma_semaphore, #tpu.memory_space<semaphore_mem>>)
      %dma_start3A_59 = arith.constant 1 : i32
      %dma_start3A_60 = arith.constant 128 : i32
      %dma_start3A_61 = arith.constant 0 : i32
      %dma_start3A_62 = tpu.memref_slice %arg11[%dma_start3A_60, %dma_start3A_61] : memref<400x16xf32, #tpu.memory_space<vmem>> -> memref<72x16xf32, #tpu.memory_space<vmem>>
      %dma_start3A_63 = arith.constant 0 : i32
      %dma_start3A_64 = tpu.memref_slice %arg9[%dma_start3A_59, %dma_start3A_63] : memref<4x128xi32, #tpu.memory_space<vmem>> -> memref<1x72xi32, #tpu.memory_space<vmem>>
      %dma_start3A_65 = tpu.memref_squeeze %dma_start3A_64 : memref<1x72xi32, #tpu.memory_space<vmem>> -> memref<72xi32, #tpu.memory_space<vmem>>
      %dma_start3A_66 = arith.constant 0 : i32
      %dma_start3A_67 = arith.constant 0 : i32
      %dma_start3A_68 = tpu.memref_slice %arg3[%dma_start3A_66, %dma_start3A_67] : memref<20000x16xf32, #tpu.memory_space<hbm>> -> memref<20000x16xf32, #tpu.memory_space<hbm>>
      tpu.enqueue_indirect_dma source(%dma_start3A_68 : memref<20000x16xf32, #tpu.memory_space<hbm>>) target(%dma_start3A_62 : memref<72x16xf32, #tpu.memory_space<vmem>>) offsets(%dma_start3A_65 : memref<72xi32, #tpu.memory_space<vmem>>) semaphore(%arg13 : memref<!tpu.dma_semaphore, #tpu.memory_space<semaphore_mem>>)
      %dma_start3A_69 = arith.constant 2 : i32
      %dma_start3A_70 = arith.constant 200 : i32
      %dma_start3A_71 = arith.constant 0 : i32
      %dma_start3A_72 = tpu.memref_slice %arg11[%dma_start3A_70, %dma_start3A_71] : memref<400x16xf32, #tpu.memory_space<vmem>> -> memref<128x16xf32, #tpu.memory_space<vmem>>
      %dma_start3A_73 = arith.constant 0 : i32
      %dma_start3A_74 = tpu.memref_slice %arg9[%dma_start3A_69, %dma_start3A_73] : memref<4x128xi32, #tpu.memory_space<vmem>> -> memref<1x128xi32, #tpu.memory_space<vmem>>
      %dma_start3A_75 = tpu.memref_squeeze %dma_start3A_74 : memref<1x128xi32, #tpu.memory_space<vmem>> -> memref<128xi32, #tpu.memory_space<vmem>>
      %dma_start3A_76 = arith.constant 0 : i32
      %dma_start3A_77 = arith.constant 0 : i32
      %dma_start3A_78 = tpu.memref_slice %arg3[%dma_start3A_76, %dma_start3A_77] : memref<20000x16xf32, #tpu.memory_space<hbm>> -> memref<20000x16xf32, #tpu.memory_space<hbm>>
      tpu.enqueue_indirect_dma source(%dma_start3A_78 : memref<20000x16xf32, #tpu.memory_space<hbm>>) target(%dma_start3A_72 : memref<128x16xf32, #tpu.memory_space<vmem>>) offsets(%dma_start3A_75 : memref<128xi32, #tpu.memory_space<vmem>>) semaphore(%arg13 : memref<!tpu.dma_semaphore, #tpu.memory_space<semaphore_mem>>)
      %dma_start3A_79 = arith.constant 3 : i32
      %dma_start3A_80 = arith.constant 328 : i32
      %dma_start3A_81 = arith.constant 0 : i32
      %dma_start3A_82 = tpu.memref_slice %arg11[%dma_start3A_80, %dma_start3A_81] : memref<400x16xf32, #tpu.memory_space<vmem>> -> memref<72x16xf32, #tpu.memory_space<vmem>>
      %dma_start3A_83 = arith.constant 0 : i32
      %dma_start3A_84 = tpu.memref_slice %arg9[%dma_start3A_79, %dma_start3A_83] : memref<4x128xi32, #tpu.memory_space<vmem>> -> memref<1x72xi32, #tpu.memory_space<vmem>>
      %dma_start3A_85 = tpu.memref_squeeze %dma_start3A_84 : memref<1x72xi32, #tpu.memory_space<vmem>> -> memref<72xi32, #tpu.memory_space<vmem>>
      %dma_start3A_86 = arith.constant 0 : i32
      %dma_start3A_87 = arith.constant 0 : i32
      %dma_start3A_88 = tpu.memref_slice %arg3[%dma_start3A_86, %dma_start3A_87] : memref<20000x16xf32, #tpu.memory_space<hbm>> -> memref<20000x16xf32, #tpu.memory_space<hbm>>
      tpu.enqueue_indirect_dma source(%dma_start3A_88 : memref<20000x16xf32, #tpu.memory_space<hbm>>) target(%dma_start3A_82 : memref<72x16xf32, #tpu.memory_space<vmem>>) offsets(%dma_start3A_85 : memref<72xi32, #tpu.memory_space<vmem>>) semaphore(%arg13 : memref<!tpu.dma_semaphore, #tpu.memory_space<semaphore_mem>>)
      %dma_start3A_89 = arith.constant 0 : i32
      %dma_start3A_90 = arith.constant 0 : i32
      %dma_start3A_91 = arith.constant 0 : i32
      %dma_start3A_92 = tpu.memref_slice %arg12[%dma_start3A_90, %dma_start3A_91] : memref<200x16xf32, #tpu.memory_space<vmem>> -> memref<128x16xf32, #tpu.memory_space<vmem>>
      %dma_start3A_93 = arith.constant 0 : i32
      %dma_start3A_94 = tpu.memref_slice %arg9[%dma_start3A_89, %dma_start3A_93] : memref<4x128xi32, #tpu.memory_space<vmem>> -> memref<1x128xi32, #tpu.memory_space<vmem>>
      %dma_start3A_95 = tpu.memref_squeeze %dma_start3A_94 : memref<1x128xi32, #tpu.memory_space<vmem>> -> memref<128xi32, #tpu.memory_space<vmem>>
      %dma_start3A_96 = arith.constant 0 : i32
      %dma_start3A_97 = arith.constant 0 : i32
      %dma_start3A_98 = tpu.memref_slice %arg4[%dma_start3A_96, %dma_start3A_97] : memref<10000x16xf32, #tpu.memory_space<hbm>> -> memref<10000x16xf32, #tpu.memory_space<hbm>>
      tpu.enqueue_indirect_dma source(%dma_start3A_98 : memref<10000x16xf32, #tpu.memory_space<hbm>>) target(%dma_start3A_92 : memref<128x16xf32, #tpu.memory_space<vmem>>) offsets(%dma_start3A_95 : memref<128xi32, #tpu.memory_space<vmem>>) semaphore(%arg13 : memref<!tpu.dma_semaphore, #tpu.memory_space<semaphore_mem>>)
      %dma_start3A_99 = arith.constant 1 : i32
      %dma_start3A_100 = arith.constant 128 : i32
      %dma_start3A_101 = arith.constant 0 : i32
      %dma_start3A_102 = tpu.memref_slice %arg12[%dma_start3A_100, %dma_start3A_101] : memref<200x16xf32, #tpu.memory_space<vmem>> -> memref<72x16xf32, #tpu.memory_space<vmem>>
      %dma_start3A_103 = arith.constant 0 : i32
      %dma_start3A_104 = tpu.memref_slice %arg9[%dma_start3A_99, %dma_start3A_103] : memref<4x128xi32, #tpu.memory_space<vmem>> -> memref<1x72xi32, #tpu.memory_space<vmem>>
      %dma_start3A_105 = tpu.memref_squeeze %dma_start3A_104 : memref<1x72xi32, #tpu.memory_space<vmem>> -> memref<72xi32, #tpu.memory_space<vmem>>
      %dma_start3A_106 = arith.constant 0 : i32
      %dma_start3A_107 = arith.constant 0 : i32
      %dma_start3A_108 = tpu.memref_slice %arg4[%dma_start3A_106, %dma_start3A_107] : memref<10000x16xf32, #tpu.memory_space<hbm>> -> memref<10000x16xf32, #tpu.memory_space<hbm>>
      tpu.enqueue_indirect_dma source(%dma_start3A_108 : memref<10000x16xf32, #tpu.memory_space<hbm>>) target(%dma_start3A_102 : memref<72x16xf32, #tpu.memory_space<vmem>>) offsets(%dma_start3A_105 : memref<72xi32, #tpu.memory_space<vmem>>) semaphore(%arg13 : memref<!tpu.dma_semaphore, #tpu.memory_space<semaphore_mem>>)
      %dma_wait3A = arith.constant 1 : i32
      %dma_wait3A_109 = arith.constant 128 : i32
      %dma_wait3A_110 = arith.constant 0 : i32
      %dma_wait3A_111 = tpu.memref_slice %arg12[%dma_wait3A_109, %dma_wait3A_110] : memref<200x16xf32, #tpu.memory_space<vmem>> -> memref<72x16xf32, #tpu.memory_space<vmem>>
      %dma_wait3A_112 = arith.constant 0 : i32
      %dma_wait3A_113 = tpu.memref_slice %arg9[%dma_wait3A, %dma_wait3A_112] : memref<4x128xi32, #tpu.memory_space<vmem>> -> memref<1x72xi32, #tpu.memory_space<vmem>>
      %dma_wait3A_114 = tpu.memref_squeeze %dma_wait3A_113 : memref<1x72xi32, #tpu.memory_space<vmem>> -> memref<72xi32, #tpu.memory_space<vmem>>
      %dma_wait3A_115 = arith.constant 0 : i32
      %dma_wait3A_116 = arith.constant 0 : i32
      %dma_wait3A_117 = tpu.memref_slice %arg4[%dma_wait3A_115, %dma_wait3A_116] : memref<10000x16xf32, #tpu.memory_space<hbm>> -> memref<10000x16xf32, #tpu.memory_space<hbm>>
      tpu.wait_indirect_dma semaphore(%arg13 : memref<!tpu.dma_semaphore, #tpu.memory_space<semaphore_mem>>) src(%dma_wait3A_117 : memref<10000x16xf32, #tpu.memory_space<hbm>>) dst(%dma_wait3A_111 : memref<72x16xf32, #tpu.memory_space<vmem>>)
      %dma_wait3A_118 = arith.constant 0 : i32
      %dma_wait3A_119 = arith.constant 0 : i32
      %dma_wait3A_120 = arith.constant 0 : i32
      %dma_wait3A_121 = tpu.memref_slice %arg12[%dma_wait3A_119, %dma_wait3A_120] : memref<200x16xf32, #tpu.memory_space<vmem>> -> memref<128x16xf32, #tpu.memory_space<vmem>>
      %dma_wait3A_122 = arith.constant 0 : i32
      %dma_wait3A_123 = tpu.memref_slice %arg9[%dma_wait3A_118, %dma_wait3A_122] : memref<4x128xi32, #tpu.memory_space<vmem>> -> memref<1x128xi32, #tpu.memory_space<vmem>>
      %dma_wait3A_124 = tpu.memref_squeeze %dma_wait3A_123 : memref<1x128xi32, #tpu.memory_space<vmem>> -> memref<128xi32, #tpu.memory_space<vmem>>
      %dma_wait3A_125 = arith.constant 0 : i32
      %dma_wait3A_126 = arith.constant 0 : i32
      %dma_wait3A_127 = tpu.memref_slice %arg4[%dma_wait3A_125, %dma_wait3A_126] : memref<10000x16xf32, #tpu.memory_space<hbm>> -> memref<10000x16xf32, #tpu.memory_space<hbm>>
      tpu.wait_indirect_dma semaphore(%arg13 : memref<!tpu.dma_semaphore, #tpu.memory_space<semaphore_mem>>) src(%dma_wait3A_127 : memref<10000x16xf32, #tpu.memory_space<hbm>>) dst(%dma_wait3A_121 : memref<128x16xf32, #tpu.memory_space<vmem>>)
      %dma_wait3A_128 = arith.constant 0 : i32
      %dma_wait3A_129 = arith.constant 0 : i32
      %dma_wait3A_130 = arith.constant 0 : i32
      %dma_wait3A_131 = tpu.memref_slice %arg10[%dma_wait3A_129, %dma_wait3A_130] : memref<400x16xf32, #tpu.memory_space<vmem>> -> memref<128x16xf32, #tpu.memory_space<vmem>>
      %dma_wait3A_132 = arith.constant 0 : i32
      %dma_wait3A_133 = tpu.memref_slice %arg9[%dma_wait3A_128, %dma_wait3A_132] : memref<4x128xi32, #tpu.memory_space<vmem>> -> memref<1x128xi32, #tpu.memory_space<vmem>>
      %dma_wait3A_134 = tpu.memref_squeeze %dma_wait3A_133 : memref<1x128xi32, #tpu.memory_space<vmem>> -> memref<128xi32, #tpu.memory_space<vmem>>
      %dma_wait3A_135 = arith.constant 0 : i32
      %dma_wait3A_136 = arith.constant 0 : i32
      %dma_wait3A_137 = tpu.memref_slice %arg2[%dma_wait3A_135, %dma_wait3A_136] : memref<20000x16xf32, #tpu.memory_space<hbm>> -> memref<20000x16xf32, #tpu.memory_space<hbm>>
      tpu.wait_indirect_dma semaphore(%arg13 : memref<!tpu.dma_semaphore, #tpu.memory_space<semaphore_mem>>) src(%dma_wait3A_137 : memref<20000x16xf32, #tpu.memory_space<hbm>>) dst(%dma_wait3A_131 : memref<128x16xf32, #tpu.memory_space<vmem>>)
      %dma_wait3A_138 = arith.constant 1 : i32
      %dma_wait3A_139 = arith.constant 128 : i32
      %dma_wait3A_140 = arith.constant 0 : i32
      %dma_wait3A_141 = tpu.memref_slice %arg10[%dma_wait3A_139, %dma_wait3A_140] : memref<400x16xf32, #tpu.memory_space<vmem>> -> memref<72x16xf32, #tpu.memory_space<vmem>>
      %dma_wait3A_142 = arith.constant 0 : i32
      %dma_wait3A_143 = tpu.memref_slice %arg9[%dma_wait3A_138, %dma_wait3A_142] : memref<4x128xi32, #tpu.memory_space<vmem>> -> memref<1x72xi32, #tpu.memory_space<vmem>>
      %dma_wait3A_144 = tpu.memref_squeeze %dma_wait3A_143 : memref<1x72xi32, #tpu.memory_space<vmem>> -> memref<72xi32, #tpu.memory_space<vmem>>
      %dma_wait3A_145 = arith.constant 0 : i32
      %dma_wait3A_146 = arith.constant 0 : i32
      %dma_wait3A_147 = tpu.memref_slice %arg2[%dma_wait3A_145, %dma_wait3A_146] : memref<20000x16xf32, #tpu.memory_space<hbm>> -> memref<20000x16xf32, #tpu.memory_space<hbm>>
      tpu.wait_indirect_dma semaphore(%arg13 : memref<!tpu.dma_semaphore, #tpu.memory_space<semaphore_mem>>) src(%dma_wait3A_147 : memref<20000x16xf32, #tpu.memory_space<hbm>>) dst(%dma_wait3A_141 : memref<72x16xf32, #tpu.memory_space<vmem>>)
      %dma_wait3A_148 = arith.constant 2 : i32
      %dma_wait3A_149 = arith.constant 200 : i32
      %dma_wait3A_150 = arith.constant 0 : i32
      %dma_wait3A_151 = tpu.memref_slice %arg10[%dma_wait3A_149, %dma_wait3A_150] : memref<400x16xf32, #tpu.memory_space<vmem>> -> memref<128x16xf32, #tpu.memory_space<vmem>>
      %dma_wait3A_152 = arith.constant 0 : i32
      %dma_wait3A_153 = tpu.memref_slice %arg9[%dma_wait3A_148, %dma_wait3A_152] : memref<4x128xi32, #tpu.memory_space<vmem>> -> memref<1x128xi32, #tpu.memory_space<vmem>>
      %dma_wait3A_154 = tpu.memref_squeeze %dma_wait3A_153 : memref<1x128xi32, #tpu.memory_space<vmem>> -> memref<128xi32, #tpu.memory_space<vmem>>
      %dma_wait3A_155 = arith.constant 0 : i32
      %dma_wait3A_156 = arith.constant 0 : i32
      %dma_wait3A_157 = tpu.memref_slice %arg2[%dma_wait3A_155, %dma_wait3A_156] : memref<20000x16xf32, #tpu.memory_space<hbm>> -> memref<20000x16xf32, #tpu.memory_space<hbm>>
      tpu.wait_indirect_dma semaphore(%arg13 : memref<!tpu.dma_semaphore, #tpu.memory_space<semaphore_mem>>) src(%dma_wait3A_157 : memref<20000x16xf32, #tpu.memory_space<hbm>>) dst(%dma_wait3A_151 : memref<128x16xf32, #tpu.memory_space<vmem>>)
      %dma_wait3A_158 = arith.constant 3 : i32
      %dma_wait3A_159 = arith.constant 328 : i32
      %dma_wait3A_160 = arith.constant 0 : i32
      %dma_wait3A_161 = tpu.memref_slice %arg10[%dma_wait3A_159, %dma_wait3A_160] : memref<400x16xf32, #tpu.memory_space<vmem>> -> memref<72x16xf32, #tpu.memory_space<vmem>>
      %dma_wait3A_162 = arith.constant 0 : i32
      %dma_wait3A_163 = tpu.memref_slice %arg9[%dma_wait3A_158, %dma_wait3A_162] : memref<4x128xi32, #tpu.memory_space<vmem>> -> memref<1x72xi32, #tpu.memory_space<vmem>>
      %dma_wait3A_164 = tpu.memref_squeeze %dma_wait3A_163 : memref<1x72xi32, #tpu.memory_space<vmem>> -> memref<72xi32, #tpu.memory_space<vmem>>
      %dma_wait3A_165 = arith.constant 0 : i32
      %dma_wait3A_166 = arith.constant 0 : i32
      %dma_wait3A_167 = tpu.memref_slice %arg2[%dma_wait3A_165, %dma_wait3A_166] : memref<20000x16xf32, #tpu.memory_space<hbm>> -> memref<20000x16xf32, #tpu.memory_space<hbm>>
      tpu.wait_indirect_dma semaphore(%arg13 : memref<!tpu.dma_semaphore, #tpu.memory_space<semaphore_mem>>) src(%dma_wait3A_167 : memref<20000x16xf32, #tpu.memory_space<hbm>>) dst(%dma_wait3A_161 : memref<72x16xf32, #tpu.memory_space<vmem>>)
      %dma_wait3A_168 = arith.constant 0 : i32
      %dma_wait3A_169 = arith.constant 0 : i32
      %dma_wait3A_170 = arith.constant 0 : i32
      %dma_wait3A_171 = tpu.memref_slice %arg11[%dma_wait3A_169, %dma_wait3A_170] : memref<400x16xf32, #tpu.memory_space<vmem>> -> memref<128x16xf32, #tpu.memory_space<vmem>>
      %dma_wait3A_172 = arith.constant 0 : i32
      %dma_wait3A_173 = tpu.memref_slice %arg9[%dma_wait3A_168, %dma_wait3A_172] : memref<4x128xi32, #tpu.memory_space<vmem>> -> memref<1x128xi32, #tpu.memory_space<vmem>>
      %dma_wait3A_174 = tpu.memref_squeeze %dma_wait3A_173 : memref<1x128xi32, #tpu.memory_space<vmem>> -> memref<128xi32, #tpu.memory_space<vmem>>
      %dma_wait3A_175 = arith.constant 0 : i32
      %dma_wait3A_176 = arith.constant 0 : i32
      %dma_wait3A_177 = tpu.memref_slice %arg3[%dma_wait3A_175, %dma_wait3A_176] : memref<20000x16xf32, #tpu.memory_space<hbm>> -> memref<20000x16xf32, #tpu.memory_space<hbm>>
      tpu.wait_indirect_dma semaphore(%arg13 : memref<!tpu.dma_semaphore, #tpu.memory_space<semaphore_mem>>) src(%dma_wait3A_177 : memref<20000x16xf32, #tpu.memory_space<hbm>>) dst(%dma_wait3A_171 : memref<128x16xf32, #tpu.memory_space<vmem>>)
      %dma_wait3A_178 = arith.constant 1 : i32
      %dma_wait3A_179 = arith.constant 128 : i32
      %dma_wait3A_180 = arith.constant 0 : i32
      %dma_wait3A_181 = tpu.memref_slice %arg11[%dma_wait3A_179, %dma_wait3A_180] : memref<400x16xf32, #tpu.memory_space<vmem>> -> memref<72x16xf32, #tpu.memory_space<vmem>>
      %dma_wait3A_182 = arith.constant 0 : i32
      %dma_wait3A_183 = tpu.memref_slice %arg9[%dma_wait3A_178, %dma_wait3A_182] : memref<4x128xi32, #tpu.memory_space<vmem>> -> memref<1x72xi32, #tpu.memory_space<vmem>>
      %dma_wait3A_184 = tpu.memref_squeeze %dma_wait3A_183 : memref<1x72xi32, #tpu.memory_space<vmem>> -> memref<72xi32, #tpu.memory_space<vmem>>
      %dma_wait3A_185 = arith.constant 0 : i32
      %dma_wait3A_186 = arith.constant 0 : i32
      %dma_wait3A_187 = tpu.memref_slice %arg3[%dma_wait3A_185, %dma_wait3A_186] : memref<20000x16xf32, #tpu.memory_space<hbm>> -> memref<20000x16xf32, #tpu.memory_space<hbm>>
      tpu.wait_indirect_dma semaphore(%arg13 : memref<!tpu.dma_semaphore, #tpu.memory_space<semaphore_mem>>) src(%dma_wait3A_187 : memref<20000x16xf32, #tpu.memory_space<hbm>>) dst(%dma_wait3A_181 : memref<72x16xf32, #tpu.memory_space<vmem>>)
      %dma_wait3A_188 = arith.constant 2 : i32
      %dma_wait3A_189 = arith.constant 200 : i32
      %dma_wait3A_190 = arith.constant 0 : i32
      %dma_wait3A_191 = tpu.memref_slice %arg11[%dma_wait3A_189, %dma_wait3A_190] : memref<400x16xf32, #tpu.memory_space<vmem>> -> memref<128x16xf32, #tpu.memory_space<vmem>>
      %dma_wait3A_192 = arith.constant 0 : i32
      %dma_wait3A_193 = tpu.memref_slice %arg9[%dma_wait3A_188, %dma_wait3A_192] : memref<4x128xi32, #tpu.memory_space<vmem>> -> memref<1x128xi32, #tpu.memory_space<vmem>>
      %dma_wait3A_194 = tpu.memref_squeeze %dma_wait3A_193 : memref<1x128xi32, #tpu.memory_space<vmem>> -> memref<128xi32, #tpu.memory_space<vmem>>
      %dma_wait3A_195 = arith.constant 0 : i32
      %dma_wait3A_196 = arith.constant 0 : i32
      %dma_wait3A_197 = tpu.memref_slice %arg3[%dma_wait3A_195, %dma_wait3A_196] : memref<20000x16xf32, #tpu.memory_space<hbm>> -> memref<20000x16xf32, #tpu.memory_space<hbm>>
      tpu.wait_indirect_dma semaphore(%arg13 : memref<!tpu.dma_semaphore, #tpu.memory_space<semaphore_mem>>) src(%dma_wait3A_197 : memref<20000x16xf32, #tpu.memory_space<hbm>>) dst(%dma_wait3A_191 : memref<128x16xf32, #tpu.memory_space<vmem>>)
      %dma_wait3A_198 = arith.constant 3 : i32
      %dma_wait3A_199 = arith.constant 328 : i32
      %dma_wait3A_200 = arith.constant 0 : i32
      %dma_wait3A_201 = tpu.memref_slice %arg11[%dma_wait3A_199, %dma_wait3A_200] : memref<400x16xf32, #tpu.memory_space<vmem>> -> memref<72x16xf32, #tpu.memory_space<vmem>>
      %dma_wait3A_202 = arith.constant 0 : i32
      %dma_wait3A_203 = tpu.memref_slice %arg9[%dma_wait3A_198, %dma_wait3A_202] : memref<4x128xi32, #tpu.memory_space<vmem>> -> memref<1x72xi32, #tpu.memory_space<vmem>>
      %dma_wait3A_204 = tpu.memref_squeeze %dma_wait3A_203 : memref<1x72xi32, #tpu.memory_space<vmem>> -> memref<72xi32, #tpu.memory_space<vmem>>
      %dma_wait3A_205 = arith.constant 0 : i32
      %dma_wait3A_206 = arith.constant 0 : i32
      %dma_wait3A_207 = tpu.memref_slice %arg3[%dma_wait3A_205, %dma_wait3A_206] : memref<20000x16xf32, #tpu.memory_space<hbm>> -> memref<20000x16xf32, #tpu.memory_space<hbm>>
      tpu.wait_indirect_dma semaphore(%arg13 : memref<!tpu.dma_semaphore, #tpu.memory_space<semaphore_mem>>) src(%dma_wait3A_207 : memref<20000x16xf32, #tpu.memory_space<hbm>>) dst(%dma_wait3A_201 : memref<72x16xf32, #tpu.memory_space<vmem>>)
      "tpu.region"() ({
        %run_scoped3A_208 = tpu.sem_alloc : memref<!tpu.dma_semaphore, #tpu.memory_space<semaphore_mem>>
        tpu.enqueue_dma source(%arg10 : memref<400x16xf32, #tpu.memory_space<vmem>>) target(%arg6 : memref<400x16xf32, #tpu.memory_space<hbm>>) target_semaphore(%run_scoped3A_208 : memref<!tpu.dma_semaphore, #tpu.memory_space<semaphore_mem>>)
        tpu.wait_dma2 semaphore(%run_scoped3A_208 : memref<!tpu.dma_semaphore, #tpu.memory_space<semaphore_mem>>) src(%arg10 : memref<400x16xf32, #tpu.memory_space<vmem>>) dst(%arg6 : memref<400x16xf32, #tpu.memory_space<hbm>>)
        tpu.yield
      }) : () -> ()
      "tpu.region"() ({
        %run_scoped3A_208 = tpu.sem_alloc : memref<!tpu.dma_semaphore, #tpu.memory_space<semaphore_mem>>
        tpu.enqueue_dma source(%arg11 : memref<400x16xf32, #tpu.memory_space<vmem>>) target(%arg7 : memref<400x16xf32, #tpu.memory_space<hbm>>) target_semaphore(%run_scoped3A_208 : memref<!tpu.dma_semaphore, #tpu.memory_space<semaphore_mem>>)
        tpu.wait_dma2 semaphore(%run_scoped3A_208 : memref<!tpu.dma_semaphore, #tpu.memory_space<semaphore_mem>>) src(%arg11 : memref<400x16xf32, #tpu.memory_space<vmem>>) dst(%arg7 : memref<400x16xf32, #tpu.memory_space<hbm>>)
        tpu.yield
      }) : () -> ()
      "tpu.region"() ({
        %run_scoped3A_208 = tpu.sem_alloc : memref<!tpu.dma_semaphore, #tpu.memory_space<semaphore_mem>>
        tpu.enqueue_dma source(%arg12 : memref<200x16xf32, #tpu.memory_space<vmem>>) target(%arg8 : memref<200x16xf32, #tpu.memory_space<hbm>>) target_semaphore(%run_scoped3A_208 : memref<!tpu.dma_semaphore, #tpu.memory_space<semaphore_mem>>)
        tpu.wait_dma2 semaphore(%run_scoped3A_208 : memref<!tpu.dma_semaphore, #tpu.memory_space<semaphore_mem>>) src(%arg12 : memref<200x16xf32, #tpu.memory_space<vmem>>) dst(%arg8 : memref<200x16xf32, #tpu.memory_space<hbm>>)
        tpu.yield
      }) : () -> ()
    } else {
    }
    return
  }
}

module attributes {stable_mosaic.version = 14 : i64} {
  func.func @_tc_msg_body(%arg0: i32, %arg1: memref<2000x16xf32, #tpu.memory_space<vmem>>, %arg2: memref<2000x16xf32, #tpu.memory_space<vmem>>, %arg3: memref<16x256xf32, #tpu.memory_space<vmem>>, %arg4: memref<1x256xf32, #tpu.memory_space<vmem>>, %arg5: memref<256x256xf32, #tpu.memory_space<vmem>>, %arg6: memref<1x256xf32, #tpu.memory_space<vmem>>, %arg7: memref<16x256xf32, #tpu.memory_space<vmem>>, %arg8: memref<256x16xf32, #tpu.memory_space<vmem>>, %arg9: memref<2000x16xf32, #tpu.memory_space<vmem>>) attributes {dimension_semantics = [#tpu.dimension_semantics<parallel>], iteration_bounds = array<i64: 80>, scalar_prefetch = 0 : i64, scratch_operands = 0 : i64, tpu.core_type = #tpu.core_type<tc>, window_params = [{transform_indices = @transform_0, window_bounds = array<i64: 2000, 16>}, {transform_indices = @transform_1, window_bounds = array<i64: 2000, 16>}, {pipeline_mode = #tpu.pipeline_mode<synchronous>, transform_indices = @transform_2, window_bounds = array<i64: 16, 256>}, {pipeline_mode = #tpu.pipeline_mode<synchronous>, transform_indices = @transform_3, window_bounds = array<i64: 1, 256>}, {pipeline_mode = #tpu.pipeline_mode<synchronous>, transform_indices = @transform_4, window_bounds = array<i64: 256, 256>}, {pipeline_mode = #tpu.pipeline_mode<synchronous>, transform_indices = @transform_5, window_bounds = array<i64: 1, 256>}, {pipeline_mode = #tpu.pipeline_mode<synchronous>, transform_indices = @transform_6, window_bounds = array<i64: 16, 256>}, {pipeline_mode = #tpu.pipeline_mode<synchronous>, transform_indices = @transform_7, window_bounds = array<i64: 256, 16>}, {transform_indices = @transform_8, window_bounds = array<i64: 2000, 16>}]} {
    %get3A = arith.constant 0 : index
    %get3A_0 = arith.constant 0 : index
    %get3A_1 = vector.load %arg1[%get3A, %get3A_0] : memref<2000x16xf32, #tpu.memory_space<vmem>>, vector<2000x16xf32>
    %get3A_2 = arith.constant 0 : index
    %get3A_3 = arith.constant 0 : index
    %get3A_4 = vector.load %arg3[%get3A_2, %get3A_3] : memref<16x256xf32, #tpu.memory_space<vmem>>, vector<16x256xf32>
    %convert_element_type3A = arith.truncf %get3A_1 : vector<2000x16xf32> to vector<2000x16xbf16>
    %convert_element_type3A_5 = arith.truncf %get3A_4 : vector<16x256xf32> to vector<16x256xbf16>
    %dot_general3A = arith.constant dense<0.000000e+00> : vector<2000x256xf32>
    %dot_general3A_6 = tpu.matmul %convert_element_type3A, %convert_element_type3A_5, %dot_general3A {dimension_numbers = #tpu.dot_dimension_numbers<[1], [0], [0], [1], [0, 0, 1, 1], [], []>, transpose_lhs_hint = false} : vector<2000x16xbf16>, vector<16x256xbf16>, vector<2000x256xf32> -> vector<2000x256xf32>
    %get3A_7 = arith.constant 0 : index
    %get3A_8 = arith.constant 0 : index
    %get3A_9 = vector.load %arg4[%get3A_7, %get3A_8] : memref<1x256xf32, #tpu.memory_space<vmem>>, vector<1x256xf32>
    %add3A = vector.broadcast %get3A_9 : vector<1x256xf32> to vector<2000x256xf32>
    %add3A_10 = arith.addf %dot_general3A_6, %add3A : vector<2000x256xf32>
    %max3A = arith.constant 0.000000e+00 : f32
    %max3A_11 = vector.broadcast %max3A : f32 to vector<2000x256xf32>
    %max3A_12 = arith.maximumf %add3A_10, %max3A_11 : vector<2000x256xf32>
    %get3A_13 = arith.constant 0 : index
    %get3A_14 = arith.constant 0 : index
    %get3A_15 = vector.load %arg5[%get3A_13, %get3A_14] : memref<256x256xf32, #tpu.memory_space<vmem>>, vector<256x256xf32>
    %convert_element_type3A_16 = arith.truncf %max3A_12 : vector<2000x256xf32> to vector<2000x256xbf16>
    %convert_element_type3A_17 = arith.truncf %get3A_15 : vector<256x256xf32> to vector<256x256xbf16>
    %dot_general3A_18 = arith.constant dense<0.000000e+00> : vector<2000x256xf32>
    %dot_general3A_19 = tpu.matmul %convert_element_type3A_16, %convert_element_type3A_17, %dot_general3A_18 {dimension_numbers = #tpu.dot_dimension_numbers<[1], [0], [0], [1], [0, 0, 1, 1], [], []>, transpose_lhs_hint = false} : vector<2000x256xbf16>, vector<256x256xbf16>, vector<2000x256xf32> -> vector<2000x256xf32>
    %get3A_20 = arith.constant 0 : index
    %get3A_21 = arith.constant 0 : index
    %get3A_22 = vector.load %arg6[%get3A_20, %get3A_21] : memref<1x256xf32, #tpu.memory_space<vmem>>, vector<1x256xf32>
    %add3A_23 = vector.broadcast %get3A_22 : vector<1x256xf32> to vector<2000x256xf32>
    %add3A_24 = arith.addf %dot_general3A_19, %add3A_23 : vector<2000x256xf32>
    %get3A_25 = arith.constant 0 : index
    %get3A_26 = arith.constant 0 : index
    %get3A_27 = vector.load %arg2[%get3A_25, %get3A_26] : memref<2000x16xf32, #tpu.memory_space<vmem>>, vector<2000x16xf32>
    %get3A_28 = arith.constant 0 : index
    %get3A_29 = arith.constant 0 : index
    %get3A_30 = vector.load %arg7[%get3A_28, %get3A_29] : memref<16x256xf32, #tpu.memory_space<vmem>>, vector<16x256xf32>
    %convert_element_type3A_31 = arith.truncf %get3A_27 : vector<2000x16xf32> to vector<2000x16xbf16>
    %convert_element_type3A_32 = arith.extf %convert_element_type3A_31 : vector<2000x16xbf16> to vector<2000x16xf32>
    %sub3A = arith.subf %get3A_27, %convert_element_type3A_32 : vector<2000x16xf32>
    %dot_general3A_33 = arith.constant dense<0.000000e+00> : vector<2000x256xf32>
    %dot_general3A_34 = tpu.matmul %convert_element_type3A_32, %get3A_30, %dot_general3A_33 {dimension_numbers = #tpu.dot_dimension_numbers<[1], [0], [0], [1], [0, 0, 1, 1], [], []>, transpose_lhs_hint = false} : vector<2000x16xf32>, vector<16x256xf32>, vector<2000x256xf32> -> vector<2000x256xf32>
    %dot_general3A_35 = arith.constant dense<0.000000e+00> : vector<2000x256xf32>
    %dot_general3A_36 = tpu.matmul %sub3A, %get3A_30, %dot_general3A_35 {dimension_numbers = #tpu.dot_dimension_numbers<[1], [0], [0], [1], [0, 0, 1, 1], [], []>, transpose_lhs_hint = false} : vector<2000x16xf32>, vector<16x256xf32>, vector<2000x256xf32> -> vector<2000x256xf32>
    %add3A_37 = arith.addf %dot_general3A_34, %dot_general3A_36 : vector<2000x256xf32>
    %mul3A = arith.mulf %add3A_37, %add3A_24 : vector<2000x256xf32>
    %get3A_38 = arith.constant 0 : index
    %get3A_39 = arith.constant 0 : index
    %get3A_40 = vector.load %arg8[%get3A_38, %get3A_39] : memref<256x16xf32, #tpu.memory_space<vmem>>, vector<256x16xf32>
    %convert_element_type3A_41 = arith.truncf %mul3A : vector<2000x256xf32> to vector<2000x256xbf16>
    %convert_element_type3A_42 = arith.extf %convert_element_type3A_41 : vector<2000x256xbf16> to vector<2000x256xf32>
    %sub3A_43 = arith.subf %mul3A, %convert_element_type3A_42 : vector<2000x256xf32>
    %dot_general3A_44 = arith.constant dense<0.000000e+00> : vector<2000x16xf32>
    %dot_general3A_45 = tpu.matmul %convert_element_type3A_42, %get3A_40, %dot_general3A_44 {dimension_numbers = #tpu.dot_dimension_numbers<[1], [0], [0], [1], [0, 0, 1, 1], [], []>, transpose_lhs_hint = false} : vector<2000x256xf32>, vector<256x16xf32>, vector<2000x16xf32> -> vector<2000x16xf32>
    %dot_general3A_46 = arith.constant dense<0.000000e+00> : vector<2000x16xf32>
    %dot_general3A_47 = tpu.matmul %sub3A_43, %get3A_40, %dot_general3A_46 {dimension_numbers = #tpu.dot_dimension_numbers<[1], [0], [0], [1], [0, 0, 1, 1], [], []>, transpose_lhs_hint = false} : vector<2000x256xf32>, vector<256x16xf32>, vector<2000x16xf32> -> vector<2000x16xf32>
    %add3A_48 = arith.addf %dot_general3A_45, %dot_general3A_47 : vector<2000x16xf32>
    %swap3A = arith.constant 0 : index
    %swap3A_49 = arith.constant 0 : index
    %swap3A_50 = vector.load %arg9[%swap3A, %swap3A_49] : memref<2000x16xf32, #tpu.memory_space<vmem>>, vector<2000x16xf32>
    tpu.vector_store %arg9[%swap3A, %swap3A_49], %add3A_48 {strides = array<i32>} : memref<2000x16xf32, #tpu.memory_space<vmem>>, vector<2000x16xf32>,
    return
  }
  func.func @transform_0(%arg0: i32) -> (i32, i32) {
    %c0_i32 = arith.constant 0 : i32
    %c0_i32_0 = arith.constant 0 : i32
    return %arg0, %c0_i32 : i32, i32
  }
  func.func @transform_1(%arg0: i32) -> (i32, i32) {
    %c0_i32 = arith.constant 0 : i32
    %c0_i32_0 = arith.constant 0 : i32
    return %arg0, %c0_i32 : i32, i32
  }
  func.func @transform_2(%arg0: i32) -> (i32, i32) {
    %c0_i32 = arith.constant 0 : i32
    %c0_i32_0 = arith.constant 0 : i32
    %c0_i32_1 = arith.constant 0 : i32
    return %c0_i32, %c0_i32_0 : i32, i32
  }
  func.func @transform_3(%arg0: i32) -> (i32, i32) {
    %c0_i32 = arith.constant 0 : i32
    %c0_i32_0 = arith.constant 0 : i32
    %c0_i32_1 = arith.constant 0 : i32
    return %c0_i32, %c0_i32_0 : i32, i32
  }
  func.func @transform_4(%arg0: i32) -> (i32, i32) {
    %c0_i32 = arith.constant 0 : i32
    %c0_i32_0 = arith.constant 0 : i32
    %c0_i32_1 = arith.constant 0 : i32
    return %c0_i32, %c0_i32_0 : i32, i32
  }
  func.func @transform_5(%arg0: i32) -> (i32, i32) {
    %c0_i32 = arith.constant 0 : i32
    %c0_i32_0 = arith.constant 0 : i32
    %c0_i32_1 = arith.constant 0 : i32
    return %c0_i32, %c0_i32_0 : i32, i32
  }
  func.func @transform_6(%arg0: i32) -> (i32, i32) {
    %c0_i32 = arith.constant 0 : i32
    %c0_i32_0 = arith.constant 0 : i32
    %c0_i32_1 = arith.constant 0 : i32
    return %c0_i32, %c0_i32_0 : i32, i32
  }
  func.func @transform_7(%arg0: i32) -> (i32, i32) {
    %c0_i32 = arith.constant 0 : i32
    %c0_i32_0 = arith.constant 0 : i32
    %c0_i32_1 = arith.constant 0 : i32
    return %c0_i32, %c0_i32_0 : i32, i32
  }
  func.func @transform_8(%arg0: i32) -> (i32, i32) {
    %c0_i32 = arith.constant 0 : i32
    %c0_i32_0 = arith.constant 0 : i32
    return %arg0, %c0_i32 : i32, i32
  }
}

module attributes {stable_mosaic.version = 14 : i64} {
  func.func @_tc_update_body(%arg0: i32, %arg1: memref<2x1000x16xf32, #tpu.memory_space<vmem>>, %arg2: memref<2x1000x16xf32, #tpu.memory_space<vmem>>, %arg3: memref<1000x16xf32, #tpu.memory_space<vmem>>, %arg4: memref<16x16xf32, #tpu.memory_space<vmem>>, %arg5: memref<1x16xf32, #tpu.memory_space<vmem>>, %arg6: memref<1000x16xf32, #tpu.memory_space<vmem>>) attributes {dimension_semantics = [#tpu.dimension_semantics<parallel>], iteration_bounds = array<i64: 10>, scalar_prefetch = 0 : i64, scratch_operands = 0 : i64, tpu.core_type = #tpu.core_type<tc>, window_params = [{transform_indices = @transform_0, window_bounds = array<i64: 2, 1000, 16>}, {transform_indices = @transform_1, window_bounds = array<i64: 2, 1000, 16>}, {transform_indices = @transform_2, window_bounds = array<i64: 1000, 16>}, {pipeline_mode = #tpu.pipeline_mode<synchronous>, transform_indices = @transform_3, window_bounds = array<i64: 16, 16>}, {pipeline_mode = #tpu.pipeline_mode<synchronous>, transform_indices = @transform_4, window_bounds = array<i64: 1, 16>}, {transform_indices = @transform_5, window_bounds = array<i64: 1000, 16>}]} {
    %get3A = arith.constant 0 : index
    %get3A_0 = arith.constant 0 : index
    %get3A_1 = arith.constant 0 : index
    %get3A_2 = vector.load %arg1[%get3A, %get3A_0, %get3A_1] : memref<2x1000x16xf32, #tpu.memory_space<vmem>>, vector<1x1000x16xf32>
    %get3A_3 = vector.shape_cast %get3A_2 : vector<1x1000x16xf32> to vector<1000x16xf32>
    %get3A_4 = arith.constant 1 : index
    %get3A_5 = arith.constant 0 : index
    %get3A_6 = arith.constant 0 : index
    %get3A_7 = vector.load %arg1[%get3A_4, %get3A_5, %get3A_6] : memref<2x1000x16xf32, #tpu.memory_space<vmem>>, vector<1x1000x16xf32>
    %get3A_8 = vector.shape_cast %get3A_7 : vector<1x1000x16xf32> to vector<1000x16xf32>
    %add3A = arith.addf %get3A_3, %get3A_8 : vector<1000x16xf32>
    %get3A_9 = arith.constant 0 : index
    %get3A_10 = arith.constant 0 : index
    %get3A_11 = arith.constant 0 : index
    %get3A_12 = vector.load %arg2[%get3A_9, %get3A_10, %get3A_11] : memref<2x1000x16xf32, #tpu.memory_space<vmem>>, vector<1x1000x16xf32>
    %get3A_13 = vector.shape_cast %get3A_12 : vector<1x1000x16xf32> to vector<1000x16xf32>
    %get3A_14 = arith.constant 1 : index
    %get3A_15 = arith.constant 0 : index
    %get3A_16 = arith.constant 0 : index
    %get3A_17 = vector.load %arg2[%get3A_14, %get3A_15, %get3A_16] : memref<2x1000x16xf32, #tpu.memory_space<vmem>>, vector<1x1000x16xf32>
    %get3A_18 = vector.shape_cast %get3A_17 : vector<1x1000x16xf32> to vector<1000x16xf32>
    %add3A_19 = arith.addf %get3A_13, %get3A_18 : vector<1000x16xf32>
    %slice3A = vector.extract_strided_slice %add3A_19 {offsets = [0, 0], sizes = [1000, 1], strides = [1, 1]} : vector<1000x16xf32> to vector<1000x1xf32>
    %max3A = arith.constant 1.000000e+00 : f32
    %max3A_20 = vector.broadcast %max3A : f32 to vector<1000x1xf32>
    %max3A_21 = arith.maximumf %slice3A, %max3A_20 : vector<1000x1xf32>
    %div3A = arith.constant 1.000000e+00 : f32
    %div3A_22 = vector.broadcast %div3A : f32 to vector<1000x1xf32>
    %div3A_23 = arith.divf %div3A_22, %max3A_21 : vector<1000x1xf32>
    %mul3A = arith.mulf %max3A_21, %div3A_23 : vector<1000x1xf32>
    %sub3A = arith.constant 2.000000e+00 : f32
    %sub3A_24 = vector.broadcast %sub3A : f32 to vector<1000x1xf32>
    %sub3A_25 = arith.subf %sub3A_24, %mul3A : vector<1000x1xf32>
    %mul3A_26 = arith.mulf %div3A_23, %sub3A_25 : vector<1000x1xf32>
    %mul3A_27 = arith.mulf %max3A_21, %mul3A_26 : vector<1000x1xf32>
    %sub3A_28 = arith.constant 2.000000e+00 : f32
    %sub3A_29 = vector.broadcast %sub3A_28 : f32 to vector<1000x1xf32>
    %sub3A_30 = arith.subf %sub3A_29, %mul3A_27 : vector<1000x1xf32>
    %mul3A_31 = arith.mulf %mul3A_26, %sub3A_30 : vector<1000x1xf32>
    %mul3A_32 = vector.broadcast %mul3A_31 : vector<1000x1xf32> to vector<1000x16xf32>
    %mul3A_33 = arith.mulf %add3A, %mul3A_32 : vector<1000x16xf32>
    %mul3A_34 = vector.broadcast %max3A_21 : vector<1000x1xf32> to vector<1000x16xf32>
    %mul3A_35 = arith.mulf %mul3A_33, %mul3A_34 : vector<1000x16xf32>
    %sub3A_36 = arith.subf %add3A, %mul3A_35 : vector<1000x16xf32>
    %mul3A_37 = vector.broadcast %mul3A_31 : vector<1000x1xf32> to vector<1000x16xf32>
    %mul3A_38 = arith.mulf %sub3A_36, %mul3A_37 : vector<1000x16xf32>
    %add3A_39 = arith.addf %mul3A_33, %mul3A_38 : vector<1000x16xf32>
    %get3A_40 = arith.constant 0 : index
    %get3A_41 = arith.constant 0 : index
    %get3A_42 = vector.load %arg3[%get3A_40, %get3A_41] : memref<1000x16xf32, #tpu.memory_space<vmem>>, vector<1000x16xf32>
    %get3A_43 = arith.constant 0 : index
    %get3A_44 = arith.constant 0 : index
    %get3A_45 = vector.load %arg4[%get3A_43, %get3A_44] : memref<16x16xf32, #tpu.memory_space<vmem>>, vector<16x16xf32>
    %convert_element_type3A = arith.truncf %get3A_42 : vector<1000x16xf32> to vector<1000x16xbf16>
    %convert_element_type3A_46 = arith.truncf %get3A_45 : vector<16x16xf32> to vector<16x16xbf16>
    %dot_general3A = arith.constant dense<0.000000e+00> : vector<1000x16xf32>
    %dot_general3A_47 = tpu.matmul %convert_element_type3A, %convert_element_type3A_46, %dot_general3A {dimension_numbers = #tpu.dot_dimension_numbers<[1], [0], [0], [1], [0, 0, 1, 1], [], []>, transpose_lhs_hint = false} : vector<1000x16xbf16>, vector<16x16xbf16>, vector<1000x16xf32> -> vector<1000x16xf32>
    %add3A_48 = arith.addf %add3A_39, %dot_general3A_47 : vector<1000x16xf32>
    %get3A_49 = arith.constant 0 : index
    %get3A_50 = arith.constant 0 : index
    %get3A_51 = vector.load %arg5[%get3A_49, %get3A_50] : memref<1x16xf32, #tpu.memory_space<vmem>>, vector<1x16xf32>
    %add3A_52 = vector.broadcast %get3A_51 : vector<1x16xf32> to vector<1000x16xf32>
    %add3A_53 = arith.addf %add3A_48, %add3A_52 : vector<1000x16xf32>
    %max3A_54 = arith.constant 0.000000e+00 : f32
    %max3A_55 = vector.broadcast %max3A_54 : f32 to vector<1000x16xf32>
    %max3A_56 = arith.maximumf %add3A_53, %max3A_55 : vector<1000x16xf32>
    %swap3A = arith.constant 0 : index
    %swap3A_57 = arith.constant 0 : index
    %swap3A_58 = vector.load %arg6[%swap3A, %swap3A_57] : memref<1000x16xf32, #tpu.memory_space<vmem>>, vector<1000x16xf32>
    tpu.vector_store %arg6[%swap3A, %swap3A_57], %max3A_56 {strides = array<i32>} : memref<1000x16xf32, #tpu.memory_space<vmem>>, vector<1000x16xf32>,
    return
  }
  func.func @transform_0(%arg0: i32) -> (i32, i32, i32) {
    %c0_i32 = arith.constant 0 : i32
    %c0_i32_0 = arith.constant 0 : i32
    %c0_i32_1 = arith.constant 0 : i32
    return %c0_i32, %arg0, %c0_i32_0 : i32, i32, i32
  }
  func.func @transform_1(%arg0: i32) -> (i32, i32, i32) {
    %c0_i32 = arith.constant 0 : i32
    %c0_i32_0 = arith.constant 0 : i32
    %c0_i32_1 = arith.constant 0 : i32
    return %c0_i32, %arg0, %c0_i32_0 : i32, i32, i32
  }
  func.func @transform_2(%arg0: i32) -> (i32, i32) {
    %c0_i32 = arith.constant 0 : i32
    %c0_i32_0 = arith.constant 0 : i32
    return %arg0, %c0_i32 : i32, i32
  }
  func.func @transform_3(%arg0: i32) -> (i32, i32) {
    %c0_i32 = arith.constant 0 : i32
    %c0_i32_0 = arith.constant 0 : i32
    %c0_i32_1 = arith.constant 0 : i32
    return %c0_i32, %c0_i32_0 : i32, i32
  }
  func.func @transform_4(%arg0: i32) -> (i32, i32) {
    %c0_i32 = arith.constant 0 : i32
    %c0_i32_0 = arith.constant 0 : i32
    %c0_i32_1 = arith.constant 0 : i32
    return %c0_i32, %c0_i32_0 : i32, i32
  }
  func.func @transform_5(%arg0: i32) -> (i32, i32) {
    %c0_i32 = arith.constant 0 : i32
    %c0_i32_0 = arith.constant 0 : i32
    return %arg0, %c0_i32 : i32, i32
  }
}

module attributes {stable_mosaic.version = 14 : i64} {
  func.func @_tc_head_body(%arg0: memref<400x16xf32, #tpu.memory_space<vmem>>, %arg1: memref<400x16xf32, #tpu.memory_space<vmem>>, %arg2: memref<200x16xf32, #tpu.memory_space<vmem>>, %arg3: memref<16x16xf32, #tpu.memory_space<vmem>>, %arg4: memref<1x16xf32, #tpu.memory_space<vmem>>, %arg5: memref<1x1xf32, #tpu.memory_space<vmem>>, %arg6: memref<1x1xf32, #tpu.memory_space<vmem>>, %arg7: memref<16x64xf32, #tpu.memory_space<vmem>>, %arg8: memref<1x64xf32, #tpu.memory_space<vmem>>, %arg9: memref<1x64xf32, #tpu.memory_space<vmem>>, %arg10: memref<1x64xf32, #tpu.memory_space<vmem>>, %arg11: memref<64x1xf32, #tpu.memory_space<vmem>>, %arg12: memref<1x1xf32, #tpu.memory_space<vmem>>, %arg13: memref<1x1xf32, #tpu.memory_space<vmem>>) attributes {dimension_semantics = [], scalar_prefetch = 0 : i64, scratch_operands = 0 : i64, tpu.core_type = #tpu.core_type<tc>} {
    %get3A = arith.constant 0 : index
    %get3A_0 = arith.constant 0 : index
    %get3A_1 = vector.load %arg0[%get3A, %get3A_0] : memref<400x16xf32, #tpu.memory_space<vmem>>, vector<200x16xf32>
    %get3A_2 = arith.constant 200 : index
    %get3A_3 = arith.constant 0 : index
    %get3A_4 = vector.load %arg0[%get3A_2, %get3A_3] : memref<400x16xf32, #tpu.memory_space<vmem>>, vector<200x16xf32>
    %add3A = arith.addf %get3A_1, %get3A_4 : vector<200x16xf32>
    %get3A_5 = arith.constant 0 : index
    %get3A_6 = arith.constant 0 : index
    %get3A_7 = vector.load %arg1[%get3A_5, %get3A_6] : memref<400x16xf32, #tpu.memory_space<vmem>>, vector<200x16xf32>
    %get3A_8 = arith.constant 200 : index
    %get3A_9 = arith.constant 0 : index
    %get3A_10 = vector.load %arg1[%get3A_8, %get3A_9] : memref<400x16xf32, #tpu.memory_space<vmem>>, vector<200x16xf32>
    %add3A_11 = arith.addf %get3A_7, %get3A_10 : vector<200x16xf32>
    %slice3A = vector.extract_strided_slice %add3A_11 {offsets = [0, 0], sizes = [200, 1], strides = [1, 1]} : vector<200x16xf32> to vector<200x1xf32>
    %max3A = arith.constant 1.000000e+00 : f32
    %max3A_12 = vector.broadcast %max3A : f32 to vector<200x1xf32>
    %max3A_13 = arith.maximumf %slice3A, %max3A_12 : vector<200x1xf32>
    %div3A = arith.constant 1.000000e+00 : f32
    %div3A_14 = vector.broadcast %div3A : f32 to vector<200x1xf32>
    %div3A_15 = arith.divf %div3A_14, %max3A_13 : vector<200x1xf32>
    %mul3A = arith.mulf %max3A_13, %div3A_15 : vector<200x1xf32>
    %sub3A = arith.constant 2.000000e+00 : f32
    %sub3A_16 = vector.broadcast %sub3A : f32 to vector<200x1xf32>
    %sub3A_17 = arith.subf %sub3A_16, %mul3A : vector<200x1xf32>
    %mul3A_18 = arith.mulf %div3A_15, %sub3A_17 : vector<200x1xf32>
    %mul3A_19 = arith.mulf %max3A_13, %mul3A_18 : vector<200x1xf32>
    %sub3A_20 = arith.constant 2.000000e+00 : f32
    %sub3A_21 = vector.broadcast %sub3A_20 : f32 to vector<200x1xf32>
    %sub3A_22 = arith.subf %sub3A_21, %mul3A_19 : vector<200x1xf32>
    %mul3A_23 = arith.mulf %mul3A_18, %sub3A_22 : vector<200x1xf32>
    %mul3A_24 = vector.broadcast %mul3A_23 : vector<200x1xf32> to vector<200x16xf32>
    %mul3A_25 = arith.mulf %add3A, %mul3A_24 : vector<200x16xf32>
    %mul3A_26 = vector.broadcast %max3A_13 : vector<200x1xf32> to vector<200x16xf32>
    %mul3A_27 = arith.mulf %mul3A_25, %mul3A_26 : vector<200x16xf32>
    %sub3A_28 = arith.subf %add3A, %mul3A_27 : vector<200x16xf32>
    %mul3A_29 = vector.broadcast %mul3A_23 : vector<200x1xf32> to vector<200x16xf32>
    %mul3A_30 = arith.mulf %sub3A_28, %mul3A_29 : vector<200x16xf32>
    %add3A_31 = arith.addf %mul3A_25, %mul3A_30 : vector<200x16xf32>
    %get3A_32 = arith.constant 0 : index
    %get3A_33 = arith.constant 0 : index
    %get3A_34 = vector.load %arg2[%get3A_32, %get3A_33] : memref<200x16xf32, #tpu.memory_space<vmem>>, vector<200x16xf32>
    %get3A_35 = arith.constant 0 : index
    %get3A_36 = arith.constant 0 : index
    %get3A_37 = vector.load %arg3[%get3A_35, %get3A_36] : memref<16x16xf32, #tpu.memory_space<vmem>>, vector<16x16xf32>
    %convert_element_type3A = arith.truncf %get3A_34 : vector<200x16xf32> to vector<200x16xbf16>
    %convert_element_type3A_38 = arith.truncf %get3A_37 : vector<16x16xf32> to vector<16x16xbf16>
    %dot_general3A = arith.constant dense<0.000000e+00> : vector<200x16xf32>
    %dot_general3A_39 = tpu.matmul %convert_element_type3A, %convert_element_type3A_38, %dot_general3A {dimension_numbers = #tpu.dot_dimension_numbers<[1], [0], [0], [1], [0, 0, 1, 1], [], []>, transpose_lhs_hint = false} : vector<200x16xbf16>, vector<16x16xbf16>, vector<200x16xf32> -> vector<200x16xf32>
    %add3A_40 = arith.addf %add3A_31, %dot_general3A_39 : vector<200x16xf32>
    %get3A_41 = arith.constant 0 : index
    %get3A_42 = arith.constant 0 : index
    %get3A_43 = vector.load %arg4[%get3A_41, %get3A_42] : memref<1x16xf32, #tpu.memory_space<vmem>>, vector<1x16xf32>
    %add3A_44 = vector.broadcast %get3A_43 : vector<1x16xf32> to vector<200x16xf32>
    %add3A_45 = arith.addf %add3A_40, %add3A_44 : vector<200x16xf32>
    %reduce_sum3A = arith.constant dense<0.000000e+00> : vector<16xf32>
    %reduce_sum3A_46 = vector.multi_reduction <add>, %add3A_45, %reduce_sum3A [0] : vector<200x16xf32> to vector<16xf32>
    %broadcast_in_dim3A = vector.shape_cast %reduce_sum3A_46 : vector<16xf32> to vector<1x16xf32>
    %div3A_47 = arith.constant 2.000000e+02 : f32
    %div3A_48 = vector.broadcast %div3A_47 : f32 to vector<1x16xf32>
    %div3A_49 = arith.divf %broadcast_in_dim3A, %div3A_48 : vector<1x16xf32>
    %get3A_50 = arith.constant 0 : index
    %get3A_51 = arith.constant 0 : index
    %get3A_52 = vector.load %arg7[%get3A_50, %get3A_51] : memref<16x64xf32, #tpu.memory_space<vmem>>, vector<16x64xf32>
    %convert_element_type3A_53 = arith.truncf %div3A_49 : vector<1x16xf32> to vector<1x16xbf16>
    %convert_element_type3A_54 = arith.truncf %get3A_52 : vector<16x64xf32> to vector<16x64xbf16>
    %dot_general3A_55 = arith.constant dense<0.000000e+00> : vector<1x64xf32>
    %dot_general3A_56 = tpu.matmul %convert_element_type3A_53, %convert_element_type3A_54, %dot_general3A_55 {dimension_numbers = #tpu.dot_dimension_numbers<[1], [0], [0], [1], [0, 0, 1, 1], [], []>, transpose_lhs_hint = false} : vector<1x16xbf16>, vector<16x64xbf16>, vector<1x64xf32> -> vector<1x64xf32>
    %get3A_57 = arith.constant 0 : index
    %get3A_58 = arith.constant 0 : index
    %get3A_59 = vector.load %arg5[%get3A_57, %get3A_58] : memref<1x1xf32, #tpu.memory_space<vmem>>, vector<1x1xf32>
    %convert_element_type3A_60 = arith.truncf %get3A_59 : vector<1x1xf32> to vector<1x1xbf16>
    %convert_element_type3A_61 = arith.extf %convert_element_type3A_60 : vector<1x1xbf16> to vector<1x1xf32>
    %get3A_62 = arith.constant 0 : index
    %get3A_63 = arith.constant 0 : index
    %get3A_64 = vector.load %arg8[%get3A_62, %get3A_63] : memref<1x64xf32, #tpu.memory_space<vmem>>, vector<1x64xf32>
    %convert_element_type3A_65 = arith.truncf %get3A_64 : vector<1x64xf32> to vector<1x64xbf16>
    %convert_element_type3A_66 = arith.extf %convert_element_type3A_65 : vector<1x64xbf16> to vector<1x64xf32>
    %mul3A_67 = vector.broadcast %convert_element_type3A_61 : vector<1x1xf32> to vector<1x64xf32>
    %mul3A_68 = arith.mulf %mul3A_67, %convert_element_type3A_66 : vector<1x64xf32>
    %add3A_69 = arith.addf %dot_general3A_56, %mul3A_68 : vector<1x64xf32>
    %get3A_70 = arith.constant 0 : index
    %get3A_71 = arith.constant 0 : index
    %get3A_72 = vector.load %arg6[%get3A_70, %get3A_71] : memref<1x1xf32, #tpu.memory_space<vmem>>, vector<1x1xf32>
    %convert_element_type3A_73 = arith.truncf %get3A_72 : vector<1x1xf32> to vector<1x1xbf16>
    %convert_element_type3A_74 = arith.extf %convert_element_type3A_73 : vector<1x1xbf16> to vector<1x1xf32>
    %get3A_75 = arith.constant 0 : index
    %get3A_76 = arith.constant 0 : index
    %get3A_77 = vector.load %arg9[%get3A_75, %get3A_76] : memref<1x64xf32, #tpu.memory_space<vmem>>, vector<1x64xf32>
    %convert_element_type3A_78 = arith.truncf %get3A_77 : vector<1x64xf32> to vector<1x64xbf16>
    %convert_element_type3A_79 = arith.extf %convert_element_type3A_78 : vector<1x64xbf16> to vector<1x64xf32>
    %mul3A_80 = vector.broadcast %convert_element_type3A_74 : vector<1x1xf32> to vector<1x64xf32>
    %mul3A_81 = arith.mulf %mul3A_80, %convert_element_type3A_79 : vector<1x64xf32>
    %add3A_82 = arith.addf %add3A_69, %mul3A_81 : vector<1x64xf32>
    %get3A_83 = arith.constant 0 : index
    %get3A_84 = arith.constant 0 : index
    %get3A_85 = vector.load %arg10[%get3A_83, %get3A_84] : memref<1x64xf32, #tpu.memory_space<vmem>>, vector<1x64xf32>
    %add3A_86 = arith.addf %add3A_82, %get3A_85 : vector<1x64xf32>
    %max3A_87 = arith.constant 0.000000e+00 : f32
    %max3A_88 = vector.broadcast %max3A_87 : f32 to vector<1x64xf32>
    %max3A_89 = arith.maximumf %add3A_86, %max3A_88 : vector<1x64xf32>
    %get3A_90 = arith.constant 0 : index
    %get3A_91 = arith.constant 0 : index
    %get3A_92 = vector.load %arg11[%get3A_90, %get3A_91] : memref<64x1xf32, #tpu.memory_space<vmem>>, vector<64x1xf32>
    %convert_element_type3A_93 = arith.truncf %max3A_89 : vector<1x64xf32> to vector<1x64xbf16>
    %convert_element_type3A_94 = arith.truncf %get3A_92 : vector<64x1xf32> to vector<64x1xbf16>
    %dot_general3A_95 = arith.constant dense<0.000000e+00> : vector<1x1xf32>
    %dot_general3A_96 = tpu.matmul %convert_element_type3A_93, %convert_element_type3A_94, %dot_general3A_95 {dimension_numbers = #tpu.dot_dimension_numbers<[1], [0], [0], [1], [0, 0, 1, 1], [], []>, transpose_lhs_hint = false} : vector<1x64xbf16>, vector<64x1xbf16>, vector<1x1xf32> -> vector<1x1xf32>
    %get3A_97 = arith.constant 0 : index
    %get3A_98 = arith.constant 0 : index
    %get3A_99 = vector.load %arg12[%get3A_97, %get3A_98] : memref<1x1xf32, #tpu.memory_space<vmem>>, vector<1x1xf32>
    %add3A_100 = arith.addf %dot_general3A_96, %get3A_99 : vector<1x1xf32>
    %swap3A = arith.constant 0 : index
    %swap3A_101 = arith.constant 0 : index
    %swap3A_102 = vector.load %arg13[%swap3A, %swap3A_101] : memref<1x1xf32, #tpu.memory_space<vmem>>, vector<1x1xf32>
    tpu.vector_store %arg13[%swap3A, %swap3A_101], %add3A_100 {strides = array<i32>} : memref<1x1xf32, #tpu.memory_space<vmem>>, vector<1x1xf32>,
    return
  }
}

</mosaic_0001>

<sc_bundles>
// kernel: kernel.12.cloned.1.call-start
scs
__scs_entry_jumppad:
0x0: {  	(pc) =	sbr.rel $0x88, $3  }
0x1: {  	(tag) =	ssettag $0x0;
	lr =	simm.s32 $0x1  }
0x2: {  	[smem:$0x3F8B] =	sst lr;
	_ =	strace $0xD0000000  }
0x3: {  	_ = 	snop  }
0x4: {  	_ = 	snop  }
0x5: {  	_ = 	snop  }
0x6: {  	_ = 	snop  }
0x7: {  	_ = 	snop  }
__scs_overlays_trampoline_lowered:
0x8: {  	[smem:$0x3F9A] =	sst s0  }
0x9: {  	[smem:$0x3F9B] =	sst s1  }
0xa: {  	[smem:$0x3F9C] =	sst s2  }
0xb: {  	[smem:$0x3F9D] =	sst s3  }
0xc: {  	[smem:$0x3F9E] =	sst s4  }
0xd: {  	[smem:$0x3F9F] =	sst s5  }
0xe: {  	[smem:$0x3FA0] =	sst s6  }
0xf: {  	[smem:$0x3FA1] =	sst s7  }
0x10: {  	[smem:$0x3FA2] =	sst s8  }
0x11: {  	[smem:$0x3FA3] =	sst s9;
	s0 =	simm.s32 @!p0 $0x0  }
0x12: {  	s1 =	sld [smem:$0x3F89];
	s0 =	simm.s32 @p0 $0x1  }
0x13: {  	[smem:$0x3FA4] =	sst s0;
	s0 =	simm.s32 @!p1 $0x0  }
0x14: {  	s2 =	sld [smem:$0x3F88];
	s0 =	simm.s32 @p1 $0x1  }
0x15: {  	[smem:$0x3FA5] =	sst s0;
	s0 =	simm.s32 @!p2 $0x0  }
0x16: {  	s3 =	sld [smem:$0x3FDB];
	s0 =	simm.s32 @p2 $0x1  }
0x17: {  	s4 =	simm.s32 $0x1BF5;
	[smem:$0x3FA7] =	sst s0  }
0x18: {  	s0 =	sld [smem:$0x3F8A];
	_ =	swait.ge [sflag:s4], $0x0  }
0x19: {  	s7 =	sld [smem:$0x3F8B]  }
0x1a: {  	s8 =	sadd.s32 $0xFFFFE003, lr  }
0x1b: {  	s9 =	sadd.s32 $0xFFFFFEF7, lr;
	s5 =	simm.s32 $0xFFFFFFFF;
	p2 =	slt.u32 s8, $0xFFFFF086  }
0x1c: {  	p1 =	slt.u32 s9, $0xF7A;
	s5 =	simm.s32 @!p2 $0x0  }
0x1d: {  	s5 =	simm.s32 @p1 $0x1;
	p0 =	seq.s32 s7, s2  }
0x1e: {  	s7 =	smul.u32 @!p0 $0xF7A, s2;
	p2 =	seq.s32 @!p0 s5, $0x0  }
0x1f: {  	s9 =	smul.u32 $0xF7A, s1;
	s8 =	simm.s32 @!p0 $0x1BF5;
	p2 =	por !p2, p0  }
0x20: {  	[sflag:s8] =	ssyncset.s32 @!p0 $0xFFFFF086;
	s6 =	sadd.s32 @!p0 s3, s7;
	s7 =	simm.s32 @!p0 $0x108  }
0x21: {  	s3 =	sadd.s32 s3, s9;
	s6 =	sadd.s32 @!p0 $0x88, s6;
	s7 =	simm.s32 @p2 $0x1082  }
0x22: {  	[simem:s7], [sflag:s8] =	dma.local @!p0 [hbm:s6], $0xF7A  }
0x23: {  	s9 =	sor.u32 $0xD0000000, s2;
	s6 =	simm.s32 $0x108;
	_ =	swait.ge @!p0 [sflag:s8], $0x0  }
0x24: {  	s3 =	sadd.s32 $0x88, s3;
	s6 =	simm.s32 @!p1 $0x1082;
	[sflag:s4] =	ssyncset.s32 $0xFFFFF086  }
0x25: {  	[simem:s6], [sflag:s4] =	dma.local [hbm:s3], $0xF7A  }
0x26: {  	[smem:$0x3F8B] =	sst s1;
	(tag) =	ssettag s2;
	_ =	strace s9  }
0x27: {  	s1 =	sld [smem:$0x3F9B]  }
0x28: {  	s2 =	sld [smem:$0x3F9C]  }
0x29: {  	s4 =	sld [smem:$0x3F9E]  }
0x2a: {  	p0 =	seq.s32 s5, $0x0;
	s5 =	sld [smem:$0x3F9F]  }
0x2b: {  	s6 =	sld [smem:$0x3FA0]  }
0x2c: {  	s7 =	sld [smem:$0x3FA1]  }
0x2d: {  	s3 =	simm.s32 $0x108;
	s8 =	sld [smem:$0x3FA2]  }
0x2e: {  	s3 =	simm.s32 @!p0 $0x1082;
	s9 =	sld [smem:$0x3FA3]  }
0x2f: {  	lr =	sadd.s32 s0, s3;
	s0 =	sld [smem:$0x3F9A]  }
0x30: {  	s3 =	sld [smem:$0x3F9D]  }
0x31: {  	[smem:$0x3FA6] =	sst s10  }
0x32: {  	s10 =	sld [smem:$0x3FA4];
	_ =	sdelay $0x3  }
0x33: {  	p0 =	seq.s32 s10, $0x1;
	s10 =	sld [smem:$0x3FA6];
	_ =	sdelay $0x3  }
0x34: {  	[smem:$0x3FA6] =	sst s10  }
0x35: {  	s10 =	sld [smem:$0x3FA5];
	_ =	sdelay $0x3  }
0x36: {  	p1 =	seq.s32 s10, $0x1;
	s10 =	sld [smem:$0x3FA6];
	_ =	sdelay $0x3  }
0x37: {  	[smem:$0x3FA6] =	sst s10  }
0x38: {  	s10 =	sld [smem:$0x3FA7]  }
0x39: {  	_ = 	snop;
	(pc) =	sbr.ind lr, $3  }
0x3a: {  	_ = 	snop  }
0x3b: {  	_ = 	snop  }
0x3c: {  	p2 =	seq.s32 s10, $0x1;
	s10 =	sld [smem:$0x3FA6]  }
0x3d: {  	_ =	shalt  }
0x3e: {  	_ =	shalt  }
0x3f: {  	_ =	shalt  }
0x40: {  	_ =	shalt  }
0x41: {  	_ =	shalt  }
0x42: {  	_ =	shalt  }
0x43: {  	_ =	shalt  }
0x44: {  	_ =	shalt  }
0x45: {  	_ =	shalt  }
0x46: {  	_ =	shalt  }
0x47: {  	_ =	shalt  }
0x48: {  	_ =	shalt  }
0x49: {  	_ =	shalt  }
0x4a: {  	_ =	shalt  }
0x4b: {  	_ =	shalt  }
0x4c: {  	_ =	shalt  }
0x4d: {  	_ =	shalt  }
0x4e: {  	_ =	shalt  }
0x4f: {  	_ =	shalt  }
0x50: {  	_ =	shalt  }
0x51: {  	_ =	shalt  }
0x52: {  	_ =	shalt  }
0x53: {  	_ =	shalt  }
0x54: {  	_ =	shalt  }
0x55: {  	_ =	shalt  }
0x56: {  	_ =	shalt  }
0x57: {  	_ =	shalt  }
0x58: {  	_ =	shalt  }
0x59: {  	_ =	shalt  }
0x5a: {  	_ =	shalt  }
0x5b: {  	_ =	shalt  }
0x5c: {  	_ =	shalt  }
0x5d: {  	_ =	shalt  }
0x5e: {  	_ =	shalt  }
0x5f: {  	_ =	shalt  }
0x60: {  	_ =	shalt  }
0x61: {  	_ =	shalt  }
0x62: {  	_ =	shalt  }
0x63: {  	_ =	shalt  }
0x64: {  	_ =	shalt  }
0x65: {  	_ =	shalt  }
0x66: {  	_ =	shalt  }
0x67: {  	_ =	shalt  }
0x68: {  	_ =	shalt  }
0x69: {  	_ =	shalt  }
0x6a: {  	_ =	shalt  }
0x6b: {  	_ =	shalt  }
0x6c: {  	_ =	shalt  }
0x6d: {  	_ =	shalt  }
0x6e: {  	_ =	shalt  }
0x6f: {  	_ =	shalt  }
0x70: {  	_ =	shalt  }
0x71: {  	_ =	shalt  }
0x72: {  	_ =	shalt  }
0x73: {  	_ =	shalt  }
0x74: {  	_ =	shalt  }
0x75: {  	_ =	shalt  }
0x76: {  	_ =	shalt  }
0x77: {  	_ =	shalt  }
0x78: {  	_ =	shalt  }
0x79: {  	_ =	shalt  }
0x7a: {  	_ =	shalt  }
0x7b: {  	_ =	shalt  }
0x7c: {  	_ =	shalt  }
0x7d: {  	_ =	shalt  }
0x7e: {  	_ =	shalt  }
0x7f: {  	_ =	shalt  }
0x80: {  	_ =	shalt  }
0x81: {  	_ =	shalt  }
0x82: {  	_ =	shalt  }
0x83: {  	_ =	shalt  }
0x84: {  	_ =	shalt  }
0x85: {  	_ =	shalt  }
0x86: {  	_ =	shalt  }
0x87: {  	_ =	shalt  }
.Lfunc_end0:
.L_simem_size_0:
called_computation_lowered:
.L_overlay_start_0:
0x88: {  	s2 =	sld [smem:$0x3FD9]  }
0x89: {  	s3 =	sld [smem:$0x3FFE];
	_ =	sdelay $0x1  }
0x8a: {  	s1 =	srdreg.scid  }
0x8b: {  	s0 =	sand.u32 $0x1, s1  }
0x8c: {  	s16 =	sshll.u32 s0, $0xA;
	s2 =	sadd.s32 s3, s2  }
0x8d: {  	s2 =	sadd.s32 s2, s16  }
0x8e: {  	[smem:$0x3FB2] =	sst s2  }
0x8f: {  	_ = 	snop  }
0x90: {  	(tm) =	ssettm $0x1  }
0x91: {  	s17 =	sld [smem:$0x3FFB];
	_ =	sdelay $0x3  }
0x92: {  	_ =	strace s17  }
0x93: {  	s2 =	sld [smem:$0x3FFC];
	_ =	sdelay $0x3  }
0x94: {  	_ =	strace s2  }
0x95: {  	s2 =	sld [smem:$0x3FFD];
	_ =	sdelay $0x3  }
0x96: {  	_ =	strace s2  }
0x97: {  	_ =	strace $0x8FFFFFFF  }
0x98: {  	s18 =	sld [smem:$0x3FDB];
	_ =	sdelay $0x1  }
0x99: {  	s19 =	simm.s32 $_scs_section_size  }
0x9a: {  	s4 =	simm.s32 $_size__tile_overlayer_lowered;
	s5 =	simm.s32 $_tile_overlayer_lowered  }
0x9b: {  	s22 =	simm.s32 $0x1BFF;
	s21 =	sshll.u32 s5, $0x1;
	s2 =	sadd.s32 s19, s18  }
0x9c: {  	s6 =	simm.s32 $0x0;
	s20 =	sshll.u32 s4, $0x1;
	s4 =	sadd.s32 s21, s2  }
0x9d: {  	[timem:s6], [sflag:s22] =	dma.local [hbm:s4], s20  }
0x9e: {  	_ =	swait.ge [sflag:s22], s20  }
0x9f: {  	s3 =	ssub.s32 $0x0, s20;
	[sflag:s22] =	ssyncset.done $0x0  }
0xa0: {  	[sflag:s22] =	ssyncadd.s32 s3;
	_ =	sdelay $0x1  }
0xa1: {  	s23 =	simm.s32 $0x1B8B  }
0xa2: {  	_ =	swait.ge [sflag:s23], $0x1  }
0xa3: {  	[sflag:s23] =	ssyncset.done $0x0  }
0xa4: {  	s25 =	simm.s32 $0x1B8E;
	s24 =	sld [smem:$0x3FFE];
	[sflag:s23] =	ssyncadd.s32 $0xFFFFFFFF  }
0xa5: {  	s26 =	simm.s32 $execute0_lowered;
	[smem:$0x3FD2] =	sst s25  }
0xa6: {  	s4 =	sshll.u32 s26, $0x1;
	_ =	strace $0x80000046;
	[dreg:$0x1] =	wrdreg $0xFFFFFFFF  }
0xa7: {  	s28 =	simm.s32 $_size_execute0_lowered;
	s2 =	sadd.s32 s2, s4;
	[dreg:$0x0] =	wrdreg $0x0  }
0xa8: {  	s4 =	sshll.u32 s28, $0x1;
	[dreg:$0x2] =	wrdreg s2  }
0xa9: {  	[dreg:$0x3] =	wrdreg s4  }
0xaa: {  	[dreg:$0x4] =	wrdreg $0xC0  }
0xab: {  	_ =	task [dreg:s6], $0x5FFFF  }
0xac: {  	[dreg:$0x1] =	wrdreg $0xFFFFFFFF  }
0xad: {  	[dreg:$0x0] =	wrdreg $0x60  }
0xae: {  	[dreg:$0x2] =	wrdreg s24  }
0xaf: {  	[dreg:$0x3] =	wrdreg $0xA  }
0xb0: {  	_ =	task.clear_ibuf [dreg:s6], $0x4FFFF;
	_ =	strace $0x90000046  }
0xb1: {  	s29 =	simm.s32 $0xA;
	_ =	strace $0x80000048  }
0xb2: {  	_ =	swait.ge [sflag:s29], $0x1  }
0xb3: {  	[sflag:s29] =	ssyncadd.s32 $0xFFFFFFFF  }
0xb4: {  	_ =	strace $0x90000048  }
0xb5: {  	_ =	sfence  }
0xb6: {  	s30 =	sld [smem:$0x0];
	_ =	sdelay $0x2  }
0xb7: {  	s31 =	sshll.u32 s1, $0xD;
	s1 =	sshrl.u32 s1, $0x2  }
0xb8: {  	s3 =	sand.u32 $0x4000, s31;
	s1 =	sadd.s32 s1, s30  }
0xb9: {  	s0 =	sor.u32 s3, s0;
	s1 =	sshll.u32 s1, $0x11  }
0xba: {  	s0 =	sor.u32 s1, s0  }
0xbb: {  	s0 =	sadd.s32 $0x8F2B, s0  }
0xbc: {  	[sflag:s0] =	ssyncadd.remote.s32 $0x1  }
0xbd: {  	_ =	sfence.sel $0xFFFF  }
0xbe: {  	[dreg:$0x0] =	wrdreg $0xFFFFFFFF;
	(pc) =	sbr.abs _section_cstart, $3  }
0xbf: {  	[dreg:$0x1] =	wrdreg $0xFFFFFFFF  }
0xc0: {  	_ =	task.clear_ibuf [dreg:s6], $0x2FFFF;
	_ =	strace $0x9FFFFFFF  }
0xc1: {  	(tm) =	ssettm $0x7FFFFFFF  }
tec
execute0_lowered:
.L_overlay_start_1:
0x0: {  	(tag) =	ssettag $0x1  }
0x1: {  	s1 =	srdreg.scid;
	s0 =	stileid.u32  }
0x2: {  	s5 =	rddreg [dreg:$0x0];
	s2 =	simm.s32 $0x0;
	s8 =	simm.s32 $0x7D  }
0x3: {  	s9 =	simm.s32 $0x1;
	s4 =	sand.u32 $0x1, s1;
	s30 =	sshll.u32 s0, $0x1  }
0x4: {  	s10 =	simm.s32 $0x1400;
	s1 =	rddreg [dreg:$0x1];
	s3 =	sor.u32 s4, s30  }
0x5: {  	s11 =	simm.s32 $0x0;
	[smem:$0x7FF] =	sst s2;
	s6 =	smul.u32 $0x280, s3  }
0x6: {  	_ =	strace $0x80000047;
	s4 =	ssub.s32 $0x2, s4;
	s7 =	smul.u32 $0x2710, s3  }
0x7: {  	s3 =	sadd.s32 $0x2B200, s5;
	s31 =	sshrl.u32 s4, $0x1;
	s6 =	sadd.s32 s6, s5  }
0x8: {  	s5 =	sadd.s32 s7, s5;
	s7 =	ssub.s32 s4, s31;
	s4 =	sadd.s32 $0x30200, s6  }
0x9: {  	s5 =	sadd.s32 $0x35200, s5;
	s6 =	smax.u32 s7, $0x1;
	s7 =	simm.s32 $0x2  }
.LBB2_1:
0xa: {  	[tilespmem:s2], [sflag:$0x2] =	stream.linear.gather [hbm4b:s4+s2], $0x1400, $0x38;
	[tilespmem:$0x14C80] =	vst v63  }
0xb: {  	_ =	swait.ge [sflag:s7], $0x1400  }
0xc: {  	[sflag:s7] =	ssyncset.done $0x0  }
0xd: {  	s12 =	simm.s32 $0x1400;
	s13 =	simm.s32 $0x0;
	[sflag:s7] =	ssyncadd.s32 $0xFFFFEC00  }
.LBB2_2:
0xe: {  	p0 =	sne.s32 s13, $0x4E00  }
.Ltmp0:
0xf: {  	_ = 	snop;
	(pc) =	sbr.rel @p0 .LBB2_2-.Ltmp0, $4  }
0x10: {  	_ = 	snop  }
0x11: {  	s14 =	sshra.s32 s13, $0x2  }
0x12: {  	[tilespmem:s12], [sflag:$0x1] =	stream.indirect.gather [hbm4b:s3+s8], $0x10, s14, s8, $0xb8;
	[tilespmem:$0x14C80] =	vst v63  }
0x13: {  	s13 =	sadd.s32 $0x200, s13;
	s12 =	sadd.s32 $0x7D0, s12  }
0x14: {  	_ =	swait.ge [sflag:s9], $0x7D0  }
0x15: {  	s12 =	simm.s32 $0x27;
	[sflag:s9] =	ssyncset.done $0x0  }
.LBB2_4:
0x16: {  	p0 =	sne.s32 s12, $0x1;
	s12 =	sadd.s32 $0xFFFFFFFF, s12;
	[sflag:s9] =	ssyncadd.s32 $0xFFFFF830  }
.Ltmp1:
0x17: {  	(pc) =	sbr.rel @p0 .LBB2_4-.Ltmp1, $3  }
0x18: {  	_ =	sdelay $0x1  }
0x19: {  	_ =	swait.ge [sflag:s9], $0x7D0  }
0x1a: {  	[sflag:s9] =	ssyncset.done $0x0  }
0x1b: {  	s11 =	sadd.s32 $0x1, s11  }
0x1c: {  	p0 =	sne.s32 s11, s6  }
.Ltmp2:
0x1d: {  	[sflag:s9] =	ssyncadd.s32 $0xFFFFF830;
	(pc) =	sbr.rel @p0 .LBB2_1-.Ltmp2, $4  }
0x1e: {  	[hbm4b:s5+s2] =	stream.linear.scatter [tilespmem:s10], [sflag:$0x2], $0x13880, $0x38;
	[tilespmem:$0x14C80] =	vst v63  }
0x1f: {  	_ =	swait.ge [sflag:s7], $0x13880  }
0x20: {  	[sflag:s7] =	ssyncset.done $0x0  }
0x21: {  	[sflag:s7] =	ssyncadd.s32 $0xFFFEC780  }
0x22: {  	_ =	sfence.sel $0x180000  }
0x23: {  	[bflag:$0x0] =	sbarrier.arrive $0xFFFF  }
0x24: {  	p0 =	sne.s32 s0, $0x0;
	_ =	strace $0x90000047  }
0x25: {  	s0 =	sadd.s32 @!p0 $0x100000, s1;
	[bflag:$0x2] =	sbarrier.arrive $0xFFFF  }
0x26: {  	[sflag:s0] =	ssyncadd.tile.s32 @!p0 $0x1;
	_ =	shalt  }
.Lfunc_end2:
_tile_overlayer_lowered:
.L_overlay_start_2:
0x27: {  	(tag) =	ssettag $0x2  }
0x28: {  	s0 =	rddreg [dreg:$0x0];
	s2 =	stileid.u32  }
0x29: {  	s1 =	rddreg [dreg:$0x1];
	p0 =	sne.s32 s2, $0x0  }
0x2a: {  	s3 =	rddreg [dreg:$0x2];
	[bflag:$0x3] =	sbarrier.arrive $0xFFFF;
	s2 =	simm.s32 @!p0 $0x1C02  }
0x2b: {  	[timem:s3], [sflag:s2] =	dma.local @!p0 [hbm:s0], s1  }
0x2c: {  	s0 =	simm.s32 @!p0 $0x2  }
0x2d: {  	_ =	swait.ge @!p0 [sflag:s0], s1  }
0x2e: {  	s1 =	ssub.s32 @!p0 $0x0, s1;
	[sflag:s0] =	ssyncset.done @!p0 $0x0  }
0x2f: {  	[sflag:s0] =	ssyncadd.s32 @!p0 s1  }
0x30: {  	[bflag:$0x3] =	sbarrier.arrive $0xFFFF  }
0x31: {  	_ =	shalt  }

// kernel: kernel.15.cloned.1.call-start
scs
__scs_entry_jumppad:
0x0: {  	(pc) =	sbr.rel $0x88, $3  }
0x1: {  	(tag) =	ssettag $0x0;
	lr =	simm.s32 $0x1  }
0x2: {  	[smem:$0x3F8B] =	sst lr;
	_ =	strace $0xD0000000  }
0x3: {  	_ = 	snop  }
0x4: {  	_ = 	snop  }
0x5: {  	_ = 	snop  }
0x6: {  	_ = 	snop  }
0x7: {  	_ = 	snop  }
__scs_overlays_trampoline_lowered:
0x8: {  	[smem:$0x3F9A] =	sst s0  }
0x9: {  	[smem:$0x3F9B] =	sst s1  }
0xa: {  	[smem:$0x3F9C] =	sst s2  }
0xb: {  	[smem:$0x3F9D] =	sst s3  }
0xc: {  	[smem:$0x3F9E] =	sst s4  }
0xd: {  	[smem:$0x3F9F] =	sst s5  }
0xe: {  	[smem:$0x3FA0] =	sst s6  }
0xf: {  	[smem:$0x3FA1] =	sst s7  }
0x10: {  	[smem:$0x3FA2] =	sst s8  }
0x11: {  	[smem:$0x3FA3] =	sst s9;
	s0 =	simm.s32 @!p0 $0x0  }
0x12: {  	s1 =	sld [smem:$0x3F89];
	s0 =	simm.s32 @p0 $0x1  }
0x13: {  	[smem:$0x3FA4] =	sst s0;
	s0 =	simm.s32 @!p1 $0x0  }
0x14: {  	s2 =	sld [smem:$0x3F88];
	s0 =	simm.s32 @p1 $0x1  }
0x15: {  	[smem:$0x3FA5] =	sst s0;
	s0 =	simm.s32 @!p2 $0x0  }
0x16: {  	s3 =	sld [smem:$0x3FDB];
	s0 =	simm.s32 @p2 $0x1  }
0x17: {  	s4 =	simm.s32 $0x1BF5;
	[smem:$0x3FA7] =	sst s0  }
0x18: {  	s0 =	sld [smem:$0x3F8A];
	_ =	swait.ge [sflag:s4], $0x0  }
0x19: {  	s7 =	sld [smem:$0x3F8B]  }
0x1a: {  	s8 =	sadd.s32 $0xFFFFE003, lr  }
0x1b: {  	s9 =	sadd.s32 $0xFFFFFEF7, lr;
	s5 =	simm.s32 $0xFFFFFFFF;
	p2 =	slt.u32 s8, $0xFFFFF086  }
0x1c: {  	p1 =	slt.u32 s9, $0xF7A;
	s5 =	simm.s32 @!p2 $0x0  }
0x1d: {  	s5 =	simm.s32 @p1 $0x1;
	p0 =	seq.s32 s7, s2  }
0x1e: {  	s7 =	smul.u32 @!p0 $0xF7A, s2;
	p2 =	seq.s32 @!p0 s5, $0x0  }
0x1f: {  	s9 =	smul.u32 $0xF7A, s1;
	s8 =	simm.s32 @!p0 $0x1BF5;
	p2 =	por !p2, p0  }
0x20: {  	[sflag:s8] =	ssyncset.s32 @!p0 $0xFFFFF086;
	s6 =	sadd.s32 @!p0 s3, s7;
	s7 =	simm.s32 @!p0 $0x108  }
0x21: {  	s3 =	sadd.s32 s3, s9;
	s6 =	sadd.s32 @!p0 $0x88, s6;
	s7 =	simm.s32 @p2 $0x1082  }
0x22: {  	[simem:s7], [sflag:s8] =	dma.local @!p0 [hbm:s6], $0xF7A  }
0x23: {  	s9 =	sor.u32 $0xD0000000, s2;
	s6 =	simm.s32 $0x108;
	_ =	swait.ge @!p0 [sflag:s8], $0x0  }
0x24: {  	s3 =	sadd.s32 $0x88, s3;
	s6 =	simm.s32 @!p1 $0x1082;
	[sflag:s4] =	ssyncset.s32 $0xFFFFF086  }
0x25: {  	[simem:s6], [sflag:s4] =	dma.local [hbm:s3], $0xF7A  }
0x26: {  	[smem:$0x3F8B] =	sst s1;
	(tag) =	ssettag s2;
	_ =	strace s9  }
0x27: {  	s1 =	sld [smem:$0x3F9B]  }
0x28: {  	s2 =	sld [smem:$0x3F9C]  }
0x29: {  	s4 =	sld [smem:$0x3F9E]  }
0x2a: {  	p0 =	seq.s32 s5, $0x0;
	s5 =	sld [smem:$0x3F9F]  }
0x2b: {  	s6 =	sld [smem:$0x3FA0]  }
0x2c: {  	s7 =	sld [smem:$0x3FA1]  }
0x2d: {  	s3 =	simm.s32 $0x108;
	s8 =	sld [smem:$0x3FA2]  }
0x2e: {  	s3 =	simm.s32 @!p0 $0x1082;
	s9 =	sld [smem:$0x3FA3]  }
0x2f: {  	lr =	sadd.s32 s0, s3;
	s0 =	sld [smem:$0x3F9A]  }
0x30: {  	s3 =	sld [smem:$0x3F9D]  }
0x31: {  	[smem:$0x3FA6] =	sst s10  }
0x32: {  	s10 =	sld [smem:$0x3FA4];
	_ =	sdelay $0x3  }
0x33: {  	p0 =	seq.s32 s10, $0x1;
	s10 =	sld [smem:$0x3FA6];
	_ =	sdelay $0x3  }
0x34: {  	[smem:$0x3FA6] =	sst s10  }
0x35: {  	s10 =	sld [smem:$0x3FA5];
	_ =	sdelay $0x3  }
0x36: {  	p1 =	seq.s32 s10, $0x1;
	s10 =	sld [smem:$0x3FA6];
	_ =	sdelay $0x3  }
0x37: {  	[smem:$0x3FA6] =	sst s10  }
0x38: {  	s10 =	sld [smem:$0x3FA7]  }
0x39: {  	_ = 	snop;
	(pc) =	sbr.ind lr, $3  }
0x3a: {  	_ = 	snop  }
0x3b: {  	_ = 	snop  }
0x3c: {  	p2 =	seq.s32 s10, $0x1;
	s10 =	sld [smem:$0x3FA6]  }
0x3d: {  	_ =	shalt  }
0x3e: {  	_ =	shalt  }
0x3f: {  	_ =	shalt  }
0x40: {  	_ =	shalt  }
0x41: {  	_ =	shalt  }
0x42: {  	_ =	shalt  }
0x43: {  	_ =	shalt  }
0x44: {  	_ =	shalt  }
0x45: {  	_ =	shalt  }
0x46: {  	_ =	shalt  }
0x47: {  	_ =	shalt  }
0x48: {  	_ =	shalt  }
0x49: {  	_ =	shalt  }
0x4a: {  	_ =	shalt  }
0x4b: {  	_ =	shalt  }
0x4c: {  	_ =	shalt  }
0x4d: {  	_ =	shalt  }
0x4e: {  	_ =	shalt  }
0x4f: {  	_ =	shalt  }
0x50: {  	_ =	shalt  }
0x51: {  	_ =	shalt  }
0x52: {  	_ =	shalt  }
0x53: {  	_ =	shalt  }
0x54: {  	_ =	shalt  }
0x55: {  	_ =	shalt  }
0x56: {  	_ =	shalt  }
0x57: {  	_ =	shalt  }
0x58: {  	_ =	shalt  }
0x59: {  	_ =	shalt  }
0x5a: {  	_ =	shalt  }
0x5b: {  	_ =	shalt  }
0x5c: {  	_ =	shalt  }
0x5d: {  	_ =	shalt  }
0x5e: {  	_ =	shalt  }
0x5f: {  	_ =	shalt  }
0x60: {  	_ =	shalt  }
0x61: {  	_ =	shalt  }
0x62: {  	_ =	shalt  }
0x63: {  	_ =	shalt  }
0x64: {  	_ =	shalt  }
0x65: {  	_ =	shalt  }
0x66: {  	_ =	shalt  }
0x67: {  	_ =	shalt  }
0x68: {  	_ =	shalt  }
0x69: {  	_ =	shalt  }
0x6a: {  	_ =	shalt  }
0x6b: {  	_ =	shalt  }
0x6c: {  	_ =	shalt  }
0x6d: {  	_ =	shalt  }
0x6e: {  	_ =	shalt  }
0x6f: {  	_ =	shalt  }
0x70: {  	_ =	shalt  }
0x71: {  	_ =	shalt  }
0x72: {  	_ =	shalt  }
0x73: {  	_ =	shalt  }
0x74: {  	_ =	shalt  }
0x75: {  	_ =	shalt  }
0x76: {  	_ =	shalt  }
0x77: {  	_ =	shalt  }
0x78: {  	_ =	shalt  }
0x79: {  	_ =	shalt  }
0x7a: {  	_ =	shalt  }
0x7b: {  	_ =	shalt  }
0x7c: {  	_ =	shalt  }
0x7d: {  	_ =	shalt  }
0x7e: {  	_ =	shalt  }
0x7f: {  	_ =	shalt  }
0x80: {  	_ =	shalt  }
0x81: {  	_ =	shalt  }
0x82: {  	_ =	shalt  }
0x83: {  	_ =	shalt  }
0x84: {  	_ =	shalt  }
0x85: {  	_ =	shalt  }
0x86: {  	_ =	shalt  }
0x87: {  	_ =	shalt  }
.Lfunc_end0:
.L_simem_size_0:
called_computation.1_lowered:
.L_overlay_start_0:
0x88: {  	s2 =	sld [smem:$0x3FD9]  }
0x89: {  	s3 =	sld [smem:$0x3FFE];
	_ =	sdelay $0x1  }
0x8a: {  	s1 =	srdreg.scid  }
0x8b: {  	s0 =	sand.u32 $0x1, s1  }
0x8c: {  	s17 =	sshll.u32 s0, $0xA;
	s2 =	sadd.s32 s3, s2  }
0x8d: {  	s2 =	sadd.s32 s2, s17  }
0x8e: {  	[smem:$0x3FB2] =	sst s2  }
0x8f: {  	_ = 	snop  }
0x90: {  	(tm) =	ssettm $0x1  }
0x91: {  	s18 =	sld [smem:$0x3FFB];
	_ =	sdelay $0x3  }
0x92: {  	_ =	strace s18  }
0x93: {  	s2 =	sld [smem:$0x3FFC];
	_ =	sdelay $0x3  }
0x94: {  	_ =	strace s2  }
0x95: {  	s2 =	sld [smem:$0x3FFD];
	_ =	sdelay $0x3  }
0x96: {  	_ =	strace s2  }
0x97: {  	_ =	strace $0x8FFFFFFF  }
0x98: {  	s19 =	sld [smem:$0x3FDB];
	_ =	sdelay $0x1  }
0x99: {  	s20 =	simm.s32 $_scs_section_size  }
0x9a: {  	s4 =	simm.s32 $_size__tile_overlayer_lowered;
	s5 =	simm.s32 $_tile_overlayer_lowered  }
0x9b: {  	s6 =	simm.s32 $0x1BFF;
	s21 =	sshll.u32 s5, $0x1;
	s3 =	sadd.s32 s20, s19  }
0x9c: {  	s22 =	simm.s32 $0x0;
	s4 =	sshll.u32 s4, $0x1;
	s5 =	sadd.s32 s21, s3  }
0x9d: {  	[timem:s22], [sflag:s6] =	dma.local [hbm:s5], s4  }
0x9e: {  	_ =	swait.ge [sflag:s6], s4  }
0x9f: {  	s4 =	ssub.s32 $0x0, s4;
	[sflag:s6] =	ssyncset.done $0x0  }
0xa0: {  	[sflag:s6] =	ssyncadd.s32 s4;
	_ =	sdelay $0x1  }
0xa1: {  	s23 =	simm.s32 $0x1B8B  }
0xa2: {  	_ =	swait.ge [sflag:s23], $0x1  }
0xa3: {  	[sflag:s23] =	ssyncset.done $0x0  }
0xa4: {  	[sflag:s23] =	ssyncadd.s32 $0xFFFFFFFF  }
0xa5: {  	s4 =	sld [smem:$0x0]  }
0xa6: {  	s5 =	sand.u32 $0xFFFFFFFE, s1  }
0xa7: {  	p0 =	sne.s32 s1, s5  }
0xa8: {  	s5 =	sshll.u32 @p0 s5, $0xE  }
0xa9: {  	s5 =	sadd.s32 @p0 $0x11B8D, s5;
	s6 =	sshll.u32 @p0 s4, $0x11  }
0xaa: {  	s5 =	sor.u32 @p0 s6, s5  }
0xab: {  	[sflag:s5] =	ssyncadd.remote.s32 @p0 $0x1;
	_ =	sdelay $0x1  }
0xac: {  	s5 =	simm.s32 @p0 $0x1B8D  }
0xad: {  	_ =	swait.eq @p0 [sflag:s5], $0x1  }
0xae: {  	[sflag:s5] =	ssyncadd.s32 @p0 $0xFFFFFFFF  }
0xaf: {  	s6 =	sshll.u32 @!p0 s1, $0xE  }
0xb0: {  	s6 =	sor.u32 @!p0 $0x4000, s6;
	s5 =	simm.s32 @!p0 $0x1B8D  }
0xb1: {  	s4 =	sshll.u32 @!p0 s4, $0x11;
	s6 =	sadd.s32 @!p0 $0x11B8D, s6;
	_ =	swait.eq @!p0 [sflag:s5], $0x1  }
0xb2: {  	s4 =	sor.u32 @!p0 s4, s6;
	[sflag:s5] =	ssyncadd.s32 @!p0 $0xFFFFFFFF  }
0xb3: {  	s25 =	simm.s32 $0x1B8E;
	s24 =	sld [smem:$0x3FFE];
	[sflag:s4] =	ssyncadd.remote.s32 @!p0 $0x1  }
0xb4: {  	s26 =	simm.s32 $execute0_lowered;
	[smem:$0x3FD2] =	sst s25  }
0xb5: {  	s5 =	sshll.u32 s26, $0x1;
	_ =	strace $0x80000049;
	[dreg:$0x1] =	wrdreg $0xFFFFFFFF  }
0xb6: {  	s28 =	simm.s32 $_size_execute0_lowered;
	s3 =	sadd.s32 s3, s5;
	[dreg:$0x0] =	wrdreg $0x0  }
0xb7: {  	s5 =	sshll.u32 s28, $0x1;
	[dreg:$0x2] =	wrdreg s3  }
0xb8: {  	[dreg:$0x3] =	wrdreg s5  }
0xb9: {  	[dreg:$0x4] =	wrdreg $0xC0  }
0xba: {  	_ =	task [dreg:s22], $0x5FFFF  }
0xbb: {  	[dreg:$0x1] =	wrdreg $0xFFFFFFFF  }
0xbc: {  	[dreg:$0x0] =	wrdreg $0x60  }
0xbd: {  	[dreg:$0x2] =	wrdreg s24  }
0xbe: {  	[dreg:$0x3] =	wrdreg $0x1BD00  }
0xbf: {  	[dreg:$0x4] =	wrdreg $0x9  }
0xc0: {  	_ =	task.clear_ibuf [dreg:s22], $0x5FFFF;
	_ =	strace $0x90000049  }
0xc1: {  	s29 =	simm.s32 $0x9;
	_ =	strace $0x8000004B  }
0xc2: {  	_ =	swait.ge [sflag:s29], $0x1  }
0xc3: {  	[sflag:s29] =	ssyncadd.s32 $0xFFFFFFFF  }
0xc4: {  	_ =	strace $0x9000004B  }
0xc5: {  	_ =	sfence  }
0xc6: {  	s30 =	sld [smem:$0x0];
	_ =	sdelay $0x2  }
0xc7: {  	s31 =	sshll.u32 s1, $0xD;
	s1 =	sshrl.u32 s1, $0x2  }
0xc8: {  	s4 =	sand.u32 $0x4000, s31;
	s1 =	sadd.s32 s1, s30  }
0xc9: {  	s0 =	sor.u32 s4, s0;
	s1 =	sshll.u32 s1, $0x11  }
0xca: {  	s0 =	sor.u32 s1, s0  }
0xcb: {  	s0 =	sadd.s32 $0x8F2B, s0  }
0xcc: {  	[sflag:s0] =	ssyncadd.remote.s32 $0x1  }
0xcd: {  	_ =	sfence.sel $0xFFFF  }
0xce: {  	[dreg:$0x0] =	wrdreg $0xFFFFFFFF;
	(pc) =	sbr.abs _section_cstart, $3  }
0xcf: {  	[dreg:$0x1] =	wrdreg $0xFFFFFFFF  }
0xd0: {  	_ =	task.clear_ibuf [dreg:s22], $0x2FFFF;
	_ =	strace $0x9FFFFFFF  }
0xd1: {  	(tm) =	ssettm $0x7FFFFFFF  }
tec
execute0_lowered:
.L_overlay_start_1:
0x0: {  	(tag) =	ssettag $0x1  }
0x1: {  	s4 =	rddreg [dreg:$0x0]  }
0x2: {  	s2 =	rddreg [dreg:$0x1];
	s3 =	srdreg.scid  }
0x3: {  	s0 =	rddreg [dreg:$0x2];
	s1 =	stileid.u32  }
0x4: {  	s12 =	simm.s32 $0x1400;
	s13 =	simm.s32 $0x1;
	s14 =	simm.s32 $0x7D  }
0x5: {  	s5 =	sand.u32 $0x1, s3;
	s3 =	simm.s32 $0x0;
	s8 =	smul.u32 $0x2710, s1  }
0x6: {  	s6 =	sshll.u32 s1, $0x1;
	s9 =	smul.u32 $0x9C40, s1;
	s15 =	sshll.u32 s1, $0x6  }
0x7: {  	s7 =	smul.u32 $0x27100, s5;
	[smem:$0x7FF] =	sst s3;
	s6 =	sor.u32 s5, s6  }
0x8: {  	s5 =	ssub.s32 $0x2, s5;
	s15 =	sor.u32 $0x1C01, s15;
	_ =	strace $0x8000004A  }
0x9: {  	s6 =	smul.u32 $0x280, s6;
	s10 =	sshrl.u32 s5, $0x1;
	s9 =	sshrl.u32 s9, $0x2  }
0xa: {  	s16 =	sadd.s32 s8, s2;
	s7 =	sadd.s32 s8, s7;
	s10 =	ssub.s32 s5, s10  }
0xb: {  	s16 =	sshrl.u32 s16, $0x3;
	s6 =	sadd.s32 s6, s4;
	s7 =	sshrl.u32 s7, $0x3  }
0xc: {  	s7 =	sadd.s32 s7, s4;
	s4 =	sadd.s32 $0x83400, s6;
	s6 =	sadd.s32 s9, s2  }
0xd: {  	s5 =	sadd.s32 $0x88400, s7;
	s7 =	smax.u32 s10, $0x1;
	s8 =	sadd.s32 $0x7D0, s6  }
0xe: {  	v0 =	vimm.f32 $0.0e+00;
	v1 =	vimm.f32 $1.000000000e+00;
	s9 =	sadd.s32 $0xFA0, s6;
	s10 =	sadd.s32 $0x1770, s6;
	s11 =	sadd.s32 $0x1F40, s6  }
.LBB2_1:
0xf: {  	s17 =	simm.s32 $0x40;
	s18 =	simm.s32 $0x0  }
.LBB2_2:
0x10: {  	p0 =	sne.s32 s17, $0x1F00;
	[tilespmem:s18+$0x1400] =	vst v0;
	s18 =	smov.u32 s17;
	s17 =	sadd.s32 $0x40, s17  }
.Ltmp0:
0x11: {  	(pc) =	sbr.rel @p0 .LBB2_2-.Ltmp0, $2  }
0x12: {  	_ =	sdelay $0x2  }
0x13: {  	s18 =	sshra.s32 s18, $0x2  }
0x14: {  	[tilespmem:s18+$0x1400] =	vst v0  }
0x15: {  	[spmem:s6] =	stream.linear.scatter [tilespmem:s12], [sflag:$0x1], $0x7D0, $0x38;
	[tilespmem:$0x42E0] =	vst v63  }
0x16: {  	_ =	swait.ge [sflag:s13], $0x7D0  }
0x17: {  	[sflag:s13] =	ssyncset.done $0x0  }
0x18: {  	[sflag:s13] =	ssyncadd.s32 $0xFFFFF830  }
0x19: {  	[spmem:s8] =	stream.linear.scatter [tilespmem:s12], [sflag:$0x1], $0x7D0, $0x38;
	[tilespmem:$0x42E0] =	vst v63  }
0x1a: {  	_ =	swait.ge [sflag:s13], $0x7D0  }
0x1b: {  	[sflag:s13] =	ssyncset.done $0x0  }
0x1c: {  	[sflag:s13] =	ssyncadd.s32 $0xFFFFF830  }
0x1d: {  	[spmem:s9] =	stream.linear.scatter [tilespmem:s12], [sflag:$0x1], $0x7D0, $0x38;
	[tilespmem:$0x42E0] =	vst v63  }
0x1e: {  	_ =	swait.ge [sflag:s13], $0x7D0  }
0x1f: {  	[sflag:s13] =	ssyncset.done $0x0  }
0x20: {  	[sflag:s13] =	ssyncadd.s32 $0xFFFFF830  }
0x21: {  	[spmem:s10] =	stream.linear.scatter [tilespmem:s12], [sflag:$0x1], $0x7D0, $0x38;
	[tilespmem:$0x42E0] =	vst v63  }
0x22: {  	_ =	swait.ge [sflag:s13], $0x7D0  }
0x23: {  	[sflag:s13] =	ssyncset.done $0x0  }
0x24: {  	[sflag:s13] =	ssyncadd.s32 $0xFFFFF830  }
0x25: {  	[spmem:s11] =	stream.linear.scatter [tilespmem:s12], [sflag:$0x1], $0x7D0, $0x38;
	[tilespmem:$0x42E0] =	vst v63  }
0x26: {  	_ =	swait.ge [sflag:s13], $0x7D0  }
0x27: {  	[sflag:s13] =	ssyncset.done $0x0  }
0x28: {  	s17 =	simm.s32 $0x40;
	s18 =	simm.s32 $0x0;
	[sflag:s13] =	ssyncadd.s32 $0xFFFFF830  }
.LBB2_4:
0x29: {  	p0 =	sne.s32 s17, $0x1F00;
	[tilespmem:s18+$0x1400] =	vst v1;
	s18 =	smov.u32 s17;
	s17 =	sadd.s32 $0x40, s17  }
.Ltmp1:
0x2a: {  	(pc) =	sbr.rel @p0 .LBB2_4-.Ltmp1, $2  }
0x2b: {  	_ =	sdelay $0x2  }
0x2c: {  	s18 =	sshra.s32 s18, $0x2  }
0x2d: {  	[tilespmem:s18+$0x1400] =	vst v1  }
0x2e: {  	s17 =	simm.s32 $0x0;
	[bflag:$0x0] =	sbarrier.arrive $0xFFFF  }
0x2f: {  	[tilespmem:s17], [sflag:$0x1] =	stream.linear.gather [hbm4b:s4+s17], $0x1400, $0x38;
	[tilespmem:$0x42E0] =	vst v63  }
0x30: {  	_ =	swait.ge [sflag:s13], $0x1400  }
0x31: {  	[sflag:s13] =	ssyncset.done $0x0  }
0x32: {  	s31 =	simm.s32 $0x0;
	[sflag:s13] =	ssyncadd.s32 $0xFFFFEC00  }
0x33: {  	[spmem:s2] =	stream.indirect.scatter.add.f32 [tilespmem:s12], [sflag:$0x1], $0x10, s31, s14, $0xb8;
	[tilespmem:$0x42E0] =	vst v63  }
0x34: {  	_ =	swait.ge [sflag:s13], $0x7D0  }
0x35: {  	s17 =	simm.s32 $0x200;
	[sflag:s13] =	ssyncset.done $0x0  }
.LBB2_6:
0x36: {  	s18 =	sshra.s32 s17, $0x2;
	[sflag:s13] =	ssyncadd.s32 $0xFFFFF830;
	p0 =	sne.s32 s17, $0x4E00  }
0x37: {  	[spmem:s2] =	stream.indirect.scatter.add.f32 [tilespmem:s12], [sflag:$0x1], $0x10, s18, s14, $0xb8;
	[tilespmem:$0x42E0] =	vst v63  }
.Ltmp2:
0x38: {  	_ = 	snop;
	(pc) =	sbr.rel @p0 .LBB2_6-.Ltmp2, $4  }
0x39: {  	_ = 	snop  }
0x3a: {  	s17 =	sadd.s32 $0x200, s17  }
0x3b: {  	_ =	swait.ge [sflag:s13], $0x7D0  }
0x3c: {  	[sflag:s13] =	ssyncset.done $0x0  }
0x3d: {  	s3 =	sadd.s32 $0x1, s3  }
0x3e: {  	[sflag:s13] =	ssyncadd.s32 $0xFFFFF830;
	p0 =	sne.s32 s3, s7  }
.Ltmp3:
0x3f: {  	[bflag:$0x0] =	sbarrier.arrive $0xFFFF;
	(pc) =	sbr.rel @p0 .LBB2_1-.Ltmp3, $4  }
0x40: {  	[hbm:s5], [sflag:s15] =	dma.local [spmem:s16], $0x4E2  }
0x41: {  	_ =	swait.ge [sflag:s13], $0x4E2  }
0x42: {  	[sflag:s13] =	ssyncset.done $0x0  }
0x43: {  	[sflag:s13] =	ssyncadd.s32 $0xFFFFFB1E  }
0x44: {  	_ =	sfence.sel $0x180000  }
0x45: {  	[bflag:$0x0] =	sbarrier.arrive $0xFFFF  }
0x46: {  	p0 =	sne.s32 s1, $0x0;
	_ =	strace $0x9000004A  }
0x47: {  	s0 =	sadd.s32 @!p0 $0x100000, s0;
	[bflag:$0x2] =	sbarrier.arrive $0xFFFF  }
0x48: {  	[sflag:s0] =	ssyncadd.tile.s32 @!p0 $0x1;
	_ =	shalt  }
.Lfunc_end2:
_tile_overlayer_lowered:
.L_overlay_start_2:
0x49: {  	(tag) =	ssettag $0x2  }
0x4a: {  	s0 =	rddreg [dreg:$0x0];
	s2 =	stileid.u32  }
0x4b: {  	s1 =	rddreg [dreg:$0x1];
	p0 =	sne.s32 s2, $0x0  }
0x4c: {  	s3 =	rddreg [dreg:$0x2];
	[bflag:$0x3] =	sbarrier.arrive $0xFFFF;
	s2 =	simm.s32 @!p0 $0x1C01  }
0x4d: {  	[timem:s3], [sflag:s2] =	dma.local @!p0 [hbm:s0], s1  }
0x4e: {  	s0 =	simm.s32 @!p0 $0x1  }
0x4f: {  	_ =	swait.ge @!p0 [sflag:s0], s1  }
0x50: {  	s1 =	ssub.s32 @!p0 $0x0, s1;
	[sflag:s0] =	ssyncset.done @!p0 $0x0  }
0x51: {  	[sflag:s0] =	ssyncadd.s32 @!p0 s1  }
0x52: {  	[bflag:$0x3] =	sbarrier.arrive $0xFFFF  }
0x53: {  	_ =	shalt  }

// kernel: kernel.18.cloned.1.call-start
scs
__scs_entry_jumppad:
0x0: {  	(pc) =	sbr.rel $0x88, $3  }
0x1: {  	(tag) =	ssettag $0x0;
	lr =	simm.s32 $0x1  }
0x2: {  	[smem:$0x3F8B] =	sst lr;
	_ =	strace $0xD0000000  }
0x3: {  	_ = 	snop  }
0x4: {  	_ = 	snop  }
0x5: {  	_ = 	snop  }
0x6: {  	_ = 	snop  }
0x7: {  	_ = 	snop  }
__scs_overlays_trampoline_lowered:
0x8: {  	[smem:$0x3F9A] =	sst s0  }
0x9: {  	[smem:$0x3F9B] =	sst s1  }
0xa: {  	[smem:$0x3F9C] =	sst s2  }
0xb: {  	[smem:$0x3F9D] =	sst s3  }
0xc: {  	[smem:$0x3F9E] =	sst s4  }
0xd: {  	[smem:$0x3F9F] =	sst s5  }
0xe: {  	[smem:$0x3FA0] =	sst s6  }
0xf: {  	[smem:$0x3FA1] =	sst s7  }
0x10: {  	[smem:$0x3FA2] =	sst s8  }
0x11: {  	[smem:$0x3FA3] =	sst s9;
	s0 =	simm.s32 @!p0 $0x0  }
0x12: {  	s1 =	sld [smem:$0x3F89];
	s0 =	simm.s32 @p0 $0x1  }
0x13: {  	[smem:$0x3FA4] =	sst s0;
	s0 =	simm.s32 @!p1 $0x0  }
0x14: {  	s2 =	sld [smem:$0x3F88];
	s0 =	simm.s32 @p1 $0x1  }
0x15: {  	[smem:$0x3FA5] =	sst s0;
	s0 =	simm.s32 @!p2 $0x0  }
0x16: {  	s3 =	sld [smem:$0x3FDB];
	s0 =	simm.s32 @p2 $0x1  }
0x17: {  	s4 =	simm.s32 $0x1BF5;
	[smem:$0x3FA7] =	sst s0  }
0x18: {  	s0 =	sld [smem:$0x3F8A];
	_ =	swait.ge [sflag:s4], $0x0  }
0x19: {  	s7 =	sld [smem:$0x3F8B]  }
0x1a: {  	s8 =	sadd.s32 $0xFFFFE003, lr  }
0x1b: {  	s9 =	sadd.s32 $0xFFFFFEF7, lr;
	s5 =	simm.s32 $0xFFFFFFFF;
	p2 =	slt.u32 s8, $0xFFFFF086  }
0x1c: {  	p1 =	slt.u32 s9, $0xF7A;
	s5 =	simm.s32 @!p2 $0x0  }
0x1d: {  	s5 =	simm.s32 @p1 $0x1;
	p0 =	seq.s32 s7, s2  }
0x1e: {  	s7 =	smul.u32 @!p0 $0xF7A, s2;
	p2 =	seq.s32 @!p0 s5, $0x0  }
0x1f: {  	s9 =	smul.u32 $0xF7A, s1;
	s8 =	simm.s32 @!p0 $0x1BF5;
	p2 =	por !p2, p0  }
0x20: {  	[sflag:s8] =	ssyncset.s32 @!p0 $0xFFFFF086;
	s6 =	sadd.s32 @!p0 s3, s7;
	s7 =	simm.s32 @!p0 $0x108  }
0x21: {  	s3 =	sadd.s32 s3, s9;
	s6 =	sadd.s32 @!p0 $0x88, s6;
	s7 =	simm.s32 @p2 $0x1082  }
0x22: {  	[simem:s7], [sflag:s8] =	dma.local @!p0 [hbm:s6], $0xF7A  }
0x23: {  	s9 =	sor.u32 $0xD0000000, s2;
	s6 =	simm.s32 $0x108;
	_ =	swait.ge @!p0 [sflag:s8], $0x0  }
0x24: {  	s3 =	sadd.s32 $0x88, s3;
	s6 =	simm.s32 @!p1 $0x1082;
	[sflag:s4] =	ssyncset.s32 $0xFFFFF086  }
0x25: {  	[simem:s6], [sflag:s4] =	dma.local [hbm:s3], $0xF7A  }
0x26: {  	[smem:$0x3F8B] =	sst s1;
	(tag) =	ssettag s2;
	_ =	strace s9  }
0x27: {  	s1 =	sld [smem:$0x3F9B]  }
0x28: {  	s2 =	sld [smem:$0x3F9C]  }
0x29: {  	s4 =	sld [smem:$0x3F9E]  }
0x2a: {  	p0 =	seq.s32 s5, $0x0;
	s5 =	sld [smem:$0x3F9F]  }
0x2b: {  	s6 =	sld [smem:$0x3FA0]  }
0x2c: {  	s7 =	sld [smem:$0x3FA1]  }
0x2d: {  	s3 =	simm.s32 $0x108;
	s8 =	sld [smem:$0x3FA2]  }
0x2e: {  	s3 =	simm.s32 @!p0 $0x1082;
	s9 =	sld [smem:$0x3FA3]  }
0x2f: {  	lr =	sadd.s32 s0, s3;
	s0 =	sld [smem:$0x3F9A]  }
0x30: {  	s3 =	sld [smem:$0x3F9D]  }
0x31: {  	[smem:$0x3FA6] =	sst s10  }
0x32: {  	s10 =	sld [smem:$0x3FA4];
	_ =	sdelay $0x3  }
0x33: {  	p0 =	seq.s32 s10, $0x1;
	s10 =	sld [smem:$0x3FA6];
	_ =	sdelay $0x3  }
0x34: {  	[smem:$0x3FA6] =	sst s10  }
0x35: {  	s10 =	sld [smem:$0x3FA5];
	_ =	sdelay $0x3  }
0x36: {  	p1 =	seq.s32 s10, $0x1;
	s10 =	sld [smem:$0x3FA6];
	_ =	sdelay $0x3  }
0x37: {  	[smem:$0x3FA6] =	sst s10  }
0x38: {  	s10 =	sld [smem:$0x3FA7]  }
0x39: {  	_ = 	snop;
	(pc) =	sbr.ind lr, $3  }
0x3a: {  	_ = 	snop  }
0x3b: {  	_ = 	snop  }
0x3c: {  	p2 =	seq.s32 s10, $0x1;
	s10 =	sld [smem:$0x3FA6]  }
0x3d: {  	_ =	shalt  }
0x3e: {  	_ =	shalt  }
0x3f: {  	_ =	shalt  }
0x40: {  	_ =	shalt  }
0x41: {  	_ =	shalt  }
0x42: {  	_ =	shalt  }
0x43: {  	_ =	shalt  }
0x44: {  	_ =	shalt  }
0x45: {  	_ =	shalt  }
0x46: {  	_ =	shalt  }
0x47: {  	_ =	shalt  }
0x48: {  	_ =	shalt  }
0x49: {  	_ =	shalt  }
0x4a: {  	_ =	shalt  }
0x4b: {  	_ =	shalt  }
0x4c: {  	_ =	shalt  }
0x4d: {  	_ =	shalt  }
0x4e: {  	_ =	shalt  }
0x4f: {  	_ =	shalt  }
0x50: {  	_ =	shalt  }
0x51: {  	_ =	shalt  }
0x52: {  	_ =	shalt  }
0x53: {  	_ =	shalt  }
0x54: {  	_ =	shalt  }
0x55: {  	_ =	shalt  }
0x56: {  	_ =	shalt  }
0x57: {  	_ =	shalt  }
0x58: {  	_ =	shalt  }
0x59: {  	_ =	shalt  }
0x5a: {  	_ =	shalt  }
0x5b: {  	_ =	shalt  }
0x5c: {  	_ =	shalt  }
0x5d: {  	_ =	shalt  }
0x5e: {  	_ =	shalt  }
0x5f: {  	_ =	shalt  }
0x60: {  	_ =	shalt  }
0x61: {  	_ =	shalt  }
0x62: {  	_ =	shalt  }
0x63: {  	_ =	shalt  }
0x64: {  	_ =	shalt  }
0x65: {  	_ =	shalt  }
0x66: {  	_ =	shalt  }
0x67: {  	_ =	shalt  }
0x68: {  	_ =	shalt  }
0x69: {  	_ =	shalt  }
0x6a: {  	_ =	shalt  }
0x6b: {  	_ =	shalt  }
0x6c: {  	_ =	shalt  }
0x6d: {  	_ =	shalt  }
0x6e: {  	_ =	shalt  }
0x6f: {  	_ =	shalt  }
0x70: {  	_ =	shalt  }
0x71: {  	_ =	shalt  }
0x72: {  	_ =	shalt  }
0x73: {  	_ =	shalt  }
0x74: {  	_ =	shalt  }
0x75: {  	_ =	shalt  }
0x76: {  	_ =	shalt  }
0x77: {  	_ =	shalt  }
0x78: {  	_ =	shalt  }
0x79: {  	_ =	shalt  }
0x7a: {  	_ =	shalt  }
0x7b: {  	_ =	shalt  }
0x7c: {  	_ =	shalt  }
0x7d: {  	_ =	shalt  }
0x7e: {  	_ =	shalt  }
0x7f: {  	_ =	shalt  }
0x80: {  	_ =	shalt  }
0x81: {  	_ =	shalt  }
0x82: {  	_ =	shalt  }
0x83: {  	_ =	shalt  }
0x84: {  	_ =	shalt  }
0x85: {  	_ =	shalt  }
0x86: {  	_ =	shalt  }
0x87: {  	_ =	shalt  }
.Lfunc_end0:
.L_simem_size_0:
called_computation.2_lowered:
.L_overlay_start_0:
0x88: {  	s2 =	sld [smem:$0x3FD9]  }
0x89: {  	s3 =	sld [smem:$0x3FFE];
	_ =	sdelay $0x1  }
0x8a: {  	s1 =	srdreg.scid  }
0x8b: {  	s0 =	sand.u32 $0x1, s1  }
0x8c: {  	s17 =	sshll.u32 s0, $0xA;
	s2 =	sadd.s32 s3, s2  }
0x8d: {  	s2 =	sadd.s32 s2, s17  }
0x8e: {  	[smem:$0x3FB2] =	sst s2  }
0x8f: {  	_ = 	snop  }
0x90: {  	(tm) =	ssettm $0x1  }
0x91: {  	s18 =	sld [smem:$0x3FFB];
	_ =	sdelay $0x3  }
0x92: {  	_ =	strace s18  }
0x93: {  	s2 =	sld [smem:$0x3FFC];
	_ =	sdelay $0x3  }
0x94: {  	_ =	strace s2  }
0x95: {  	s2 =	sld [smem:$0x3FFD];
	_ =	sdelay $0x3  }
0x96: {  	_ =	strace s2  }
0x97: {  	_ =	strace $0x8FFFFFFF  }
0x98: {  	s19 =	sld [smem:$0x3FDB];
	_ =	sdelay $0x1  }
0x99: {  	s20 =	simm.s32 $_scs_section_size  }
0x9a: {  	s4 =	simm.s32 $_size__tile_overlayer_lowered;
	s5 =	simm.s32 $_tile_overlayer_lowered  }
0x9b: {  	s6 =	simm.s32 $0x1BFF;
	s21 =	sshll.u32 s5, $0x1;
	s3 =	sadd.s32 s20, s19  }
0x9c: {  	s22 =	simm.s32 $0x0;
	s4 =	sshll.u32 s4, $0x1;
	s5 =	sadd.s32 s21, s3  }
0x9d: {  	[timem:s22], [sflag:s6] =	dma.local [hbm:s5], s4  }
0x9e: {  	_ =	swait.ge [sflag:s6], s4  }
0x9f: {  	s4 =	ssub.s32 $0x0, s4;
	[sflag:s6] =	ssyncset.done $0x0  }
0xa0: {  	[sflag:s6] =	ssyncadd.s32 s4;
	_ =	sdelay $0x1  }
0xa1: {  	s23 =	simm.s32 $0x1B8B  }
0xa2: {  	_ =	swait.ge [sflag:s23], $0x1  }
0xa3: {  	[sflag:s23] =	ssyncset.done $0x0  }
0xa4: {  	[sflag:s23] =	ssyncadd.s32 $0xFFFFFFFF  }
0xa5: {  	s4 =	sld [smem:$0x0]  }
0xa6: {  	s5 =	sand.u32 $0xFFFFFFFE, s1  }
0xa7: {  	p0 =	sne.s32 s1, s5  }
0xa8: {  	s5 =	sshll.u32 @p0 s5, $0xE  }
0xa9: {  	s5 =	sadd.s32 @p0 $0x11B8D, s5;
	s6 =	sshll.u32 @p0 s4, $0x11  }
0xaa: {  	s5 =	sor.u32 @p0 s6, s5  }
0xab: {  	[sflag:s5] =	ssyncadd.remote.s32 @p0 $0x1;
	_ =	sdelay $0x1  }
0xac: {  	s5 =	simm.s32 @p0 $0x1B8D  }
0xad: {  	_ =	swait.eq @p0 [sflag:s5], $0x1  }
0xae: {  	[sflag:s5] =	ssyncadd.s32 @p0 $0xFFFFFFFF  }
0xaf: {  	s6 =	sshll.u32 @!p0 s1, $0xE  }
0xb0: {  	s6 =	sor.u32 @!p0 $0x4000, s6;
	s5 =	simm.s32 @!p0 $0x1B8D  }
0xb1: {  	s4 =	sshll.u32 @!p0 s4, $0x11;
	s6 =	sadd.s32 @!p0 $0x11B8D, s6;
	_ =	swait.eq @!p0 [sflag:s5], $0x1  }
0xb2: {  	s4 =	sor.u32 @!p0 s4, s6;
	[sflag:s5] =	ssyncadd.s32 @!p0 $0xFFFFFFFF  }
0xb3: {  	s25 =	simm.s32 $0x1B8E;
	s24 =	sld [smem:$0x3FFE];
	[sflag:s4] =	ssyncadd.remote.s32 @!p0 $0x1  }
0xb4: {  	s26 =	simm.s32 $execute0_lowered;
	[smem:$0x3FD2] =	sst s25  }
0xb5: {  	s5 =	sshll.u32 s26, $0x1;
	_ =	strace $0x8000004C;
	[dreg:$0x1] =	wrdreg $0xFFFFFFFF  }
0xb6: {  	s28 =	simm.s32 $_size_execute0_lowered;
	s3 =	sadd.s32 s3, s5;
	[dreg:$0x0] =	wrdreg $0x0  }
0xb7: {  	s5 =	sshll.u32 s28, $0x1;
	[dreg:$0x2] =	wrdreg s3  }
0xb8: {  	[dreg:$0x3] =	wrdreg s5  }
0xb9: {  	[dreg:$0x4] =	wrdreg $0xC0  }
0xba: {  	_ =	task [dreg:s22], $0x5FFFF  }
0xbb: {  	[dreg:$0x1] =	wrdreg $0xFFFFFFFF  }
0xbc: {  	[dreg:$0x0] =	wrdreg $0x60  }
0xbd: {  	[dreg:$0x2] =	wrdreg s24  }
0xbe: {  	[dreg:$0x3] =	wrdreg $0x154500  }
0xbf: {  	[dreg:$0x4] =	wrdreg $0xA  }
0xc0: {  	_ =	task.clear_ibuf [dreg:s22], $0x5FFFF;
	_ =	strace $0x9000004C  }
0xc1: {  	s29 =	simm.s32 $0xA;
	_ =	strace $0x8000004E  }
0xc2: {  	_ =	swait.ge [sflag:s29], $0x1  }
0xc3: {  	[sflag:s29] =	ssyncadd.s32 $0xFFFFFFFF  }
0xc4: {  	_ =	strace $0x9000004E  }
0xc5: {  	_ =	sfence  }
0xc6: {  	s30 =	sld [smem:$0x0];
	_ =	sdelay $0x2  }
0xc7: {  	s31 =	sshll.u32 s1, $0xD;
	s1 =	sshrl.u32 s1, $0x2  }
0xc8: {  	s4 =	sand.u32 $0x4000, s31;
	s1 =	sadd.s32 s1, s30  }
0xc9: {  	s0 =	sor.u32 s4, s0;
	s1 =	sshll.u32 s1, $0x11  }
0xca: {  	s0 =	sor.u32 s1, s0  }
0xcb: {  	s0 =	sadd.s32 $0x8F2B, s0  }
0xcc: {  	[sflag:s0] =	ssyncadd.remote.s32 $0x1  }
0xcd: {  	_ =	sfence.sel $0xFFFF  }
0xce: {  	[dreg:$0x0] =	wrdreg $0xFFFFFFFF;
	(pc) =	sbr.abs _section_cstart, $3  }
0xcf: {  	[dreg:$0x1] =	wrdreg $0xFFFFFFFF  }
0xd0: {  	_ =	task.clear_ibuf [dreg:s22], $0x2FFFF;
	_ =	strace $0x9FFFFFFF  }
0xd1: {  	(tm) =	ssettm $0x7FFFFFFF  }
tec
execute0_lowered:
.L_overlay_start_1:
0x0: {  	(tag) =	ssettag $0x1  }
0x1: {  	s1 =	srdreg.scid;
	s5 =	rddreg [dreg:$0x0]  }
0x2: {  	s0 =	stileid.u32;
	s2 =	rddreg [dreg:$0x1];
	s3 =	simm.s32 $0x0  }
0x3: {  	s13 =	simm.s32 $0x14C80;
	s14 =	simm.s32 $0x1;
	s15 =	simm.s32 $0x7D  }
0x4: {  	s4 =	sand.u32 $0x1, s1;
	s1 =	rddreg [dreg:$0x2];
	s9 =	smul.u32 $0x2710, s0  }
0x5: {  	s29 =	sshll.u32 s0, $0x1;
	[smem:$0x7FF] =	sst s3;
	s10 =	smul.u32 $0x9C40, s0  }
0x6: {  	s16 =	sshll.u32 s0, $0x6;
	s6 =	sor.u32 s4, s29;
	s8 =	smul.u32 $0x27100, s4  }
0x7: {  	_ =	strace $0x8000004D;
	s4 =	ssub.s32 $0x2, s4;
	s7 =	smul.u32 $0x2710, s6  }
0x8: {  	s16 =	sor.u32 $0x1C01, s16;
	s6 =	smul.u32 $0x280, s6;
	s30 =	sshrl.u32 s4, $0x1  }
0x9: {  	s31 =	sshrl.u32 s10, $0x2;
	s17 =	sadd.s32 s9, s2;
	s8 =	sadd.s32 s9, s8  }
0xa: {  	s11 =	ssub.s32 s4, s30;
	s17 =	sshrl.u32 s17, $0x3;
	s8 =	sshrl.u32 s8, $0x3  }
0xb: {  	s7 =	sadd.s32 s7, s5;
	s6 =	sadd.s32 s6, s5;
	s8 =	sadd.s32 s8, s5  }
0xc: {  	s4 =	sadd.s32 $0x35200, s7;
	s5 =	sadd.s32 $0x83400, s6;
	s7 =	sadd.s32 s31, s2  }
0xd: {  	s6 =	sadd.s32 $0x304400, s8;
	s8 =	smax.u32 s11, $0x1;
	s9 =	sadd.s32 $0x7D0, s7  }
0xe: {  	v0 =	vimm.f32 $0.0e+00;
	s10 =	sadd.s32 $0xFA0, s7;
	s11 =	sadd.s32 $0x1770, s7;
	s12 =	sadd.s32 $0x1F40, s7  }
.LBB2_1:
0xf: {  	s18 =	simm.s32 $0x40;
	s19 =	simm.s32 $0x0  }
.LBB2_2:
0x10: {  	p0 =	sne.s32 s18, $0x1F00;
	[tilespmem:s19+$0x14C80] =	vst v0;
	s19 =	smov.u32 s18;
	s18 =	sadd.s32 $0x40, s18  }
.Ltmp0:
0x11: {  	(pc) =	sbr.rel @p0 .LBB2_2-.Ltmp0, $2  }
0x12: {  	_ =	sdelay $0x2  }
0x13: {  	s19 =	sshra.s32 s19, $0x2  }
0x14: {  	[tilespmem:s19+$0x14C80] =	vst v0  }
0x15: {  	[spmem:s7] =	stream.linear.scatter [tilespmem:s13], [sflag:$0x1], $0x7D0, $0x38;
	[tilespmem:$0x17B60] =	vst v63  }
0x16: {  	_ =	swait.ge [sflag:s14], $0x7D0  }
0x17: {  	[sflag:s14] =	ssyncset.done $0x0  }
0x18: {  	[sflag:s14] =	ssyncadd.s32 $0xFFFFF830  }
0x19: {  	[spmem:s9] =	stream.linear.scatter [tilespmem:s13], [sflag:$0x1], $0x7D0, $0x38;
	[tilespmem:$0x17B60] =	vst v63  }
0x1a: {  	_ =	swait.ge [sflag:s14], $0x7D0  }
0x1b: {  	[sflag:s14] =	ssyncset.done $0x0  }
0x1c: {  	[sflag:s14] =	ssyncadd.s32 $0xFFFFF830  }
0x1d: {  	[spmem:s10] =	stream.linear.scatter [tilespmem:s13], [sflag:$0x1], $0x7D0, $0x38;
	[tilespmem:$0x17B60] =	vst v63  }
0x1e: {  	_ =	swait.ge [sflag:s14], $0x7D0  }
0x1f: {  	[sflag:s14] =	ssyncset.done $0x0  }
0x20: {  	[sflag:s14] =	ssyncadd.s32 $0xFFFFF830  }
0x21: {  	[spmem:s11] =	stream.linear.scatter [tilespmem:s13], [sflag:$0x1], $0x7D0, $0x38;
	[tilespmem:$0x17B60] =	vst v63  }
0x22: {  	_ =	swait.ge [sflag:s14], $0x7D0  }
0x23: {  	[sflag:s14] =	ssyncset.done $0x0  }
0x24: {  	[sflag:s14] =	ssyncadd.s32 $0xFFFFF830  }
0x25: {  	[spmem:s12] =	stream.linear.scatter [tilespmem:s13], [sflag:$0x1], $0x7D0, $0x38;
	[tilespmem:$0x17B60] =	vst v63  }
0x26: {  	_ =	swait.ge [sflag:s14], $0x7D0  }
0x27: {  	[sflag:s14] =	ssyncset.done $0x0  }
0x28: {  	[sflag:s14] =	ssyncadd.s32 $0xFFFFF830  }
0x29: {  	s30 =	simm.s32 $0x0;
	s18 =	simm.s32 $0x1400;
	[bflag:$0x0] =	sbarrier.arrive $0xFFFF  }
0x2a: {  	[tilespmem:s18], [sflag:$0x1] =	stream.linear.gather [hbm4b:s4+s30], $0x13880, $0x38;
	[tilespmem:$0x17B60] =	vst v63  }
0x2b: {  	_ =	swait.ge [sflag:s14], $0x13880  }
0x2c: {  	[sflag:s14] =	ssyncset.done $0x0  }
0x2d: {  	[sflag:s14] =	ssyncadd.s32 $0xFFFEC780  }
0x2e: {  	[tilespmem:s30], [sflag:$0x1] =	stream.linear.gather [hbm4b:s5+s30], $0x1400, $0x38;
	[tilespmem:$0x17B60] =	vst v63  }
0x2f: {  	_ =	swait.ge [sflag:s14], $0x1400  }
0x30: {  	[sflag:s14] =	ssyncset.done $0x0  }
0x31: {  	s31 =	simm.s32 $0x0;
	[sflag:s14] =	ssyncadd.s32 $0xFFFFEC00  }
0x32: {  	[spmem:s2] =	stream.indirect.scatter.add.f32 [tilespmem:s18], [sflag:$0x1], $0x10, s31, s15, $0xb8;
	[tilespmem:$0x17B60] =	vst v63  }
0x33: {  	_ =	swait.ge [sflag:s14], $0x7D0  }
0x34: {  	s19 =	simm.s32 $0x200;
	[sflag:s14] =	ssyncset.done $0x0  }
.LBB2_4:
0x35: {  	s20 =	sshra.s32 s19, $0x2  }
0x36: {  	[sflag:s14] =	ssyncadd.s32 $0xFFFFF830;
	s18 =	sadd.s32 $0x7D0, s18;
	p0 =	sne.s32 s19, $0x4E00  }
0x37: {  	[spmem:s2] =	stream.indirect.scatter.add.f32 [tilespmem:s18], [sflag:$0x1], $0x10, s20, s15, $0xb8;
	[tilespmem:$0x17B60] =	vst v63  }
.Ltmp1:
0x38: {  	_ = 	snop;
	(pc) =	sbr.rel @p0 .LBB2_4-.Ltmp1, $4  }
0x39: {  	_ = 	snop  }
0x3a: {  	s19 =	sadd.s32 $0x200, s19  }
0x3b: {  	_ =	swait.ge [sflag:s14], $0x7D0  }
0x3c: {  	[sflag:s14] =	ssyncset.done $0x0  }
0x3d: {  	s3 =	sadd.s32 $0x1, s3  }
0x3e: {  	[sflag:s14] =	ssyncadd.s32 $0xFFFFF830;
	p0 =	sne.s32 s3, s8  }
.Ltmp2:
0x3f: {  	[bflag:$0x0] =	sbarrier.arrive $0xFFFF;
	(pc) =	sbr.rel @p0 .LBB2_1-.Ltmp2, $4  }
0x40: {  	[hbm:s6], [sflag:s16] =	dma.local [spmem:s17], $0x4E2  }
0x41: {  	_ =	swait.ge [sflag:s14], $0x4E2  }
0x42: {  	[sflag:s14] =	ssyncset.done $0x0  }
0x43: {  	[sflag:s14] =	ssyncadd.s32 $0xFFFFFB1E  }
0x44: {  	_ =	sfence.sel $0x180000  }
0x45: {  	[bflag:$0x0] =	sbarrier.arrive $0xFFFF  }
0x46: {  	p0 =	sne.s32 s0, $0x0;
	_ =	strace $0x9000004D  }
0x47: {  	s0 =	sadd.s32 @!p0 $0x100000, s1;
	[bflag:$0x2] =	sbarrier.arrive $0xFFFF  }
0x48: {  	[sflag:s0] =	ssyncadd.tile.s32 @!p0 $0x1;
	_ =	shalt  }
.Lfunc_end2:
_tile_overlayer_lowered:
.L_overlay_start_2:
0x49: {  	(tag) =	ssettag $0x2  }
0x4a: {  	s0 =	rddreg [dreg:$0x0];
	s2 =	stileid.u32  }
0x4b: {  	s1 =	rddreg [dreg:$0x1];
	p0 =	sne.s32 s2, $0x0  }
0x4c: {  	s3 =	rddreg [dreg:$0x2];
	[bflag:$0x3] =	sbarrier.arrive $0xFFFF;
	s2 =	simm.s32 @!p0 $0x1C01  }
0x4d: {  	[timem:s3], [sflag:s2] =	dma.local @!p0 [hbm:s0], s1  }
0x4e: {  	s0 =	simm.s32 @!p0 $0x1  }
0x4f: {  	_ =	swait.ge @!p0 [sflag:s0], s1  }
0x50: {  	s1 =	ssub.s32 @!p0 $0x0, s1;
	[sflag:s0] =	ssyncset.done @!p0 $0x0  }
0x51: {  	[sflag:s0] =	ssyncadd.s32 @!p0 s1  }
0x52: {  	[bflag:$0x3] =	sbarrier.arrive $0xFFFF  }
0x53: {  	_ =	shalt  }

// kernel: kernel.21.cloned.1.call-start
scs
__scs_entry_jumppad:
0x0: {  	(pc) =	sbr.rel $0x88, $3  }
0x1: {  	(tag) =	ssettag $0x0;
	lr =	simm.s32 $0x1  }
0x2: {  	[smem:$0x3F8B] =	sst lr;
	_ =	strace $0xD0000000  }
0x3: {  	_ = 	snop  }
0x4: {  	_ = 	snop  }
0x5: {  	_ = 	snop  }
0x6: {  	_ = 	snop  }
0x7: {  	_ = 	snop  }
__scs_overlays_trampoline_lowered:
0x8: {  	[smem:$0x3F9A] =	sst s0  }
0x9: {  	[smem:$0x3F9B] =	sst s1  }
0xa: {  	[smem:$0x3F9C] =	sst s2  }
0xb: {  	[smem:$0x3F9D] =	sst s3  }
0xc: {  	[smem:$0x3F9E] =	sst s4  }
0xd: {  	[smem:$0x3F9F] =	sst s5  }
0xe: {  	[smem:$0x3FA0] =	sst s6  }
0xf: {  	[smem:$0x3FA1] =	sst s7  }
0x10: {  	[smem:$0x3FA2] =	sst s8  }
0x11: {  	[smem:$0x3FA3] =	sst s9;
	s0 =	simm.s32 @!p0 $0x0  }
0x12: {  	s1 =	sld [smem:$0x3F89];
	s0 =	simm.s32 @p0 $0x1  }
0x13: {  	[smem:$0x3FA4] =	sst s0;
	s0 =	simm.s32 @!p1 $0x0  }
0x14: {  	s2 =	sld [smem:$0x3F88];
	s0 =	simm.s32 @p1 $0x1  }
0x15: {  	[smem:$0x3FA5] =	sst s0;
	s0 =	simm.s32 @!p2 $0x0  }
0x16: {  	s3 =	sld [smem:$0x3FDB];
	s0 =	simm.s32 @p2 $0x1  }
0x17: {  	s4 =	simm.s32 $0x1BF5;
	[smem:$0x3FA7] =	sst s0  }
0x18: {  	s0 =	sld [smem:$0x3F8A];
	_ =	swait.ge [sflag:s4], $0x0  }
0x19: {  	s7 =	sld [smem:$0x3F8B]  }
0x1a: {  	s8 =	sadd.s32 $0xFFFFE003, lr  }
0x1b: {  	s9 =	sadd.s32 $0xFFFFFEF7, lr;
	s5 =	simm.s32 $0xFFFFFFFF;
	p2 =	slt.u32 s8, $0xFFFFF086  }
0x1c: {  	p1 =	slt.u32 s9, $0xF7A;
	s5 =	simm.s32 @!p2 $0x0  }
0x1d: {  	s5 =	simm.s32 @p1 $0x1;
	p0 =	seq.s32 s7, s2  }
0x1e: {  	s7 =	smul.u32 @!p0 $0xF7A, s2;
	p2 =	seq.s32 @!p0 s5, $0x0  }
0x1f: {  	s9 =	smul.u32 $0xF7A, s1;
	s8 =	simm.s32 @!p0 $0x1BF5;
	p2 =	por !p2, p0  }
0x20: {  	[sflag:s8] =	ssyncset.s32 @!p0 $0xFFFFF086;
	s6 =	sadd.s32 @!p0 s3, s7;
	s7 =	simm.s32 @!p0 $0x108  }
0x21: {  	s3 =	sadd.s32 s3, s9;
	s6 =	sadd.s32 @!p0 $0x88, s6;
	s7 =	simm.s32 @p2 $0x1082  }
0x22: {  	[simem:s7], [sflag:s8] =	dma.local @!p0 [hbm:s6], $0xF7A  }
0x23: {  	s9 =	sor.u32 $0xD0000000, s2;
	s6 =	simm.s32 $0x108;
	_ =	swait.ge @!p0 [sflag:s8], $0x0  }
0x24: {  	s3 =	sadd.s32 $0x88, s3;
	s6 =	simm.s32 @!p1 $0x1082;
	[sflag:s4] =	ssyncset.s32 $0xFFFFF086  }
0x25: {  	[simem:s6], [sflag:s4] =	dma.local [hbm:s3], $0xF7A  }
0x26: {  	[smem:$0x3F8B] =	sst s1;
	(tag) =	ssettag s2;
	_ =	strace s9  }
0x27: {  	s1 =	sld [smem:$0x3F9B]  }
0x28: {  	s2 =	sld [smem:$0x3F9C]  }
0x29: {  	s4 =	sld [smem:$0x3F9E]  }
0x2a: {  	p0 =	seq.s32 s5, $0x0;
	s5 =	sld [smem:$0x3F9F]  }
0x2b: {  	s6 =	sld [smem:$0x3FA0]  }
0x2c: {  	s7 =	sld [smem:$0x3FA1]  }
0x2d: {  	s3 =	simm.s32 $0x108;
	s8 =	sld [smem:$0x3FA2]  }
0x2e: {  	s3 =	simm.s32 @!p0 $0x1082;
	s9 =	sld [smem:$0x3FA3]  }
0x2f: {  	lr =	sadd.s32 s0, s3;
	s0 =	sld [smem:$0x3F9A]  }
0x30: {  	s3 =	sld [smem:$0x3F9D]  }
0x31: {  	[smem:$0x3FA6] =	sst s10  }
0x32: {  	s10 =	sld [smem:$0x3FA4];
	_ =	sdelay $0x3  }
0x33: {  	p0 =	seq.s32 s10, $0x1;
	s10 =	sld [smem:$0x3FA6];
	_ =	sdelay $0x3  }
0x34: {  	[smem:$0x3FA6] =	sst s10  }
0x35: {  	s10 =	sld [smem:$0x3FA5];
	_ =	sdelay $0x3  }
0x36: {  	p1 =	seq.s32 s10, $0x1;
	s10 =	sld [smem:$0x3FA6];
	_ =	sdelay $0x3  }
0x37: {  	[smem:$0x3FA6] =	sst s10  }
0x38: {  	s10 =	sld [smem:$0x3FA7]  }
0x39: {  	_ = 	snop;
	(pc) =	sbr.ind lr, $3  }
0x3a: {  	_ = 	snop  }
0x3b: {  	_ = 	snop  }
0x3c: {  	p2 =	seq.s32 s10, $0x1;
	s10 =	sld [smem:$0x3FA6]  }
0x3d: {  	_ =	shalt  }
0x3e: {  	_ =	shalt  }
0x3f: {  	_ =	shalt  }
0x40: {  	_ =	shalt  }
0x41: {  	_ =	shalt  }
0x42: {  	_ =	shalt  }
0x43: {  	_ =	shalt  }
0x44: {  	_ =	shalt  }
0x45: {  	_ =	shalt  }
0x46: {  	_ =	shalt  }
0x47: {  	_ =	shalt  }
0x48: {  	_ =	shalt  }
0x49: {  	_ =	shalt  }
0x4a: {  	_ =	shalt  }
0x4b: {  	_ =	shalt  }
0x4c: {  	_ =	shalt  }
0x4d: {  	_ =	shalt  }
0x4e: {  	_ =	shalt  }
0x4f: {  	_ =	shalt  }
0x50: {  	_ =	shalt  }
0x51: {  	_ =	shalt  }
0x52: {  	_ =	shalt  }
0x53: {  	_ =	shalt  }
0x54: {  	_ =	shalt  }
0x55: {  	_ =	shalt  }
0x56: {  	_ =	shalt  }
0x57: {  	_ =	shalt  }
0x58: {  	_ =	shalt  }
0x59: {  	_ =	shalt  }
0x5a: {  	_ =	shalt  }
0x5b: {  	_ =	shalt  }
0x5c: {  	_ =	shalt  }
0x5d: {  	_ =	shalt  }
0x5e: {  	_ =	shalt  }
0x5f: {  	_ =	shalt  }
0x60: {  	_ =	shalt  }
0x61: {  	_ =	shalt  }
0x62: {  	_ =	shalt  }
0x63: {  	_ =	shalt  }
0x64: {  	_ =	shalt  }
0x65: {  	_ =	shalt  }
0x66: {  	_ =	shalt  }
0x67: {  	_ =	shalt  }
0x68: {  	_ =	shalt  }
0x69: {  	_ =	shalt  }
0x6a: {  	_ =	shalt  }
0x6b: {  	_ =	shalt  }
0x6c: {  	_ =	shalt  }
0x6d: {  	_ =	shalt  }
0x6e: {  	_ =	shalt  }
0x6f: {  	_ =	shalt  }
0x70: {  	_ =	shalt  }
0x71: {  	_ =	shalt  }
0x72: {  	_ =	shalt  }
0x73: {  	_ =	shalt  }
0x74: {  	_ =	shalt  }
0x75: {  	_ =	shalt  }
0x76: {  	_ =	shalt  }
0x77: {  	_ =	shalt  }
0x78: {  	_ =	shalt  }
0x79: {  	_ =	shalt  }
0x7a: {  	_ =	shalt  }
0x7b: {  	_ =	shalt  }
0x7c: {  	_ =	shalt  }
0x7d: {  	_ =	shalt  }
0x7e: {  	_ =	shalt  }
0x7f: {  	_ =	shalt  }
0x80: {  	_ =	shalt  }
0x81: {  	_ =	shalt  }
0x82: {  	_ =	shalt  }
0x83: {  	_ =	shalt  }
0x84: {  	_ =	shalt  }
0x85: {  	_ =	shalt  }
0x86: {  	_ =	shalt  }
0x87: {  	_ =	shalt  }
.Lfunc_end0:
.L_simem_size_0:
called_computation.3_lowered:
.L_overlay_start_0:
0x88: {  	s2 =	sld [smem:$0x3FD9]  }
0x89: {  	s3 =	sld [smem:$0x3FFE];
	_ =	sdelay $0x1  }
0x8a: {  	s1 =	srdreg.scid  }
0x8b: {  	s0 =	sand.u32 $0x1, s1  }
0x8c: {  	s16 =	sshll.u32 s0, $0xA;
	s2 =	sadd.s32 s3, s2  }
0x8d: {  	s2 =	sadd.s32 s2, s16  }
0x8e: {  	[smem:$0x3FB2] =	sst s2  }
0x8f: {  	_ = 	snop  }
0x90: {  	(tm) =	ssettm $0x1  }
0x91: {  	s17 =	sld [smem:$0x3FFB];
	_ =	sdelay $0x3  }
0x92: {  	_ =	strace s17  }
0x93: {  	s2 =	sld [smem:$0x3FFC];
	_ =	sdelay $0x3  }
0x94: {  	_ =	strace s2  }
0x95: {  	s2 =	sld [smem:$0x3FFD];
	_ =	sdelay $0x3  }
0x96: {  	_ =	strace s2  }
0x97: {  	_ =	strace $0x8FFFFFFF  }
0x98: {  	s18 =	sld [smem:$0x3FDB];
	_ =	sdelay $0x1  }
0x99: {  	s19 =	simm.s32 $_scs_section_size  }
0x9a: {  	s4 =	simm.s32 $_size__tile_overlayer_lowered;
	s5 =	simm.s32 $_tile_overlayer_lowered  }
0x9b: {  	s22 =	simm.s32 $0x1BFF;
	s21 =	sshll.u32 s5, $0x1;
	s2 =	sadd.s32 s19, s18  }
0x9c: {  	s6 =	simm.s32 $0x0;
	s20 =	sshll.u32 s4, $0x1;
	s4 =	sadd.s32 s21, s2  }
0x9d: {  	[timem:s6], [sflag:s22] =	dma.local [hbm:s4], s20  }
0x9e: {  	_ =	swait.ge [sflag:s22], s20  }
0x9f: {  	s3 =	ssub.s32 $0x0, s20;
	[sflag:s22] =	ssyncset.done $0x0  }
0xa0: {  	[sflag:s22] =	ssyncadd.s32 s3;
	_ =	sdelay $0x1  }
0xa1: {  	s23 =	simm.s32 $0x1B8B  }
0xa2: {  	_ =	swait.ge [sflag:s23], $0x1  }
0xa3: {  	[sflag:s23] =	ssyncset.done $0x0  }
0xa4: {  	s25 =	simm.s32 $0x1B8E;
	s24 =	sld [smem:$0x3FFE];
	[sflag:s23] =	ssyncadd.s32 $0xFFFFFFFF  }
0xa5: {  	s26 =	simm.s32 $execute0_lowered;
	[smem:$0x3FD2] =	sst s25  }
0xa6: {  	s4 =	sshll.u32 s26, $0x1;
	_ =	strace $0x8000004F;
	[dreg:$0x1] =	wrdreg $0xFFFFFFFF  }
0xa7: {  	s28 =	simm.s32 $_size_execute0_lowered;
	s2 =	sadd.s32 s2, s4;
	[dreg:$0x0] =	wrdreg $0x0  }
0xa8: {  	s4 =	sshll.u32 s28, $0x1;
	[dreg:$0x2] =	wrdreg s2  }
0xa9: {  	[dreg:$0x3] =	wrdreg s4  }
0xaa: {  	[dreg:$0x4] =	wrdreg $0xC0  }
0xab: {  	_ =	task [dreg:s6], $0x5FFFF  }
0xac: {  	[dreg:$0x1] =	wrdreg $0xFFFFFFFF  }
0xad: {  	[dreg:$0x0] =	wrdreg $0x60  }
0xae: {  	[dreg:$0x2] =	wrdreg s24  }
0xaf: {  	[dreg:$0x3] =	wrdreg $0x9  }
0xb0: {  	_ =	task.clear_ibuf [dreg:s6], $0x4FFFF;
	_ =	strace $0x9000004F  }
0xb1: {  	s29 =	simm.s32 $0x9;
	_ =	strace $0x80000051  }
0xb2: {  	_ =	swait.ge [sflag:s29], $0x1  }
0xb3: {  	[sflag:s29] =	ssyncadd.s32 $0xFFFFFFFF  }
0xb4: {  	_ =	strace $0x90000051  }
0xb5: {  	_ =	sfence  }
0xb6: {  	s30 =	sld [smem:$0x0];
	_ =	sdelay $0x2  }
0xb7: {  	s31 =	sshll.u32 s1, $0xD;
	s1 =	sshrl.u32 s1, $0x2  }
0xb8: {  	s3 =	sand.u32 $0x4000, s31;
	s1 =	sadd.s32 s1, s30  }
0xb9: {  	s0 =	sor.u32 s3, s0;
	s1 =	sshll.u32 s1, $0x11  }
0xba: {  	s0 =	sor.u32 s1, s0  }
0xbb: {  	s0 =	sadd.s32 $0x8F2B, s0  }
0xbc: {  	[sflag:s0] =	ssyncadd.remote.s32 $0x1  }
0xbd: {  	_ =	sfence.sel $0xFFFF  }
0xbe: {  	[dreg:$0x0] =	wrdreg $0xFFFFFFFF;
	(pc) =	sbr.abs _section_cstart, $3  }
0xbf: {  	[dreg:$0x1] =	wrdreg $0xFFFFFFFF  }
0xc0: {  	_ =	task.clear_ibuf [dreg:s6], $0x2FFFF;
	_ =	strace $0x9FFFFFFF  }
0xc1: {  	(tm) =	ssettm $0x7FFFFFFF  }
tec
execute0_lowered:
.L_overlay_start_1:
0x0: {  	(tag) =	ssettag $0x1  }
0x1: {  	s1 =	srdreg.scid;
	s0 =	stileid.u32  }
0x2: {  	s5 =	rddreg [dreg:$0x0];
	s2 =	simm.s32 $0x0;
	s8 =	simm.s32 $0x7D  }
0x3: {  	s9 =	simm.s32 $0x1;
	s4 =	sand.u32 $0x1, s1;
	s30 =	sshll.u32 s0, $0x1  }
0x4: {  	s10 =	simm.s32 $0x1400;
	s1 =	rddreg [dreg:$0x1];
	s3 =	sor.u32 s4, s30  }
0x5: {  	s11 =	simm.s32 $0x0;
	[smem:$0x7FF] =	sst s2;
	s6 =	smul.u32 $0x280, s3  }
0x6: {  	_ =	strace $0x80000050;
	s4 =	ssub.s32 $0x2, s4;
	s7 =	smul.u32 $0x2710, s3  }
0x7: {  	s3 =	sadd.s32 $0x4000, s5;
	s31 =	sshrl.u32 s4, $0x1;
	s6 =	sadd.s32 s6, s5  }
0x8: {  	s5 =	sadd.s32 s7, s5;
	s7 =	ssub.s32 s4, s31;
	s4 =	sadd.s32 $0x30200, s6  }
0x9: {  	s5 =	sadd.s32 $0x35200, s5;
	s6 =	smax.u32 s7, $0x1;
	s7 =	simm.s32 $0x2  }
.LBB2_1:
0xa: {  	[tilespmem:s2], [sflag:$0x2] =	stream.linear.gather [hbm4b:s4+s2], $0x1400, $0x38;
	[tilespmem:$0x14C80] =	vst v63  }
0xb: {  	_ =	swait.ge [sflag:s7], $0x1400  }
0xc: {  	[sflag:s7] =	ssyncset.done $0x0  }
0xd: {  	s12 =	simm.s32 $0x1400;
	s13 =	simm.s32 $0x0;
	[sflag:s7] =	ssyncadd.s32 $0xFFFFEC00  }
.LBB2_2:
0xe: {  	p0 =	sne.s32 s13, $0x4E00  }
.Ltmp0:
0xf: {  	_ = 	snop;
	(pc) =	sbr.rel @p0 .LBB2_2-.Ltmp0, $4  }
0x10: {  	_ = 	snop  }
0x11: {  	s14 =	sshra.s32 s13, $0x2  }
0x12: {  	[tilespmem:s12], [sflag:$0x1] =	stream.indirect.gather [hbm4b:s3+s8], $0x10, s14, s8, $0xb8;
	[tilespmem:$0x14C80] =	vst v63  }
0x13: {  	s13 =	sadd.s32 $0x200, s13;
	s12 =	sadd.s32 $0x7D0, s12  }
0x14: {  	_ =	swait.ge [sflag:s9], $0x7D0  }
0x15: {  	s12 =	simm.s32 $0x27;
	[sflag:s9] =	ssyncset.done $0x0  }
.LBB2_4:
0x16: {  	p0 =	sne.s32 s12, $0x1;
	s12 =	sadd.s32 $0xFFFFFFFF, s12;
	[sflag:s9] =	ssyncadd.s32 $0xFFFFF830  }
.Ltmp1:
0x17: {  	(pc) =	sbr.rel @p0 .LBB2_4-.Ltmp1, $3  }
0x18: {  	_ =	sdelay $0x1  }
0x19: {  	_ =	swait.ge [sflag:s9], $0x7D0  }
0x1a: {  	[sflag:s9] =	ssyncset.done $0x0  }
0x1b: {  	s11 =	sadd.s32 $0x1, s11  }
0x1c: {  	p0 =	sne.s32 s11, s6  }
.Ltmp2:
0x1d: {  	[sflag:s9] =	ssyncadd.s32 $0xFFFFF830;
	(pc) =	sbr.rel @p0 .LBB2_1-.Ltmp2, $4  }
0x1e: {  	[hbm4b:s5+s2] =	stream.linear.scatter [tilespmem:s10], [sflag:$0x2], $0x13880, $0x38;
	[tilespmem:$0x14C80] =	vst v63  }
0x1f: {  	_ =	swait.ge [sflag:s7], $0x13880  }
0x20: {  	[sflag:s7] =	ssyncset.done $0x0  }
0x21: {  	[sflag:s7] =	ssyncadd.s32 $0xFFFEC780  }
0x22: {  	_ =	sfence.sel $0x180000  }
0x23: {  	[bflag:$0x0] =	sbarrier.arrive $0xFFFF  }
0x24: {  	p0 =	sne.s32 s0, $0x0;
	_ =	strace $0x90000050  }
0x25: {  	s0 =	sadd.s32 @!p0 $0x100000, s1;
	[bflag:$0x2] =	sbarrier.arrive $0xFFFF  }
0x26: {  	[sflag:s0] =	ssyncadd.tile.s32 @!p0 $0x1;
	_ =	shalt  }
.Lfunc_end2:
_tile_overlayer_lowered:
.L_overlay_start_2:
0x27: {  	(tag) =	ssettag $0x2  }
0x28: {  	s0 =	rddreg [dreg:$0x0];
	s2 =	stileid.u32  }
0x29: {  	s1 =	rddreg [dreg:$0x1];
	p0 =	sne.s32 s2, $0x0  }
0x2a: {  	s3 =	rddreg [dreg:$0x2];
	[bflag:$0x3] =	sbarrier.arrive $0xFFFF;
	s2 =	simm.s32 @!p0 $0x1C02  }
0x2b: {  	[timem:s3], [sflag:s2] =	dma.local @!p0 [hbm:s0], s1  }
0x2c: {  	s0 =	simm.s32 @!p0 $0x2  }
0x2d: {  	_ =	swait.ge @!p0 [sflag:s0], s1  }
0x2e: {  	s1 =	ssub.s32 @!p0 $0x0, s1;
	[sflag:s0] =	ssyncset.done @!p0 $0x0  }
0x2f: {  	[sflag:s0] =	ssyncadd.s32 @!p0 s1  }
0x30: {  	[bflag:$0x3] =	sbarrier.arrive $0xFFFF  }
0x31: {  	_ =	shalt  }

// kernel: kernel.24.cloned.1.call-start
scs
__scs_entry_jumppad:
0x0: {  	(pc) =	sbr.rel $0x88, $3  }
0x1: {  	(tag) =	ssettag $0x0;
	lr =	simm.s32 $0x1  }
0x2: {  	[smem:$0x3F8B] =	sst lr;
	_ =	strace $0xD0000000  }
0x3: {  	_ = 	snop  }
0x4: {  	_ = 	snop  }
0x5: {  	_ = 	snop  }
0x6: {  	_ = 	snop  }
0x7: {  	_ = 	snop  }
__scs_overlays_trampoline_lowered:
0x8: {  	[smem:$0x3F9A] =	sst s0  }
0x9: {  	[smem:$0x3F9B] =	sst s1  }
0xa: {  	[smem:$0x3F9C] =	sst s2  }
0xb: {  	[smem:$0x3F9D] =	sst s3  }
0xc: {  	[smem:$0x3F9E] =	sst s4  }
0xd: {  	[smem:$0x3F9F] =	sst s5  }
0xe: {  	[smem:$0x3FA0] =	sst s6  }
0xf: {  	[smem:$0x3FA1] =	sst s7  }
0x10: {  	[smem:$0x3FA2] =	sst s8  }
0x11: {  	[smem:$0x3FA3] =	sst s9;
	s0 =	simm.s32 @!p0 $0x0  }
0x12: {  	s1 =	sld [smem:$0x3F89];
	s0 =	simm.s32 @p0 $0x1  }
0x13: {  	[smem:$0x3FA4] =	sst s0;
	s0 =	simm.s32 @!p1 $0x0  }
0x14: {  	s2 =	sld [smem:$0x3F88];
	s0 =	simm.s32 @p1 $0x1  }
0x15: {  	[smem:$0x3FA5] =	sst s0;
	s0 =	simm.s32 @!p2 $0x0  }
0x16: {  	s3 =	sld [smem:$0x3FDB];
	s0 =	simm.s32 @p2 $0x1  }
0x17: {  	s4 =	simm.s32 $0x1BF5;
	[smem:$0x3FA7] =	sst s0  }
0x18: {  	s0 =	sld [smem:$0x3F8A];
	_ =	swait.ge [sflag:s4], $0x0  }
0x19: {  	s7 =	sld [smem:$0x3F8B]  }
0x1a: {  	s8 =	sadd.s32 $0xFFFFE003, lr  }
0x1b: {  	s9 =	sadd.s32 $0xFFFFFEF7, lr;
	s5 =	simm.s32 $0xFFFFFFFF;
	p2 =	slt.u32 s8, $0xFFFFF086  }
0x1c: {  	p1 =	slt.u32 s9, $0xF7A;
	s5 =	simm.s32 @!p2 $0x0  }
0x1d: {  	s5 =	simm.s32 @p1 $0x1;
	p0 =	seq.s32 s7, s2  }
0x1e: {  	s7 =	smul.u32 @!p0 $0xF7A, s2;
	p2 =	seq.s32 @!p0 s5, $0x0  }
0x1f: {  	s9 =	smul.u32 $0xF7A, s1;
	s8 =	simm.s32 @!p0 $0x1BF5;
	p2 =	por !p2, p0  }
0x20: {  	[sflag:s8] =	ssyncset.s32 @!p0 $0xFFFFF086;
	s6 =	sadd.s32 @!p0 s3, s7;
	s7 =	simm.s32 @!p0 $0x108  }
0x21: {  	s3 =	sadd.s32 s3, s9;
	s6 =	sadd.s32 @!p0 $0x88, s6;
	s7 =	simm.s32 @p2 $0x1082  }
0x22: {  	[simem:s7], [sflag:s8] =	dma.local @!p0 [hbm:s6], $0xF7A  }
0x23: {  	s9 =	sor.u32 $0xD0000000, s2;
	s6 =	simm.s32 $0x108;
	_ =	swait.ge @!p0 [sflag:s8], $0x0  }
0x24: {  	s3 =	sadd.s32 $0x88, s3;
	s6 =	simm.s32 @!p1 $0x1082;
	[sflag:s4] =	ssyncset.s32 $0xFFFFF086  }
0x25: {  	[simem:s6], [sflag:s4] =	dma.local [hbm:s3], $0xF7A  }
0x26: {  	[smem:$0x3F8B] =	sst s1;
	(tag) =	ssettag s2;
	_ =	strace s9  }
0x27: {  	s1 =	sld [smem:$0x3F9B]  }
0x28: {  	s2 =	sld [smem:$0x3F9C]  }
0x29: {  	s4 =	sld [smem:$0x3F9E]  }
0x2a: {  	p0 =	seq.s32 s5, $0x0;
	s5 =	sld [smem:$0x3F9F]  }
0x2b: {  	s6 =	sld [smem:$0x3FA0]  }
0x2c: {  	s7 =	sld [smem:$0x3FA1]  }
0x2d: {  	s3 =	simm.s32 $0x108;
	s8 =	sld [smem:$0x3FA2]  }
0x2e: {  	s3 =	simm.s32 @!p0 $0x1082;
	s9 =	sld [smem:$0x3FA3]  }
0x2f: {  	lr =	sadd.s32 s0, s3;
	s0 =	sld [smem:$0x3F9A]  }
0x30: {  	s3 =	sld [smem:$0x3F9D]  }
0x31: {  	[smem:$0x3FA6] =	sst s10  }
0x32: {  	s10 =	sld [smem:$0x3FA4];
	_ =	sdelay $0x3  }
0x33: {  	p0 =	seq.s32 s10, $0x1;
	s10 =	sld [smem:$0x3FA6];
	_ =	sdelay $0x3  }
0x34: {  	[smem:$0x3FA6] =	sst s10  }
0x35: {  	s10 =	sld [smem:$0x3FA5];
	_ =	sdelay $0x3  }
0x36: {  	p1 =	seq.s32 s10, $0x1;
	s10 =	sld [smem:$0x3FA6];
	_ =	sdelay $0x3  }
0x37: {  	[smem:$0x3FA6] =	sst s10  }
0x38: {  	s10 =	sld [smem:$0x3FA7]  }
0x39: {  	_ = 	snop;
	(pc) =	sbr.ind lr, $3  }
0x3a: {  	_ = 	snop  }
0x3b: {  	_ = 	snop  }
0x3c: {  	p2 =	seq.s32 s10, $0x1;
	s10 =	sld [smem:$0x3FA6]  }
0x3d: {  	_ =	shalt  }
0x3e: {  	_ =	shalt  }
0x3f: {  	_ =	shalt  }
0x40: {  	_ =	shalt  }
0x41: {  	_ =	shalt  }
0x42: {  	_ =	shalt  }
0x43: {  	_ =	shalt  }
0x44: {  	_ =	shalt  }
0x45: {  	_ =	shalt  }
0x46: {  	_ =	shalt  }
0x47: {  	_ =	shalt  }
0x48: {  	_ =	shalt  }
0x49: {  	_ =	shalt  }
0x4a: {  	_ =	shalt  }
0x4b: {  	_ =	shalt  }
0x4c: {  	_ =	shalt  }
0x4d: {  	_ =	shalt  }
0x4e: {  	_ =	shalt  }
0x4f: {  	_ =	shalt  }
0x50: {  	_ =	shalt  }
0x51: {  	_ =	shalt  }
0x52: {  	_ =	shalt  }
0x53: {  	_ =	shalt  }
0x54: {  	_ =	shalt  }
0x55: {  	_ =	shalt  }
0x56: {  	_ =	shalt  }
0x57: {  	_ =	shalt  }
0x58: {  	_ =	shalt  }
0x59: {  	_ =	shalt  }
0x5a: {  	_ =	shalt  }
0x5b: {  	_ =	shalt  }
0x5c: {  	_ =	shalt  }
0x5d: {  	_ =	shalt  }
0x5e: {  	_ =	shalt  }
0x5f: {  	_ =	shalt  }
0x60: {  	_ =	shalt  }
0x61: {  	_ =	shalt  }
0x62: {  	_ =	shalt  }
0x63: {  	_ =	shalt  }
0x64: {  	_ =	shalt  }
0x65: {  	_ =	shalt  }
0x66: {  	_ =	shalt  }
0x67: {  	_ =	shalt  }
0x68: {  	_ =	shalt  }
0x69: {  	_ =	shalt  }
0x6a: {  	_ =	shalt  }
0x6b: {  	_ =	shalt  }
0x6c: {  	_ =	shalt  }
0x6d: {  	_ =	shalt  }
0x6e: {  	_ =	shalt  }
0x6f: {  	_ =	shalt  }
0x70: {  	_ =	shalt  }
0x71: {  	_ =	shalt  }
0x72: {  	_ =	shalt  }
0x73: {  	_ =	shalt  }
0x74: {  	_ =	shalt  }
0x75: {  	_ =	shalt  }
0x76: {  	_ =	shalt  }
0x77: {  	_ =	shalt  }
0x78: {  	_ =	shalt  }
0x79: {  	_ =	shalt  }
0x7a: {  	_ =	shalt  }
0x7b: {  	_ =	shalt  }
0x7c: {  	_ =	shalt  }
0x7d: {  	_ =	shalt  }
0x7e: {  	_ =	shalt  }
0x7f: {  	_ =	shalt  }
0x80: {  	_ =	shalt  }
0x81: {  	_ =	shalt  }
0x82: {  	_ =	shalt  }
0x83: {  	_ =	shalt  }
0x84: {  	_ =	shalt  }
0x85: {  	_ =	shalt  }
0x86: {  	_ =	shalt  }
0x87: {  	_ =	shalt  }
.Lfunc_end0:
.L_simem_size_0:
called_computation.4_lowered:
.L_overlay_start_0:
0x88: {  	s2 =	sld [smem:$0x3FD9]  }
0x89: {  	s3 =	sld [smem:$0x3FFE];
	_ =	sdelay $0x1  }
0x8a: {  	s1 =	srdreg.scid  }
0x8b: {  	s0 =	sand.u32 $0x1, s1  }
0x8c: {  	s16 =	sshll.u32 s0, $0xA;
	s2 =	sadd.s32 s3, s2  }
0x8d: {  	s2 =	sadd.s32 s2, s16  }
0x8e: {  	[smem:$0x3FB2] =	sst s2  }
0x8f: {  	_ = 	snop  }
0x90: {  	(tm) =	ssettm $0x1  }
0x91: {  	s17 =	sld [smem:$0x3FFB];
	_ =	sdelay $0x3  }
0x92: {  	_ =	strace s17  }
0x93: {  	s2 =	sld [smem:$0x3FFC];
	_ =	sdelay $0x3  }
0x94: {  	_ =	strace s2  }
0x95: {  	s2 =	sld [smem:$0x3FFD];
	_ =	sdelay $0x3  }
0x96: {  	_ =	strace s2  }
0x97: {  	_ =	strace $0x8FFFFFFF  }
0x98: {  	s18 =	sld [smem:$0x3FDB];
	_ =	sdelay $0x1  }
0x99: {  	s19 =	simm.s32 $_scs_section_size  }
0x9a: {  	s4 =	simm.s32 $_size__tile_overlayer_lowered;
	s5 =	simm.s32 $_tile_overlayer_lowered  }
0x9b: {  	s22 =	simm.s32 $0x1BFF;
	s21 =	sshll.u32 s5, $0x1;
	s2 =	sadd.s32 s19, s18  }
0x9c: {  	s6 =	simm.s32 $0x0;
	s20 =	sshll.u32 s4, $0x1;
	s4 =	sadd.s32 s21, s2  }
0x9d: {  	[timem:s6], [sflag:s22] =	dma.local [hbm:s4], s20  }
0x9e: {  	_ =	swait.ge [sflag:s22], s20  }
0x9f: {  	s3 =	ssub.s32 $0x0, s20;
	[sflag:s22] =	ssyncset.done $0x0  }
0xa0: {  	[sflag:s22] =	ssyncadd.s32 s3;
	_ =	sdelay $0x1  }
0xa1: {  	s23 =	simm.s32 $0x1B8B  }
0xa2: {  	_ =	swait.ge [sflag:s23], $0x1  }
0xa3: {  	[sflag:s23] =	ssyncset.done $0x0  }
0xa4: {  	s25 =	simm.s32 $0x1B8E;
	s24 =	sld [smem:$0x3FFE];
	[sflag:s23] =	ssyncadd.s32 $0xFFFFFFFF  }
0xa5: {  	s26 =	simm.s32 $execute0_lowered;
	[smem:$0x3FD2] =	sst s25  }
0xa6: {  	s4 =	sshll.u32 s26, $0x1;
	_ =	strace $0x80000052;
	[dreg:$0x1] =	wrdreg $0xFFFFFFFF  }
0xa7: {  	s28 =	simm.s32 $_size_execute0_lowered;
	s2 =	sadd.s32 s2, s4;
	[dreg:$0x0] =	wrdreg $0x0  }
0xa8: {  	s4 =	sshll.u32 s28, $0x1;
	[dreg:$0x2] =	wrdreg s2  }
0xa9: {  	[dreg:$0x3] =	wrdreg s4  }
0xaa: {  	[dreg:$0x4] =	wrdreg $0xC0  }
0xab: {  	_ =	task [dreg:s6], $0x5FFFF  }
0xac: {  	[dreg:$0x1] =	wrdreg $0xFFFFFFFF  }
0xad: {  	[dreg:$0x0] =	wrdreg $0x60  }
0xae: {  	[dreg:$0x2] =	wrdreg s24  }
0xaf: {  	[dreg:$0x3] =	wrdreg $0x154500  }
0xb0: {  	[dreg:$0x4] =	wrdreg $0x9  }
0xb1: {  	_ =	task.clear_ibuf [dreg:s6], $0x5FFFF;
	_ =	strace $0x90000052  }
0xb2: {  	s29 =	simm.s32 $0x9;
	_ =	strace $0x80000054  }
0xb3: {  	_ =	swait.ge [sflag:s29], $0x1  }
0xb4: {  	[sflag:s29] =	ssyncadd.s32 $0xFFFFFFFF  }
0xb5: {  	_ =	strace $0x90000054  }
0xb6: {  	_ =	sfence  }
0xb7: {  	s30 =	sld [smem:$0x0];
	_ =	sdelay $0x2  }
0xb8: {  	s31 =	sshll.u32 s1, $0xD;
	s1 =	sshrl.u32 s1, $0x2  }
0xb9: {  	s3 =	sand.u32 $0x4000, s31;
	s1 =	sadd.s32 s1, s30  }
0xba: {  	s0 =	sor.u32 s3, s0;
	s1 =	sshll.u32 s1, $0x11  }
0xbb: {  	s0 =	sor.u32 s1, s0  }
0xbc: {  	s0 =	sadd.s32 $0x8F2B, s0  }
0xbd: {  	[sflag:s0] =	ssyncadd.remote.s32 $0x1  }
0xbe: {  	_ =	sfence.sel $0xFFFF  }
0xbf: {  	[dreg:$0x0] =	wrdreg $0xFFFFFFFF;
	(pc) =	sbr.abs _section_cstart, $3  }
0xc0: {  	[dreg:$0x1] =	wrdreg $0xFFFFFFFF  }
0xc1: {  	_ =	task.clear_ibuf [dreg:s6], $0x2FFFF;
	_ =	strace $0x9FFFFFFF  }
0xc2: {  	(tm) =	ssettm $0x7FFFFFFF  }
0xc3: {  	_ =	shalt  }
tec
execute0_lowered:
.L_overlay_start_1:
0x0: {  	(tag) =	ssettag $0x1  }
0x1: {  	s1 =	srdreg.scid;
	s5 =	rddreg [dreg:$0x0]  }
0x2: {  	s0 =	stileid.u32;
	s2 =	rddreg [dreg:$0x1];
	s3 =	simm.s32 $0x0  }
0x3: {  	s13 =	simm.s32 $0x14C80;
	s14 =	simm.s32 $0x1;
	s15 =	simm.s32 $0x7D  }
0x4: {  	s4 =	sand.u32 $0x1, s1;
	s1 =	rddreg [dreg:$0x2];
	s9 =	smul.u32 $0x2710, s0  }
0x5: {  	s29 =	sshll.u32 s0, $0x1;
	[smem:$0x7FF] =	sst s3;
	s10 =	smul.u32 $0x9C40, s0  }
0x6: {  	s16 =	sshll.u32 s0, $0x6;
	s6 =	sor.u32 s4, s29;
	s8 =	smul.u32 $0x27100, s4  }
0x7: {  	_ =	strace $0x80000053;
	s4 =	ssub.s32 $0x2, s4;
	s7 =	smul.u32 $0x2710, s6  }
0x8: {  	s16 =	sor.u32 $0x1C01, s16;
	s6 =	smul.u32 $0x280, s6;
	s30 =	sshrl.u32 s4, $0x1  }
0x9: {  	s31 =	sshrl.u32 s10, $0x2;
	s17 =	sadd.s32 s9, s2;
	s8 =	sadd.s32 s9, s8  }
0xa: {  	s11 =	ssub.s32 s4, s30;
	s17 =	sshrl.u32 s17, $0x3;
	s8 =	sshrl.u32 s8, $0x3  }
0xb: {  	s7 =	sadd.s32 s7, s5;
	s6 =	sadd.s32 s6, s5;
	s8 =	sadd.s32 s8, s5  }
0xc: {  	s4 =	sadd.s32 $0x9000, s7;
	s5 =	sadd.s32 $0x83400, s6;
	s7 =	sadd.s32 s31, s2  }
0xd: {  	s6 =	sadd.s32 $0x57200, s8;
	s8 =	smax.u32 s11, $0x1;
	s9 =	sadd.s32 $0x7D0, s7  }
0xe: {  	v0 =	vimm.f32 $0.0e+00;
	s10 =	sadd.s32 $0xFA0, s7;
	s11 =	sadd.s32 $0x1770, s7;
	s12 =	sadd.s32 $0x1F40, s7  }
.LBB2_1:
0xf: {  	s18 =	simm.s32 $0x40;
	s19 =	simm.s32 $0x0  }
.LBB2_2:
0x10: {  	p0 =	sne.s32 s18, $0x1F00;
	[tilespmem:s19+$0x14C80] =	vst v0;
	s19 =	smov.u32 s18;
	s18 =	sadd.s32 $0x40, s18  }
.Ltmp0:
0x11: {  	(pc) =	sbr.rel @p0 .LBB2_2-.Ltmp0, $2  }
0x12: {  	_ =	sdelay $0x2  }
0x13: {  	s19 =	sshra.s32 s19, $0x2  }
0x14: {  	[tilespmem:s19+$0x14C80] =	vst v0  }
0x15: {  	[spmem:s7] =	stream.linear.scatter [tilespmem:s13], [sflag:$0x1], $0x7D0, $0x38;
	[tilespmem:$0x17B60] =	vst v63  }
0x16: {  	_ =	swait.ge [sflag:s14], $0x7D0  }
0x17: {  	[sflag:s14] =	ssyncset.done $0x0  }
0x18: {  	[sflag:s14] =	ssyncadd.s32 $0xFFFFF830  }
0x19: {  	[spmem:s9] =	stream.linear.scatter [tilespmem:s13], [sflag:$0x1], $0x7D0, $0x38;
	[tilespmem:$0x17B60] =	vst v63  }
0x1a: {  	_ =	swait.ge [sflag:s14], $0x7D0  }
0x1b: {  	[sflag:s14] =	ssyncset.done $0x0  }
0x1c: {  	[sflag:s14] =	ssyncadd.s32 $0xFFFFF830  }
0x1d: {  	[spmem:s10] =	stream.linear.scatter [tilespmem:s13], [sflag:$0x1], $0x7D0, $0x38;
	[tilespmem:$0x17B60] =	vst v63  }
0x1e: {  	_ =	swait.ge [sflag:s14], $0x7D0  }
0x1f: {  	[sflag:s14] =	ssyncset.done $0x0  }
0x20: {  	[sflag:s14] =	ssyncadd.s32 $0xFFFFF830  }
0x21: {  	[spmem:s11] =	stream.linear.scatter [tilespmem:s13], [sflag:$0x1], $0x7D0, $0x38;
	[tilespmem:$0x17B60] =	vst v63  }
0x22: {  	_ =	swait.ge [sflag:s14], $0x7D0  }
0x23: {  	[sflag:s14] =	ssyncset.done $0x0  }
0x24: {  	[sflag:s14] =	ssyncadd.s32 $0xFFFFF830  }
0x25: {  	[spmem:s12] =	stream.linear.scatter [tilespmem:s13], [sflag:$0x1], $0x7D0, $0x38;
	[tilespmem:$0x17B60] =	vst v63  }
0x26: {  	_ =	swait.ge [sflag:s14], $0x7D0  }
0x27: {  	[sflag:s14] =	ssyncset.done $0x0  }
0x28: {  	[sflag:s14] =	ssyncadd.s32 $0xFFFFF830  }
0x29: {  	s30 =	simm.s32 $0x0;
	s18 =	simm.s32 $0x1400;
	[bflag:$0x0] =	sbarrier.arrive $0xFFFF  }
0x2a: {  	[tilespmem:s18], [sflag:$0x1] =	stream.linear.gather [hbm4b:s4+s30], $0x13880, $0x38;
	[tilespmem:$0x17B60] =	vst v63  }
0x2b: {  	_ =	swait.ge [sflag:s14], $0x13880  }
0x2c: {  	[sflag:s14] =	ssyncset.done $0x0  }
0x2d: {  	[sflag:s14] =	ssyncadd.s32 $0xFFFEC780  }
0x2e: {  	[tilespmem:s30], [sflag:$0x1] =	stream.linear.gather [hbm4b:s5+s30], $0x1400, $0x38;
	[tilespmem:$0x17B60] =	vst v63  }
0x2f: {  	_ =	swait.ge [sflag:s14], $0x1400  }
0x30: {  	[sflag:s14] =	ssyncset.done $0x0  }
0x31: {  	s31 =	simm.s32 $0x0;
	[sflag:s14] =	ssyncadd.s32 $0xFFFFEC00  }
0x32: {  	[spmem:s2] =	stream.indirect.scatter.add.f32 [tilespmem:s18], [sflag:$0x1], $0x10, s31, s15, $0xb8;
	[tilespmem:$0x17B60] =	vst v63  }
0x33: {  	_ =	swait.ge [sflag:s14], $0x7D0  }
0x34: {  	s19 =	simm.s32 $0x200;
	[sflag:s14] =	ssyncset.done $0x0  }
.LBB2_4:
0x35: {  	s20 =	sshra.s32 s19, $0x2  }
0x36: {  	[sflag:s14] =	ssyncadd.s32 $0xFFFFF830;
	s18 =	sadd.s32 $0x7D0, s18;
	p0 =	sne.s32 s19, $0x4E00  }
0x37: {  	[spmem:s2] =	stream.indirect.scatter.add.f32 [tilespmem:s18], [sflag:$0x1], $0x10, s20, s15, $0xb8;
	[tilespmem:$0x17B60] =	vst v63  }
.Ltmp1:
0x38: {  	_ = 	snop;
	(pc) =	sbr.rel @p0 .LBB2_4-.Ltmp1, $4  }
0x39: {  	_ = 	snop  }
0x3a: {  	s19 =	sadd.s32 $0x200, s19  }
0x3b: {  	_ =	swait.ge [sflag:s14], $0x7D0  }
0x3c: {  	[sflag:s14] =	ssyncset.done $0x0  }
0x3d: {  	s3 =	sadd.s32 $0x1, s3  }
0x3e: {  	[sflag:s14] =	ssyncadd.s32 $0xFFFFF830;
	p0 =	sne.s32 s3, s8  }
.Ltmp2:
0x3f: {  	[bflag:$0x0] =	sbarrier.arrive $0xFFFF;
	(pc) =	sbr.rel @p0 .LBB2_1-.Ltmp2, $4  }
0x40: {  	[hbm:s6], [sflag:s16] =	dma.local [spmem:s17], $0x4E2  }
0x41: {  	_ =	swait.ge [sflag:s14], $0x4E2  }
0x42: {  	[sflag:s14] =	ssyncset.done $0x0  }
0x43: {  	[sflag:s14] =	ssyncadd.s32 $0xFFFFFB1E  }
0x44: {  	_ =	sfence.sel $0x180000  }
0x45: {  	[bflag:$0x0] =	sbarrier.arrive $0xFFFF  }
0x46: {  	p0 =	sne.s32 s0, $0x0;
	_ =	strace $0x90000053  }
0x47: {  	s0 =	sadd.s32 @!p0 $0x100000, s1;
	[bflag:$0x2] =	sbarrier.arrive $0xFFFF  }
0x48: {  	[sflag:s0] =	ssyncadd.tile.s32 @!p0 $0x1;
	_ =	shalt  }
.Lfunc_end2:
_tile_overlayer_lowered:
.L_overlay_start_2:
0x49: {  	(tag) =	ssettag $0x2  }
0x4a: {  	s0 =	rddreg [dreg:$0x0];
	s2 =	stileid.u32  }
0x4b: {  	s1 =	rddreg [dreg:$0x1];
	p0 =	sne.s32 s2, $0x0  }
0x4c: {  	s3 =	rddreg [dreg:$0x2];
	[bflag:$0x3] =	sbarrier.arrive $0xFFFF;
	s2 =	simm.s32 @!p0 $0x1C01  }
0x4d: {  	[timem:s3], [sflag:s2] =	dma.local @!p0 [hbm:s0], s1  }
0x4e: {  	s0 =	simm.s32 @!p0 $0x1  }
0x4f: {  	_ =	swait.ge @!p0 [sflag:s0], s1  }
0x50: {  	s1 =	ssub.s32 @!p0 $0x0, s1;
	[sflag:s0] =	ssyncset.done @!p0 $0x0  }
0x51: {  	[sflag:s0] =	ssyncadd.s32 @!p0 s1  }
0x52: {  	[bflag:$0x3] =	sbarrier.arrive $0xFFFF  }
0x53: {  	_ =	shalt  }

// kernel: kernel.27.cloned.1.call-start
scs
__scs_entry_jumppad:
0x0: {  	(pc) =	sbr.rel $0x88, $3  }
0x1: {  	(tag) =	ssettag $0x0;
	lr =	simm.s32 $0x1  }
0x2: {  	[smem:$0x3F8B] =	sst lr;
	_ =	strace $0xD0000000  }
0x3: {  	_ = 	snop  }
0x4: {  	_ = 	snop  }
0x5: {  	_ = 	snop  }
0x6: {  	_ = 	snop  }
0x7: {  	_ = 	snop  }
__scs_overlays_trampoline_lowered:
0x8: {  	[smem:$0x3F9A] =	sst s0  }
0x9: {  	[smem:$0x3F9B] =	sst s1  }
0xa: {  	[smem:$0x3F9C] =	sst s2  }
0xb: {  	[smem:$0x3F9D] =	sst s3  }
0xc: {  	[smem:$0x3F9E] =	sst s4  }
0xd: {  	[smem:$0x3F9F] =	sst s5  }
0xe: {  	[smem:$0x3FA0] =	sst s6  }
0xf: {  	[smem:$0x3FA1] =	sst s7  }
0x10: {  	[smem:$0x3FA2] =	sst s8  }
0x11: {  	[smem:$0x3FA3] =	sst s9;
	s0 =	simm.s32 @!p0 $0x0  }
0x12: {  	s1 =	sld [smem:$0x3F89];
	s0 =	simm.s32 @p0 $0x1  }
0x13: {  	[smem:$0x3FA4] =	sst s0;
	s0 =	simm.s32 @!p1 $0x0  }
0x14: {  	s2 =	sld [smem:$0x3F88];
	s0 =	simm.s32 @p1 $0x1  }
0x15: {  	[smem:$0x3FA5] =	sst s0;
	s0 =	simm.s32 @!p2 $0x0  }
0x16: {  	s3 =	sld [smem:$0x3FDB];
	s0 =	simm.s32 @p2 $0x1  }
0x17: {  	s4 =	simm.s32 $0x1BF5;
	[smem:$0x3FA7] =	sst s0  }
0x18: {  	s0 =	sld [smem:$0x3F8A];
	_ =	swait.ge [sflag:s4], $0x0  }
0x19: {  	s7 =	sld [smem:$0x3F8B]  }
0x1a: {  	s8 =	sadd.s32 $0xFFFFE003, lr  }
0x1b: {  	s9 =	sadd.s32 $0xFFFFFEF7, lr;
	s5 =	simm.s32 $0xFFFFFFFF;
	p2 =	slt.u32 s8, $0xFFFFF086  }
0x1c: {  	p1 =	slt.u32 s9, $0xF7A;
	s5 =	simm.s32 @!p2 $0x0  }
0x1d: {  	s5 =	simm.s32 @p1 $0x1;
	p0 =	seq.s32 s7, s2  }
0x1e: {  	s7 =	smul.u32 @!p0 $0xF7A, s2;
	p2 =	seq.s32 @!p0 s5, $0x0  }
0x1f: {  	s9 =	smul.u32 $0xF7A, s1;
	s8 =	simm.s32 @!p0 $0x1BF5;
	p2 =	por !p2, p0  }
0x20: {  	[sflag:s8] =	ssyncset.s32 @!p0 $0xFFFFF086;
	s6 =	sadd.s32 @!p0 s3, s7;
	s7 =	simm.s32 @!p0 $0x108  }
0x21: {  	s3 =	sadd.s32 s3, s9;
	s6 =	sadd.s32 @!p0 $0x88, s6;
	s7 =	simm.s32 @p2 $0x1082  }
0x22: {  	[simem:s7], [sflag:s8] =	dma.local @!p0 [hbm:s6], $0xF7A  }
0x23: {  	s9 =	sor.u32 $0xD0000000, s2;
	s6 =	simm.s32 $0x108;
	_ =	swait.ge @!p0 [sflag:s8], $0x0  }
0x24: {  	s3 =	sadd.s32 $0x88, s3;
	s6 =	simm.s32 @!p1 $0x1082;
	[sflag:s4] =	ssyncset.s32 $0xFFFFF086  }
0x25: {  	[simem:s6], [sflag:s4] =	dma.local [hbm:s3], $0xF7A  }
0x26: {  	[smem:$0x3F8B] =	sst s1;
	(tag) =	ssettag s2;
	_ =	strace s9  }
0x27: {  	s1 =	sld [smem:$0x3F9B]  }
0x28: {  	s2 =	sld [smem:$0x3F9C]  }
0x29: {  	s4 =	sld [smem:$0x3F9E]  }
0x2a: {  	p0 =	seq.s32 s5, $0x0;
	s5 =	sld [smem:$0x3F9F]  }
0x2b: {  	s6 =	sld [smem:$0x3FA0]  }
0x2c: {  	s7 =	sld [smem:$0x3FA1]  }
0x2d: {  	s3 =	simm.s32 $0x108;
	s8 =	sld [smem:$0x3FA2]  }
0x2e: {  	s3 =	simm.s32 @!p0 $0x1082;
	s9 =	sld [smem:$0x3FA3]  }
0x2f: {  	lr =	sadd.s32 s0, s3;
	s0 =	sld [smem:$0x3F9A]  }
0x30: {  	s3 =	sld [smem:$0x3F9D]  }
0x31: {  	[smem:$0x3FA6] =	sst s10  }
0x32: {  	s10 =	sld [smem:$0x3FA4];
	_ =	sdelay $0x3  }
0x33: {  	p0 =	seq.s32 s10, $0x1;
	s10 =	sld [smem:$0x3FA6];
	_ =	sdelay $0x3  }
0x34: {  	[smem:$0x3FA6] =	sst s10  }
0x35: {  	s10 =	sld [smem:$0x3FA5];
	_ =	sdelay $0x3  }
0x36: {  	p1 =	seq.s32 s10, $0x1;
	s10 =	sld [smem:$0x3FA6];
	_ =	sdelay $0x3  }
0x37: {  	[smem:$0x3FA6] =	sst s10  }
0x38: {  	s10 =	sld [smem:$0x3FA7]  }
0x39: {  	_ = 	snop;
	(pc) =	sbr.ind lr, $3  }
0x3a: {  	_ = 	snop  }
0x3b: {  	_ = 	snop  }
0x3c: {  	p2 =	seq.s32 s10, $0x1;
	s10 =	sld [smem:$0x3FA6]  }
0x3d: {  	_ =	shalt  }
0x3e: {  	_ =	shalt  }
0x3f: {  	_ =	shalt  }
0x40: {  	_ =	shalt  }
0x41: {  	_ =	shalt  }
0x42: {  	_ =	shalt  }
0x43: {  	_ =	shalt  }
0x44: {  	_ =	shalt  }
0x45: {  	_ =	shalt  }
0x46: {  	_ =	shalt  }
0x47: {  	_ =	shalt  }
0x48: {  	_ =	shalt  }
0x49: {  	_ =	shalt  }
0x4a: {  	_ =	shalt  }
0x4b: {  	_ =	shalt  }
0x4c: {  	_ =	shalt  }
0x4d: {  	_ =	shalt  }
0x4e: {  	_ =	shalt  }
0x4f: {  	_ =	shalt  }
0x50: {  	_ =	shalt  }
0x51: {  	_ =	shalt  }
0x52: {  	_ =	shalt  }
0x53: {  	_ =	shalt  }
0x54: {  	_ =	shalt  }
0x55: {  	_ =	shalt  }
0x56: {  	_ =	shalt  }
0x57: {  	_ =	shalt  }
0x58: {  	_ =	shalt  }
0x59: {  	_ =	shalt  }
0x5a: {  	_ =	shalt  }
0x5b: {  	_ =	shalt  }
0x5c: {  	_ =	shalt  }
0x5d: {  	_ =	shalt  }
0x5e: {  	_ =	shalt  }
0x5f: {  	_ =	shalt  }
0x60: {  	_ =	shalt  }
0x61: {  	_ =	shalt  }
0x62: {  	_ =	shalt  }
0x63: {  	_ =	shalt  }
0x64: {  	_ =	shalt  }
0x65: {  	_ =	shalt  }
0x66: {  	_ =	shalt  }
0x67: {  	_ =	shalt  }
0x68: {  	_ =	shalt  }
0x69: {  	_ =	shalt  }
0x6a: {  	_ =	shalt  }
0x6b: {  	_ =	shalt  }
0x6c: {  	_ =	shalt  }
0x6d: {  	_ =	shalt  }
0x6e: {  	_ =	shalt  }
0x6f: {  	_ =	shalt  }
0x70: {  	_ =	shalt  }
0x71: {  	_ =	shalt  }
0x72: {  	_ =	shalt  }
0x73: {  	_ =	shalt  }
0x74: {  	_ =	shalt  }
0x75: {  	_ =	shalt  }
0x76: {  	_ =	shalt  }
0x77: {  	_ =	shalt  }
0x78: {  	_ =	shalt  }
0x79: {  	_ =	shalt  }
0x7a: {  	_ =	shalt  }
0x7b: {  	_ =	shalt  }
0x7c: {  	_ =	shalt  }
0x7d: {  	_ =	shalt  }
0x7e: {  	_ =	shalt  }
0x7f: {  	_ =	shalt  }
0x80: {  	_ =	shalt  }
0x81: {  	_ =	shalt  }
0x82: {  	_ =	shalt  }
0x83: {  	_ =	shalt  }
0x84: {  	_ =	shalt  }
0x85: {  	_ =	shalt  }
0x86: {  	_ =	shalt  }
0x87: {  	_ =	shalt  }
.Lfunc_end0:
.L_simem_size_0:
called_computation.5_lowered:
.L_overlay_start_0:
0x88: {  	s2 =	sld [smem:$0x3FD9]  }
0x89: {  	s3 =	sld [smem:$0x3FFE];
	_ =	sdelay $0x1  }
0x8a: {  	s1 =	srdreg.scid  }
0x8b: {  	s0 =	sand.u32 $0x1, s1  }
0x8c: {  	s16 =	sshll.u32 s0, $0xA;
	s2 =	sadd.s32 s3, s2  }
0x8d: {  	s2 =	sadd.s32 s2, s16  }
0x8e: {  	[smem:$0x3FB2] =	sst s2  }
0x8f: {  	_ = 	snop  }
0x90: {  	(tm) =	ssettm $0x1  }
0x91: {  	s17 =	sld [smem:$0x3FFB];
	_ =	sdelay $0x3  }
0x92: {  	_ =	strace s17  }
0x93: {  	s2 =	sld [smem:$0x3FFC];
	_ =	sdelay $0x3  }
0x94: {  	_ =	strace s2  }
0x95: {  	s2 =	sld [smem:$0x3FFD];
	_ =	sdelay $0x3  }
0x96: {  	_ =	strace s2  }
0x97: {  	_ =	strace $0x8FFFFFFF  }
0x98: {  	s18 =	sld [smem:$0x3FDB];
	_ =	sdelay $0x1  }
0x99: {  	s19 =	simm.s32 $_scs_section_size  }
0x9a: {  	s4 =	simm.s32 $_size__tile_overlayer_lowered;
	s5 =	simm.s32 $_tile_overlayer_lowered  }
0x9b: {  	s22 =	simm.s32 $0x1BFF;
	s21 =	sshll.u32 s5, $0x1;
	s2 =	sadd.s32 s19, s18  }
0x9c: {  	s6 =	simm.s32 $0x0;
	s20 =	sshll.u32 s4, $0x1;
	s4 =	sadd.s32 s21, s2  }
0x9d: {  	[timem:s6], [sflag:s22] =	dma.local [hbm:s4], s20  }
0x9e: {  	_ =	swait.ge [sflag:s22], s20  }
0x9f: {  	s3 =	ssub.s32 $0x0, s20;
	[sflag:s22] =	ssyncset.done $0x0  }
0xa0: {  	[sflag:s22] =	ssyncadd.s32 s3;
	_ =	sdelay $0x1  }
0xa1: {  	s23 =	simm.s32 $0x1B8B  }
0xa2: {  	_ =	swait.ge [sflag:s23], $0x1  }
0xa3: {  	[sflag:s23] =	ssyncset.done $0x0  }
0xa4: {  	s25 =	simm.s32 $0x1B8E;
	s24 =	sld [smem:$0x3FFE];
	[sflag:s23] =	ssyncadd.s32 $0xFFFFFFFF  }
0xa5: {  	s26 =	simm.s32 $execute0_lowered;
	[smem:$0x3FD2] =	sst s25  }
0xa6: {  	s4 =	sshll.u32 s26, $0x1;
	_ =	strace $0x80000055;
	[dreg:$0x1] =	wrdreg $0xFFFFFFFF  }
0xa7: {  	s28 =	simm.s32 $_size_execute0_lowered;
	s2 =	sadd.s32 s2, s4;
	[dreg:$0x0] =	wrdreg $0x0  }
0xa8: {  	s4 =	sshll.u32 s28, $0x1;
	[dreg:$0x2] =	wrdreg s2  }
0xa9: {  	[dreg:$0x3] =	wrdreg s4  }
0xaa: {  	[dreg:$0x4] =	wrdreg $0xC0  }
0xab: {  	_ =	task [dreg:s6], $0x5FFFF  }
0xac: {  	[dreg:$0x1] =	wrdreg $0xFFFFFFFF  }
0xad: {  	[dreg:$0x0] =	wrdreg $0x60  }
0xae: {  	[dreg:$0x2] =	wrdreg s24  }
0xaf: {  	[dreg:$0x3] =	wrdreg $0x9  }
0xb0: {  	_ =	task.clear_ibuf [dreg:s6], $0x4FFFF;
	_ =	strace $0x90000055  }
0xb1: {  	s29 =	simm.s32 $0x9;
	_ =	strace $0x80000057  }
0xb2: {  	_ =	swait.ge [sflag:s29], $0x1  }
0xb3: {  	[sflag:s29] =	ssyncadd.s32 $0xFFFFFFFF  }
0xb4: {  	_ =	strace $0x90000057  }
0xb5: {  	_ =	sfence  }
0xb6: {  	s30 =	sld [smem:$0x0];
	_ =	sdelay $0x2  }
0xb7: {  	s31 =	sshll.u32 s1, $0xD;
	s1 =	sshrl.u32 s1, $0x2  }
0xb8: {  	s3 =	sand.u32 $0x4000, s31;
	s1 =	sadd.s32 s1, s30  }
0xb9: {  	s0 =	sor.u32 s3, s0;
	s1 =	sshll.u32 s1, $0x11  }
0xba: {  	s0 =	sor.u32 s1, s0  }
0xbb: {  	s0 =	sadd.s32 $0x8F2B, s0  }
0xbc: {  	[sflag:s0] =	ssyncadd.remote.s32 $0x1  }
0xbd: {  	_ =	sfence.sel $0xFFFF  }
0xbe: {  	[dreg:$0x0] =	wrdreg $0xFFFFFFFF;
	(pc) =	sbr.abs _section_cstart, $3  }
0xbf: {  	[dreg:$0x1] =	wrdreg $0xFFFFFFFF  }
0xc0: {  	_ =	task.clear_ibuf [dreg:s6], $0x2FFFF;
	_ =	strace $0x9FFFFFFF  }
0xc1: {  	(tm) =	ssettm $0x7FFFFFFF  }
tec
execute0_lowered:
.L_overlay_start_1:
0x0: {  	(tag) =	ssettag $0x1  }
0x1: {  	s1 =	srdreg.scid  }
0x2: {  	s28 =	sand.u32 $0x1, s1;
	s1 =	stileid.u32  }
0x3: {  	s3 =	sshll.u32 s1, $0x1;
	s4 =	ssub.s32 $0x0, s28  }
0x4: {  	p0 =	sne.s32 s3, s4  }
.Ltmp0:
0x5: {  	_ = 	snop;
	(pc) =	sbr.rel @p0 .LBB2_4-.Ltmp0, $4  }
0x6: {  	_ = 	snop  }
0x7: {  	s29 =	rddreg [dreg:$0x0];
	s2 =	simm.s32 $0x0  }
0x8: {  	[smem:$0x7FF] =	sst s2  }
0x9: {  	s0 =	rddreg [dreg:$0x1];
	_ =	strace $0x80000056  }
0xa: {  	s4 =	sadd.s32 $0x61000, s29;
	s3 =	simm.s32 $0x2  }
0xb: {  	[tilespmem:s2], [sflag:$0x2] =	stream.linear.gather [hbm4b:s4+s2], $0x80, $0x38;
	[tilespmem:$0x4080] =	vst v63  }
0xc: {  	_ =	swait.ge [sflag:s3], $0x80  }
0xd: {  	[sflag:s3] =	ssyncset.done $0x0  }
0xe: {  	s5 =	sadd.s32 $0x61010, s29;
	s6 =	simm.s32 $0x80;
	[sflag:s3] =	ssyncadd.s32 $0xFFFFFF80  }
0xf: {  	[tilespmem:s6], [sflag:$0x2] =	stream.linear.gather [hbm4b:s5+s2], $0x48, $0x38;
	[tilespmem:$0x4080] =	vst v63  }
0x10: {  	_ =	swait.ge [sflag:s3], $0x48  }
0x11: {  	[sflag:s3] =	ssyncset.done $0x0  }
0x12: {  	s7 =	sadd.s32 $0x61019, s29;
	s8 =	simm.s32 $0x100;
	[sflag:s3] =	ssyncadd.s32 $0xFFFFFFB8  }
0x13: {  	[tilespmem:s8], [sflag:$0x2] =	stream.linear.gather [hbm4b:s7+s2], $0x80, $0x38;
	[tilespmem:$0x4080] =	vst v63  }
0x14: {  	_ =	swait.ge [sflag:s3], $0x80  }
0x15: {  	[sflag:s3] =	ssyncset.done $0x0  }
0x16: {  	s9 =	sadd.s32 $0x61029, s29;
	s10 =	simm.s32 $0x180;
	[sflag:s3] =	ssyncadd.s32 $0xFFFFFF80  }
0x17: {  	[tilespmem:s10], [sflag:$0x2] =	stream.linear.gather [hbm4b:s9+s2], $0x48, $0x38;
	[tilespmem:$0x4080] =	vst v63  }
0x18: {  	_ =	swait.ge [sflag:s3], $0x48  }
0x19: {  	[sflag:s3] =	ssyncset.done $0x0  }
0x1a: {  	s11 =	sadd.s32 $0x57200, s29;
	s12 =	simm.s32 $0x200;
	[sflag:s3] =	ssyncadd.s32 $0xFFFFFFB8  }
0x1b: {  	[tilespmem:s12], [sflag:$0x1] =	stream.indirect.gather [hbm4b:s11+s6], $0x10, s2, s6, $0xb8;
	[tilespmem:$0x4080] =	vst v63  }
0x1c: {  	s13 =	simm.s32 $0x48;
	s14 =	simm.s32 $0xA00  }
0x1d: {  	[tilespmem:s14], [sflag:$0x1] =	stream.indirect.gather [hbm4b:s11+s13], $0x10, s6, s13, $0xb8;
	[tilespmem:$0x4080] =	vst v63  }
0x1e: {  	s15 =	simm.s32 $0xE80  }
0x1f: {  	[tilespmem:s15], [sflag:$0x1] =	stream.indirect.gather [hbm4b:s11+s6], $0x10, s8, s6, $0xb8;
	[tilespmem:$0x4080] =	vst v63  }
0x20: {  	s16 =	simm.s32 $0x1680  }
0x21: {  	[tilespmem:s16], [sflag:$0x1] =	stream.indirect.gather [hbm4b:s11+s13], $0x10, s10, s13, $0xb8;
	[tilespmem:$0x4080] =	vst v63  }
0x22: {  	s17 =	sadd.s32 $0x88400, s29;
	s18 =	simm.s32 $0x1B00  }
0x23: {  	[tilespmem:s18], [sflag:$0x1] =	stream.indirect.gather [hbm4b:s17+s6], $0x10, s2, s6, $0xb8;
	[tilespmem:$0x4080] =	vst v63  }
0x24: {  	s19 =	simm.s32 $0x2300  }
0x25: {  	[tilespmem:s19], [sflag:$0x1] =	stream.indirect.gather [hbm4b:s17+s13], $0x10, s6, s13, $0xb8;
	[tilespmem:$0x4080] =	vst v63  }
0x26: {  	s20 =	simm.s32 $0x2780  }
0x27: {  	[tilespmem:s20], [sflag:$0x1] =	stream.indirect.gather [hbm4b:s17+s6], $0x10, s8, s6, $0xb8;
	[tilespmem:$0x4080] =	vst v63  }
0x28: {  	s21 =	simm.s32 $0x2F80  }
0x29: {  	[tilespmem:s21], [sflag:$0x1] =	stream.indirect.gather [hbm4b:s17+s13], $0x10, s10, s13, $0xb8;
	[tilespmem:$0x4080] =	vst v63  }
0x2a: {  	s22 =	sadd.s32 $0x4000, s29;
	s23 =	simm.s32 $0x3400  }
0x2b: {  	[tilespmem:s23], [sflag:$0x1] =	stream.indirect.gather [hbm4b:s22+s6], $0x10, s2, s6, $0xb8;
	[tilespmem:$0x4080] =	vst v63  }
0x2c: {  	s24 =	simm.s32 $0x3C00;
	s25 =	simm.s32 $0x1  }
0x2d: {  	[tilespmem:s24], [sflag:$0x1] =	stream.indirect.gather [hbm4b:s22+s13], $0x10, s6, s13, $0xb8;
	[tilespmem:$0x4080] =	vst v63  }
0x2e: {  	_ =	swait.ge [sflag:s25], $0x480  }
0x2f: {  	[sflag:s25] =	ssyncset.done $0x0  }
0x30: {  	[sflag:s25] =	ssyncadd.s32 $0xFFFFFB80  }
0x31: {  	_ =	swait.ge [sflag:s25], $0x800  }
0x32: {  	[sflag:s25] =	ssyncset.done $0x0  }
0x33: {  	[sflag:s25] =	ssyncadd.s32 $0xFFFFF800  }
0x34: {  	_ =	swait.ge [sflag:s25], $0x800  }
0x35: {  	[sflag:s25] =	ssyncset.done $0x0  }
0x36: {  	[sflag:s25] =	ssyncadd.s32 $0xFFFFF800  }
0x37: {  	_ =	swait.ge [sflag:s25], $0x480  }
0x38: {  	[sflag:s25] =	ssyncset.done $0x0  }
0x39: {  	[sflag:s25] =	ssyncadd.s32 $0xFFFFFB80  }
0x3a: {  	_ =	swait.ge [sflag:s25], $0x800  }
0x3b: {  	[sflag:s25] =	ssyncset.done $0x0  }
0x3c: {  	[sflag:s25] =	ssyncadd.s32 $0xFFFFF800  }
0x3d: {  	_ =	swait.ge [sflag:s25], $0x480  }
0x3e: {  	[sflag:s25] =	ssyncset.done $0x0  }
0x3f: {  	[sflag:s25] =	ssyncadd.s32 $0xFFFFFB80  }
0x40: {  	_ =	swait.ge [sflag:s25], $0x800  }
0x41: {  	[sflag:s25] =	ssyncset.done $0x0  }
0x42: {  	[sflag:s25] =	ssyncadd.s32 $0xFFFFF800  }
0x43: {  	_ =	swait.ge [sflag:s25], $0x480  }
0x44: {  	[sflag:s25] =	ssyncset.done $0x0  }
0x45: {  	[sflag:s25] =	ssyncadd.s32 $0xFFFFFB80  }
0x46: {  	_ =	swait.ge [sflag:s25], $0x800  }
0x47: {  	[sflag:s25] =	ssyncset.done $0x0  }
0x48: {  	[sflag:s25] =	ssyncadd.s32 $0xFFFFF800  }
0x49: {  	_ =	swait.ge [sflag:s25], $0x480  }
0x4a: {  	[sflag:s25] =	ssyncset.done $0x0  }
0x4b: {  	s26 =	sadd.s32 $0x61600, s29;
	s30 =	ssub.s32 $0x2, s28;
	[sflag:s25] =	ssyncadd.s32 $0xFFFFFB80  }
0x4c: {  	[hbm4b:s26+s2] =	stream.linear.scatter [tilespmem:s12], [sflag:$0x2], $0x1900, $0x38;
	[tilespmem:$0x4080] =	vst v63  }
0x4d: {  	s31 =	sshrl.u32 s30, $0x1;
	_ =	swait.ge [sflag:s3], $0x1900  }
0x4e: {  	s30 =	ssub.s32 s30, s31;
	[sflag:s3] =	ssyncset.done $0x0  }
0x4f: {  	s28 =	sadd.s32 $0x61200, s29;
	s30 =	smax.u32 s30, $0x1;
	[sflag:s3] =	ssyncadd.s32 $0xFFFFE700  }
0x50: {  	[hbm4b:s28+s2] =	stream.linear.scatter [tilespmem:s18], [sflag:$0x2], $0x1900, $0x38;
	[tilespmem:$0x4080] =	vst v63  }
0x51: {  	p0 =	sne.s32 s30, $0x1;
	_ =	swait.ge [sflag:s3], $0x1900  }
.Ltmp1:
0x52: {  	[sflag:s3] =	ssyncset.done $0x0;
	(pc) =	sbr.rel @!p0 .LBB2_3-.Ltmp1, $4  }
0x53: {  	s29 =	sadd.s32 $0x61A00, s29;
	[sflag:s3] =	ssyncadd.s32 $0xFFFFE700  }
0x54: {  	[hbm4b:s29+s2] =	stream.linear.scatter [tilespmem:s23], [sflag:$0x2], $0xC80, $0x38;
	[tilespmem:$0x4080] =	vst v63  }
0x55: {  	_ =	swait.ge [sflag:s3], $0xC80  }
0x56: {  	s30 =	sadd.s32 $0xFFFFFFFF, s30;
	[sflag:s3] =	ssyncset.done $0x0  }
.LBB2_2:
0x57: {  	p0 =	sne.s32 s30, $0x1;
	s30 =	sadd.s32 $0xFFFFFFFF, s30;
	[sflag:s3] =	ssyncadd.s32 $0xFFFFF380  }
0x58: {  	[tilespmem:s2], [sflag:$0x2] =	stream.linear.gather [hbm4b:s4+s2], $0x80, $0x38;
	[tilespmem:$0x4080] =	vst v63  }
0x59: {  	_ =	swait.ge [sflag:s3], $0x80  }
0x5a: {  	[sflag:s3] =	ssyncset.done $0x0  }
0x5b: {  	[sflag:s3] =	ssyncadd.s32 $0xFFFFFF80  }
0x5c: {  	[tilespmem:s6], [sflag:$0x2] =	stream.linear.gather [hbm4b:s5+s2], $0x48, $0x38;
	[tilespmem:$0x4080] =	vst v63  }
0x5d: {  	_ =	swait.ge [sflag:s3], $0x48  }
0x5e: {  	[sflag:s3] =	ssyncset.done $0x0  }
0x5f: {  	[sflag:s3] =	ssyncadd.s32 $0xFFFFFFB8  }
0x60: {  	[tilespmem:s8], [sflag:$0x2] =	stream.linear.gather [hbm4b:s7+s2], $0x80, $0x38;
	[tilespmem:$0x4080] =	vst v63  }
0x61: {  	_ =	swait.ge [sflag:s3], $0x80  }
0x62: {  	[sflag:s3] =	ssyncset.done $0x0  }
0x63: {  	[sflag:s3] =	ssyncadd.s32 $0xFFFFFF80  }
0x64: {  	[tilespmem:s10], [sflag:$0x2] =	stream.linear.gather [hbm4b:s9+s2], $0x48, $0x38;
	[tilespmem:$0x4080] =	vst v63  }
0x65: {  	_ =	swait.ge [sflag:s3], $0x48  }
0x66: {  	[sflag:s3] =	ssyncset.done $0x0  }
0x67: {  	[sflag:s3] =	ssyncadd.s32 $0xFFFFFFB8  }
0x68: {  	[tilespmem:s12], [sflag:$0x1] =	stream.indirect.gather [hbm4b:s11+s6], $0x10, s2, s6, $0xb8;
	[tilespmem:$0x4080] =	vst v63  }
0x69: {  	_ = 	snop  }
0x6a: {  	[tilespmem:s14], [sflag:$0x1] =	stream.indirect.gather [hbm4b:s11+s13], $0x10, s6, s13, $0xb8;
	[tilespmem:$0x4080] =	vst v63  }
0x6b: {  	_ = 	snop  }
0x6c: {  	[tilespmem:s15], [sflag:$0x1] =	stream.indirect.gather [hbm4b:s11+s6], $0x10, s8, s6, $0xb8;
	[tilespmem:$0x4080] =	vst v63  }
0x6d: {  	_ = 	snop  }
0x6e: {  	[tilespmem:s16], [sflag:$0x1] =	stream.indirect.gather [hbm4b:s11+s13], $0x10, s10, s13, $0xb8;
	[tilespmem:$0x4080] =	vst v63  }
0x6f: {  	_ = 	snop  }
0x70: {  	[tilespmem:s18], [sflag:$0x1] =	stream.indirect.gather [hbm4b:s17+s6], $0x10, s2, s6, $0xb8;
	[tilespmem:$0x4080] =	vst v63  }
0x71: {  	_ = 	snop  }
0x72: {  	[tilespmem:s19], [sflag:$0x1] =	stream.indirect.gather [hbm4b:s17+s13], $0x10, s6, s13, $0xb8;
	[tilespmem:$0x4080] =	vst v63  }
0x73: {  	_ = 	snop  }
0x74: {  	[tilespmem:s20], [sflag:$0x1] =	stream.indirect.gather [hbm4b:s17+s6], $0x10, s8, s6, $0xb8;
	[tilespmem:$0x4080] =	vst v63  }
0x75: {  	_ = 	snop  }
0x76: {  	[tilespmem:s21], [sflag:$0x1] =	stream.indirect.gather [hbm4b:s17+s13], $0x10, s10, s13, $0xb8;
	[tilespmem:$0x4080] =	vst v63  }
0x77: {  	_ = 	snop  }
0x78: {  	[tilespmem:s23], [sflag:$0x1] =	stream.indirect.gather [hbm4b:s22+s6], $0x10, s2, s6, $0xb8;
	[tilespmem:$0x4080] =	vst v63  }
0x79: {  	_ = 	snop  }
0x7a: {  	[tilespmem:s24], [sflag:$0x1] =	stream.indirect.gather [hbm4b:s22+s13], $0x10, s6, s13, $0xb8;
	[tilespmem:$0x4080] =	vst v63  }
0x7b: {  	_ =	swait.ge [sflag:s25], $0x480  }
0x7c: {  	[sflag:s25] =	ssyncset.done $0x0  }
0x7d: {  	[sflag:s25] =	ssyncadd.s32 $0xFFFFFB80  }
0x7e: {  	_ =	swait.ge [sflag:s25], $0x800  }
0x7f: {  	[sflag:s25] =	ssyncset.done $0x0  }
0x80: {  	[sflag:s25] =	ssyncadd.s32 $0xFFFFF800  }
0x81: {  	_ =	swait.ge [sflag:s25], $0x800  }
0x82: {  	[sflag:s25] =	ssyncset.done $0x0  }
0x83: {  	[sflag:s25] =	ssyncadd.s32 $0xFFFFF800  }
0x84: {  	_ =	swait.ge [sflag:s25], $0x480  }
0x85: {  	[sflag:s25] =	ssyncset.done $0x0  }
0x86: {  	[sflag:s25] =	ssyncadd.s32 $0xFFFFFB80  }
0x87: {  	_ =	swait.ge [sflag:s25], $0x800  }
0x88: {  	[sflag:s25] =	ssyncset.done $0x0  }
0x89: {  	[sflag:s25] =	ssyncadd.s32 $0xFFFFF800  }
0x8a: {  	_ =	swait.ge [sflag:s25], $0x480  }
0x8b: {  	[sflag:s25] =	ssyncset.done $0x0  }
0x8c: {  	[sflag:s25] =	ssyncadd.s32 $0xFFFFFB80  }
0x8d: {  	_ =	swait.ge [sflag:s25], $0x800  }
0x8e: {  	[sflag:s25] =	ssyncset.done $0x0  }
0x8f: {  	[sflag:s25] =	ssyncadd.s32 $0xFFFFF800  }
0x90: {  	_ =	swait.ge [sflag:s25], $0x480  }
0x91: {  	[sflag:s25] =	ssyncset.done $0x0  }
0x92: {  	[sflag:s25] =	ssyncadd.s32 $0xFFFFFB80  }
0x93: {  	_ =	swait.ge [sflag:s25], $0x800  }
0x94: {  	[sflag:s25] =	ssyncset.done $0x0  }
0x95: {  	[sflag:s25] =	ssyncadd.s32 $0xFFFFF800  }
0x96: {  	_ =	swait.ge [sflag:s25], $0x480  }
0x97: {  	[sflag:s25] =	ssyncset.done $0x0  }
0x98: {  	[sflag:s25] =	ssyncadd.s32 $0xFFFFFB80  }
0x99: {  	[hbm4b:s26+s2] =	stream.linear.scatter [tilespmem:s12], [sflag:$0x2], $0x1900, $0x38;
	[tilespmem:$0x4080] =	vst v63  }
0x9a: {  	_ =	swait.ge [sflag:s3], $0x1900  }
0x9b: {  	[sflag:s3] =	ssyncset.done $0x0  }
0x9c: {  	[sflag:s3] =	ssyncadd.s32 $0xFFFFE700  }
0x9d: {  	[hbm4b:s28+s2] =	stream.linear.scatter [tilespmem:s18], [sflag:$0x2], $0x1900, $0x38;
	[tilespmem:$0x4080] =	vst v63  }
0x9e: {  	_ =	swait.ge [sflag:s3], $0x1900  }
.Ltmp2:
0x9f: {  	[sflag:s3] =	ssyncset.done $0x0;
	(pc) =	sbr.rel @p0 .LBB2_2-.Ltmp2, $4  }
0xa0: {  	[sflag:s3] =	ssyncadd.s32 $0xFFFFE700  }
0xa1: {  	[hbm4b:s29+s2] =	stream.linear.scatter [tilespmem:s23], [sflag:$0x2], $0xC80, $0x38;
	[tilespmem:$0x4080] =	vst v63  }
0xa2: {  	_ =	swait.ge [sflag:s3], $0xC80  }
0xa3: {  	[sflag:s3] =	ssyncset.done $0x0  }
.LBB2_3:
0xa4: {  	[sflag:s3] =	ssyncadd.s32 $0xFFFFF380  }
.LBB2_4:
0xa5: {  	_ =	sfence.sel $0x180000  }
0xa6: {  	[bflag:$0x0] =	sbarrier.arrive $0xFFFF  }
0xa7: {  	p0 =	sne.s32 s1, $0x0;
	_ =	strace $0x90000056  }
0xa8: {  	s0 =	sadd.s32 @!p0 $0x100000, s0;
	[bflag:$0x2] =	sbarrier.arrive $0xFFFF  }
0xa9: {  	[sflag:s0] =	ssyncadd.tile.s32 @!p0 $0x1;
	_ =	shalt  }
.Lfunc_end2:
_tile_overlayer_lowered:
.L_overlay_start_2:
0xaa: {  	(tag) =	ssettag $0x2  }
0xab: {  	s0 =	rddreg [dreg:$0x0];
	s2 =	stileid.u32  }
0xac: {  	s1 =	rddreg [dreg:$0x1];
	p0 =	sne.s32 s2, $0x0  }
0xad: {  	s3 =	rddreg [dreg:$0x2];
	[bflag:$0x3] =	sbarrier.arrive $0xFFFF;
	s2 =	simm.s32 @!p0 $0x1C02  }
0xae: {  	[timem:s3], [sflag:s2] =	dma.local @!p0 [hbm:s0], s1  }
0xaf: {  	s0 =	simm.s32 @!p0 $0x2  }
0xb0: {  	_ =	swait.ge @!p0 [sflag:s0], s1  }
0xb1: {  	s1 =	ssub.s32 @!p0 $0x0, s1;
	[sflag:s0] =	ssyncset.done @!p0 $0x0  }
0xb2: {  	[sflag:s0] =	ssyncadd.s32 @!p0 s1  }
0xb3: {  	[bflag:$0x3] =	sbarrier.arrive $0xFFFF  }
0xb4: {  	_ =	shalt  }

</sc_bundles>
